<compile_context>
chip_gen: v7x
topology: tpu7x:2x2x1
jax: 0.10.2.dev20260603
libtpu: 0.0.44.dev20260713+nightly
codegen_flags: <defaults>
</compile_context>

<pallas_src>
import functools

import jax
import jax.numpy as jnp
from jax import lax
from jax.experimental import pallas as pl
from jax.experimental.pallas import tpu as pltpu
from jax.experimental.pallas import tpu_sc as plsc

_N = 10000
_E = 320000
_D = 128
_TILES = 16
_NSC = 2
_EPT = _E // (_TILES * _NSC)
_CHUNK = 80
_NCHUNK = _EPT // _CHUNK
_ACCPAD = 10240
_RPT = _ACCPAD // _TILES


def _mk_phase(zrows, sidx0, didx0, sidx1, didx1, sidx2, didx2,
              rows0, rows1, rows2, ones_v, gs0, gs1, gs2, isem, acc):
  cid = lax.axis_index("c")
  sid = lax.axis_index("s")
  wid = cid * _TILES + sid

  def phase(src, dst, x, out, gather):
    pltpu.sync_copy(zrows, acc.at[pl.ds(sid * _RPT, _RPT)])
    plsc.subcore_barrier()

    def base(c):
      return wid * _EPT + c * _CHUNK

    if gather:
      pltpu.sync_copy(src.at[pl.ds(base(0), _CHUNK)], sidx0)
      pltpu.sync_copy(dst.at[pl.ds(base(0), _CHUNK)], didx0)
      pltpu.async_copy(x.at[sidx0], rows0, gs0)
      pltpu.sync_copy(src.at[pl.ds(base(1), _CHUNK)], sidx1)
      pltpu.sync_copy(dst.at[pl.ds(base(1), _CHUNK)], didx1)
      pltpu.async_copy(x.at[sidx1], rows1, gs1)

      def triple(i, carry):
        pltpu.sync_copy(src.at[pl.ds(base(3 * i + 2), _CHUNK)], sidx2)
        pltpu.sync_copy(dst.at[pl.ds(base(3 * i + 2), _CHUNK)], didx2)
        pltpu.make_async_copy(x.at[sidx0], rows0, gs0).wait()
        pltpu.async_copy(x.at[sidx2], rows2, gs2)
        pltpu.sync_copy(rows0, acc.at[didx0], add=True)
        pltpu.sync_copy(src.at[pl.ds(base(3 * i + 3), _CHUNK)], sidx0)
        pltpu.sync_copy(dst.at[pl.ds(base(3 * i + 3), _CHUNK)], didx0)
        pltpu.make_async_copy(x.at[sidx1], rows1, gs1).wait()
        pltpu.async_copy(x.at[sidx0], rows0, gs0)
        pltpu.sync_copy(rows1, acc.at[didx1], add=True)
        pltpu.sync_copy(src.at[pl.ds(base(3 * i + 4), _CHUNK)], sidx1)
        pltpu.sync_copy(dst.at[pl.ds(base(3 * i + 4), _CHUNK)], didx1)
        pltpu.make_async_copy(x.at[sidx2], rows2, gs2).wait()
        pltpu.async_copy(x.at[sidx1], rows1, gs1)
        pltpu.sync_copy(rows2, acc.at[didx2], add=True)
        return carry

      lax.fori_loop(0, (_NCHUNK - 2) // 3, triple, 0)
      pltpu.make_async_copy(x.at[sidx0], rows0, gs0).wait()
      pltpu.sync_copy(rows0, acc.at[didx0], add=True)
      pltpu.make_async_copy(x.at[sidx1], rows1, gs1).wait()
      pltpu.sync_copy(rows1, acc.at[didx1], add=True)
    else:
      pltpu.sync_copy(dst.at[pl.ds(base(0), _CHUNK)], didx0)

      def dpair(i, carry):
        a = pltpu.async_copy(dst.at[pl.ds(base(2 * i + 1), _CHUNK)], didx1,
                             isem)
        pltpu.sync_copy(ones_v, acc.at[didx0], add=True)
        a.wait()
        b = pltpu.async_copy(dst.at[pl.ds(base(2 * i + 2), _CHUNK)], didx0,
                             isem)
        pltpu.sync_copy(ones_v, acc.at[didx1], add=True)
        b.wait()
        return carry

      lax.fori_loop(0, (_NCHUNK - 1) // 2, dpair, 0)
      pltpu.sync_copy(ones_v, acc.at[didx0], add=True)

    plsc.subcore_barrier()
    pltpu.sync_copy(acc.at[pl.ds(sid * _RPT, _RPT)],
                    out.at[cid, pl.ds(sid * _RPT, _RPT)])

  return phase


def _sc_body_l1(src_a, dst_a, x_a, src_b, dst_b, x_b, zrows, ones,
                msum_a, msum_b, deg_a, deg_b,
                sidx0, didx0, sidx1, didx1, sidx2, didx2,
                rows0, rows1, rows2, ones_v, gs0, gs1, gs2, isem, acc):
  pltpu.sync_copy(ones, ones_v)
  phase = _mk_phase(zrows, sidx0, didx0, sidx1, didx1, sidx2, didx2,
                    rows0, rows1, rows2, ones_v, gs0, gs1, gs2, isem, acc)
  phase(src_a, dst_a, x_a, msum_a, True)
  phase(src_b, dst_b, x_b, msum_b, True)
  phase(src_a, dst_a, x_a, deg_a, False)
  phase(src_b, dst_b, x_b, deg_b, False)


def _sc_body_single(src, dst, x, zrows, msum,
                    sidx0, didx0, sidx1, didx1, sidx2, didx2,
                    rows0, rows1, rows2, ones_v, gs0, gs1, gs2, isem, acc):
  phase = _mk_phase(zrows, sidx0, didx0, sidx1, didx1, sidx2, didx2,
                    rows0, rows1, rows2, ones_v, gs0, gs1, gs2, isem, acc)
  phase(src, dst, x, msum, True)


def _make_sc_call(with_deg):
  mesh = plsc.VectorSubcoreMesh(core_axis_name="c", subcore_axis_name="s")
  f32 = jnp.float32
  n_out = 4 if with_deg else 1
  out_type = [jax.ShapeDtypeStruct((_NSC, _ACCPAD, _D), f32)] * n_out
  scratch = [
      pltpu.VMEM((_CHUNK,), jnp.int32),
      pltpu.VMEM((_CHUNK,), jnp.int32),
      pltpu.VMEM((_CHUNK,), jnp.int32),
      pltpu.VMEM((_CHUNK,), jnp.int32),
      pltpu.VMEM((_CHUNK,), jnp.int32),
      pltpu.VMEM((_CHUNK,), jnp.int32),
      pltpu.VMEM((_CHUNK, _D), f32),
      pltpu.VMEM((_CHUNK, _D), f32),
      pltpu.VMEM((_CHUNK, _D), f32),
      pltpu.VMEM((_CHUNK, _D), f32),
      pltpu.SemaphoreType.DMA,
      pltpu.SemaphoreType.DMA,
      pltpu.SemaphoreType.DMA,
      pltpu.SemaphoreType.DMA,
      pltpu.VMEM_SHARED((_ACCPAD, _D), f32),
  ]
  body = _sc_body_l1 if with_deg else _sc_body_single
  return pl.kernel(body, out_type=out_type, mesh=mesh, scratch_types=scratch)


def _tc_body(relu, x_ref, p0_ref, p1_ref, d0_ref, d1_ref, ws_ref, wn_ref,
             b_ref, o_ref):
  deg = d0_ref[0] + d1_ref[0]
  mean = (p0_ref[0] + p1_ref[0]) / jnp.maximum(deg, 1.0)
  h = jnp.dot(x_ref[...], ws_ref[...], preferred_element_type=jnp.float32)
  h = h + jnp.dot(mean, wn_ref[...], preferred_element_type=jnp.float32)
  h = h + b_ref[...]
  if relu:
    h = jnp.where(h > 0, h, 0.01 * h)
  o_ref[...] = h


_TC_BLK = 1000


def _make_tc_call(relu):
  grid = (_N // _TC_BLK,)
  part = lambda c: pl.BlockSpec((1, _TC_BLK, _D), lambda i, c=c: (c, i, 0))
  return pl.pallas_call(
      functools.partial(_tc_body, relu),
      grid=grid,
      in_specs=[
          pl.BlockSpec((_TC_BLK, _D), lambda i: (i, 0)),
          part(0), part(1), part(0), part(1),
          pl.BlockSpec((_D, _D), lambda i: (0, 0)),
          pl.BlockSpec((_D, _D), lambda i: (0, 0)),
          pl.BlockSpec((1, _D), lambda i: (0, 0)),
      ],
      out_specs=pl.BlockSpec((_TC_BLK, _D), lambda i: (i, 0)),
      out_shape=jax.ShapeDtypeStruct((_N, _D), jnp.float32),
  )


def _tc_body_cat(x_ref, p0_ref, p1_ref, d0_ref, d1_ref, ws_ref, wn_ref,
                 b_ref, *rest):
  o_ref = rest[-1]
  _tc_body(False, x_ref, p0_ref, p1_ref, d0_ref, d1_ref, ws_ref, wn_ref,
           b_ref, o_ref)


def _make_tc_call_cat(half, carry):
  grid = (_N // _TC_BLK,)
  part = lambda c: pl.BlockSpec((1, _TC_BLK, _D), lambda i, c=c: (c, i, 0))
  off = half * (_N // _TC_BLK)
  in_specs = [
      pl.BlockSpec((_TC_BLK, _D), lambda i: (i, 0)),
      part(0), part(1), part(0), part(1),
      pl.BlockSpec((_D, _D), lambda i: (0, 0)),
      pl.BlockSpec((_D, _D), lambda i: (0, 0)),
      pl.BlockSpec((1, _D), lambda i: (0, 0)),
  ]
  if carry:
    in_specs.append(
        pl.BlockSpec((_TC_BLK, _D), lambda i, off=off: (i + off, 0)))
  return pl.pallas_call(
      _tc_body_cat,
      grid=grid,
      in_specs=in_specs,
      out_specs=pl.BlockSpec((_TC_BLK, _D), lambda i, off=off: (i + off, 0)),
      out_shape=jax.ShapeDtypeStruct((2 * _N, _D), jnp.float32),
      input_output_aliases={8: 0} if carry else {},
  )


def kernel(edge_index_buys, edge_index_rev_buys, emb_user, emb_item,
           w1_self_buys, w1_neigh_buys, b1_buys,
           w1_self_rev, w1_neigh_rev, b1_rev,
           w2_self_buys, w2_neigh_buys, b2_buys,
           w2_self_rev, w2_neigh_rev, b2_rev):
  f32 = jnp.float32
  src_b, dst_b = edge_index_buys[0], edge_index_buys[1]
  src_r, dst_r = edge_index_rev_buys[0], edge_index_rev_buys[1]
  zrows = jnp.zeros((_RPT, _D), f32)
  ones = jnp.ones((_CHUNK, _D), f32)

  sc1 = _make_sc_call(True)
  msum1_i, msum1_u, degp_i, degp_u = sc1(
      src_b, dst_b, emb_user, src_r, dst_r, emb_item, zrows, ones)

  tc_relu = _make_tc_call(True)
  sc2 = _make_sc_call(False)

  h1_user = tc_relu(emb_user, msum1_u, msum1_u, degp_u, degp_u,
                    w1_self_rev.T, w1_neigh_rev.T, b1_rev[None, :])
  msum2_i, = sc2(src_b, dst_b, h1_user, zrows)
  h1_item = tc_relu(emb_item, msum1_i, msum1_i, degp_i, degp_i,
                    w1_self_buys.T, w1_neigh_buys.T, b1_buys[None, :])
  msum2_u, = sc2(src_r, dst_r, h1_item, zrows)
  buf = _make_tc_call_cat(1, False)(
      h1_item, msum2_i, msum2_i, degp_i, degp_i,
      w2_self_buys.T, w2_neigh_buys.T, b2_buys[None, :])
  return _make_tc_call_cat(0, True)(
      h1_user, msum2_u, msum2_u, degp_u, degp_u,
      w2_self_rev.T, w2_neigh_rev.T, b2_rev[None, :], buf)

# --- scband reference (transcript-rebuilt; emitter-appended) ---
"""Pipeline reference for scband-hetero-sage-51711406244228 (READ-ONLY COPY).

The authoritative reference and input builder live on the scoring server;
editing this copy changes nothing except your own understanding.
"""

import jax, jax.numpy as jnp
import numpy as np

N_USER = 10000
N_ITEM = 10000
E = 320000
IN = 128
H = 128
OUT = 128


def setup_inputs(seed: int = 0) -> dict:
    key = jax.random.key(seed)
    ks = jax.random.split(key, 20)
    inp = {}
    # graph structure (row 0 = src, row 1 = dst)
    inp["edge_index_buys"] = jax.random.randint(ks[0], (2, E), 0, N_USER, dtype=jnp.int32)
    inp["edge_index_rev_buys"] = jax.random.randint(ks[1], (2, E), 0, N_ITEM, dtype=jnp.int32)
    # learned node embeddings (x_dict=None path uses embedding weights directly)
    inp["emb_user"] = jax.random.normal(ks[2], (N_USER, IN), dtype=jnp.float32)
    inp["emb_item"] = jax.random.normal(ks[3], (N_ITEM, IN), dtype=jnp.float32)
    # conv1 SAGEConv params per etype (DGL SAGEConv mean: fc_self, fc_neigh, bias)
    inp["w1_self_buys"] = jax.random.normal(ks[4], (H, IN), dtype=jnp.float32) * 0.05
    inp["w1_neigh_buys"] = jax.random.normal(ks[5], (H, IN), dtype=jnp.float32) * 0.05
    inp["b1_buys"] = jnp.zeros((H,), dtype=jnp.float32)
    inp["w1_self_rev"] = jax.random.normal(ks[6], (H, IN), dtype=jnp.float32) * 0.05
    inp["w1_neigh_rev"] = jax.random.normal(ks[7], (H, IN), dtype=jnp.float32) * 0.05
    inp["b1_rev"] = jnp.zeros((H,), dtype=jnp.float32)
    # conv2 params per etype
    inp["w2_self_buys"] = jax.random.normal(ks[8], (OUT, H), dtype=jnp.float32) * 0.05
    inp["w2_neigh_buys"] = jax.random.normal(ks[9], (OUT, H), dtype=jnp.float32) * 0.05
    inp["b2_buys"] = jnp.zeros((OUT,), dtype=jnp.float32)
    inp["w2_self_rev"] = jax.random.normal(ks[10], (OUT, H), dtype=jnp.float32) * 0.05
    inp["w2_neigh_rev"] = jax.random.normal(ks[11], (OUT, H), dtype=jnp.float32) * 0.05
    inp["b2_rev"] = jnp.zeros((OUT,), dtype=jnp.float32)
    return inp


def _sage_mean(x_src, x_dst, src, dst, w_self, w_neigh, b, num_dst):
    # DGL SAGEConv 'mean': rst = fc_self(h_dst) + fc_neigh(mean_{u in N(v)} h_u) + bias
    gathered = x_src[src]
    msum = jax.ops.segment_sum(gathered, dst, num_segments=num_dst)
    deg = jax.ops.segment_sum(jnp.ones((src.shape[0],), dtype=x_src.dtype), dst, num_segments=num_dst)
    mean = jnp.where(deg[:, None] > 0, msum / jnp.maximum(deg, 1.0)[:, None], 0.0)
    return x_dst @ w_self.T + mean @ w_neigh.T + b


def reference(edge_index_buys, edge_index_rev_buys, emb_user, emb_item,
              w1_self_buys, w1_neigh_buys, b1_buys,
              w1_self_rev, w1_neigh_rev, b1_rev,
              w2_self_buys, w2_neigh_buys, b2_buys,
              w2_self_rev, w2_neigh_rev, b2_rev):
    buys_src, buys_dst = edge_index_buys[0], edge_index_buys[1]
    rev_src, rev_dst = edge_index_rev_buys[0], edge_index_rev_buys[1]
    # layer 1 (HeteroGraphConv, aggregate='sum'; each dst ntype has one contributing etype)
    h1_item = _sage_mean(emb_user, emb_item, buys_src, buys_dst, w1_self_buys, w1_neigh_buys, b1_buys, N_ITEM)
    h1_user = _sage_mean(emb_item, emb_user, rev_src, rev_dst, w1_self_rev, w1_neigh_rev, b1_rev, N_USER)
    h1_item = jax.nn.leaky_relu(h1_item, negative_slope=0.01)
    h1_user = jax.nn.leaky_relu(h1_user, negative_slope=0.01)
    # layer 2
    h2_item = _sage_mean(h1_user, h1_item, buys_src, buys_dst, w2_self_buys, w2_neigh_buys, b2_buys, N_ITEM)
    h2_user = _sage_mean(h1_item, h1_user, rev_src, rev_dst, w2_self_rev, w2_neigh_rev, b2_rev, N_USER)
    # return per-ntype outputs stacked: rows [0:N_USER] = user, [N_USER:] = item
    return jnp.concatenate([h2_user, h2_item], axis=0)

if __name__ == "__main__":
    import jax
    _d = setup_inputs()
    print(jax.jit(kernel)(*tuple(_d.values())))

</pallas_src>

<mosaic_0001>
#map = affine_map<(d0, d1) -> (0)>
#map1 = affine_map<(d0, d1) -> (0, 0)>
#map2 = affine_map<(d0, d1) -> (0, 0, 0)>
module attributes {stable_mosaic.version = 14 : i64} {
  func.func @_sc_body_single(%arg0: i32, %arg1: i32, %arg2: memref<320000xi32, #tpu.memory_space<hbm>>, %arg3: memref<320000xi32, #tpu.memory_space<hbm>>, %arg4: memref<10000x128xf32, #tpu.memory_space<hbm>>, %arg5: memref<640x128xf32, #tpu.memory_space<hbm>>, %arg6: memref<2x10240x128xf32, #tpu.memory_space<hbm>>, %arg7: memref<80xi32, #tpu.memory_space<vmem>>, %arg8: memref<80xi32, #tpu.memory_space<vmem>>, %arg9: memref<80xi32, #tpu.memory_space<vmem>>, %arg10: memref<80xi32, #tpu.memory_space<vmem>>, %arg11: memref<80xi32, #tpu.memory_space<vmem>>, %arg12: memref<80xi32, #tpu.memory_space<vmem>>, %arg13: memref<80x128xf32, #tpu.memory_space<vmem>>, %arg14: memref<80x128xf32, #tpu.memory_space<vmem>>, %arg15: memref<80x128xf32, #tpu.memory_space<vmem>>, %arg16: memref<80x128xf32, #tpu.memory_space<vmem>>, %arg17: memref<!tpu.dma_semaphore, #tpu.memory_space<semaphore_mem>>, %arg18: memref<!tpu.dma_semaphore, #tpu.memory_space<semaphore_mem>>, %arg19: memref<!tpu.dma_semaphore, #tpu.memory_space<semaphore_mem>>, %arg20: memref<!tpu.dma_semaphore, #tpu.memory_space<semaphore_mem>>, %arg21: memref<10240x128xf32, #tpu.memory_space<vmem_shared>>) attributes {dimension_semantics = [#tpu.dimension_semantics<core_parallel>, #tpu.dimension_semantics<subcore_parallel>], iteration_bounds = array<i64: 2, 16>, scalar_prefetch = 0 : i64, scratch_operands = 15 : i64, tpu.core_type = #tpu.core_type<sc_vector_subcore>, window_params = [{transform_indices = #map}, {transform_indices = #map}, {transform_indices = #map1}, {transform_indices = #map1}, {transform_indices = #map2}]} {
    %mul3A = arith.constant 16 : i32
    %mul3A_0 = arith.muli %arg0, %mul3A : i32
    %add3A = arith.addi %mul3A_0, %arg1 : i32
    %mul3A_1 = arith.constant 640 : i32
    %mul3A_2 = arith.muli %arg1, %mul3A_1 : i32
    "tpu.region"() ({
      %run_scoped3A = tpu.sem_alloc : memref<!tpu.dma_semaphore, #tpu.memory_space<semaphore_mem>>
      %dma_start3A_39 = arith.constant 0 : i32
      %dma_start3A_40 = tpu.memref_slice %arg21[%mul3A_2, %dma_start3A_39] : memref<10240x128xf32, #tpu.memory_space<vmem_shared>> -> memref<640x128xf32, #tpu.memory_space<vmem_shared>>
      tpu.enqueue_dma source(%arg5 : memref<640x128xf32, #tpu.memory_space<hbm>>) target(%dma_start3A_40 : memref<640x128xf32, #tpu.memory_space<vmem_shared>>) target_semaphore(%run_scoped3A : memref<!tpu.dma_semaphore, #tpu.memory_space<semaphore_mem>>)
      %dma_wait3A_41 = arith.constant 0 : i32
      %dma_wait3A_42 = tpu.memref_slice %arg21[%mul3A_2, %dma_wait3A_41] : memref<10240x128xf32, #tpu.memory_space<vmem_shared>> -> memref<640x128xf32, #tpu.memory_space<vmem_shared>>
      tpu.wait_dma2 semaphore(%run_scoped3A : memref<!tpu.dma_semaphore, #tpu.memory_space<semaphore_mem>>) src(%arg5 : memref<640x128xf32, #tpu.memory_space<hbm>>) dst(%dma_wait3A_42 : memref<640x128xf32, #tpu.memory_space<vmem_shared>>)
      tpu.yield
    }) : () -> ()
    %barrier3A = arith.constant 0 : index
    tpu.barrier barrier_id(%barrier3A)
    %mul3A_3 = arith.constant 10000 : i32
    %mul3A_4 = arith.muli %add3A, %mul3A_3 : i32
    %add3A_5 = arith.constant 0 : i32
    %add3A_6 = arith.addi %mul3A_4, %add3A_5 : i32
    "tpu.region"() ({
      %run_scoped3A = tpu.sem_alloc : memref<!tpu.dma_semaphore, #tpu.memory_space<semaphore_mem>>
      %dma_start3A_39 = tpu.memref_slice %arg2[%add3A_6] : memref<320000xi32, #tpu.memory_space<hbm>> -> memref<80xi32, #tpu.memory_space<hbm>>
      %dma_start3A_40 = tpu.memref_slice %arg2[%add3A_6] : memref<320000xi32, #tpu.memory_space<hbm>> -> memref<80xi32, #tpu.memory_space<hbm>>
      tpu.enqueue_dma source(%dma_start3A_40 : memref<80xi32, #tpu.memory_space<hbm>>) target(%arg7 : memref<80xi32, #tpu.memory_space<vmem>>) target_semaphore(%run_scoped3A : memref<!tpu.dma_semaphore, #tpu.memory_space<semaphore_mem>>)
      %dma_wait3A_41 = tpu.memref_slice %arg2[%add3A_6] : memref<320000xi32, #tpu.memory_space<hbm>> -> memref<80xi32, #tpu.memory_space<hbm>>
      %dma_wait3A_42 = tpu.memref_slice %arg2[%add3A_6] : memref<320000xi32, #tpu.memory_space<hbm>> -> memref<80xi32, #tpu.memory_space<hbm>>
      tpu.wait_dma2 semaphore(%run_scoped3A : memref<!tpu.dma_semaphore, #tpu.memory_space<semaphore_mem>>) src(%dma_wait3A_42 : memref<80xi32, #tpu.memory_space<hbm>>) dst(%arg7 : memref<80xi32, #tpu.memory_space<vmem>>)
      tpu.yield
    }) : () -> ()
    %mul3A_7 = arith.constant 10000 : i32
    %mul3A_8 = arith.muli %add3A, %mul3A_7 : i32
    %add3A_9 = arith.constant 0 : i32
    %add3A_10 = arith.addi %mul3A_8, %add3A_9 : i32
    "tpu.region"() ({
      %run_scoped3A = tpu.sem_alloc : memref<!tpu.dma_semaphore, #tpu.memory_space<semaphore_mem>>
      %dma_start3A_39 = tpu.memref_slice %arg3[%add3A_10] : memref<320000xi32, #tpu.memory_space<hbm>> -> memref<80xi32, #tpu.memory_space<hbm>>
      %dma_start3A_40 = tpu.memref_slice %arg3[%add3A_10] : memref<320000xi32, #tpu.memory_space<hbm>> -> memref<80xi32, #tpu.memory_space<hbm>>
      tpu.enqueue_dma source(%dma_start3A_40 : memref<80xi32, #tpu.memory_space<hbm>>) target(%arg8 : memref<80xi32, #tpu.memory_space<vmem>>) target_semaphore(%run_scoped3A : memref<!tpu.dma_semaphore, #tpu.memory_space<semaphore_mem>>)
      %dma_wait3A_41 = tpu.memref_slice %arg3[%add3A_10] : memref<320000xi32, #tpu.memory_space<hbm>> -> memref<80xi32, #tpu.memory_space<hbm>>
      %dma_wait3A_42 = tpu.memref_slice %arg3[%add3A_10] : memref<320000xi32, #tpu.memory_space<hbm>> -> memref<80xi32, #tpu.memory_space<hbm>>
      tpu.wait_dma2 semaphore(%run_scoped3A : memref<!tpu.dma_semaphore, #tpu.memory_space<semaphore_mem>>) src(%dma_wait3A_42 : memref<80xi32, #tpu.memory_space<hbm>>) dst(%arg8 : memref<80xi32, #tpu.memory_space<vmem>>)
      tpu.yield
    }) : () -> ()
    %dma_start3A = arith.constant 0 : i32
    %dma_start3A_11 = arith.constant 0 : i32
    %dma_start3A_12 = tpu.memref_slice %arg4[%dma_start3A, %dma_start3A_11] : memref<10000x128xf32, #tpu.memory_space<hbm>> -> memref<10000x128xf32, #tpu.memory_space<hbm>>
    tpu.enqueue_indirect_dma source(%dma_start3A_12 : memref<10000x128xf32, #tpu.memory_space<hbm>>) target(%arg13 : memref<80x128xf32, #tpu.memory_space<vmem>>) offsets(%arg7 : memref<80xi32, #tpu.memory_space<vmem>>) semaphore(%arg17 : memref<!tpu.dma_semaphore, #tpu.memory_space<semaphore_mem>>)
    %mul3A_13 = arith.constant 10000 : i32
    %mul3A_14 = arith.muli %add3A, %mul3A_13 : i32
    %add3A_15 = arith.constant 80 : i32
    %add3A_16 = arith.addi %mul3A_14, %add3A_15 : i32
    "tpu.region"() ({
      %run_scoped3A = tpu.sem_alloc : memref<!tpu.dma_semaphore, #tpu.memory_space<semaphore_mem>>
      %dma_start3A_39 = tpu.memref_slice %arg2[%add3A_16] : memref<320000xi32, #tpu.memory_space<hbm>> -> memref<80xi32, #tpu.memory_space<hbm>>
      %dma_start3A_40 = tpu.memref_slice %arg2[%add3A_16] : memref<320000xi32, #tpu.memory_space<hbm>> -> memref<80xi32, #tpu.memory_space<hbm>>
      tpu.enqueue_dma source(%dma_start3A_40 : memref<80xi32, #tpu.memory_space<hbm>>) target(%arg9 : memref<80xi32, #tpu.memory_space<vmem>>) target_semaphore(%run_scoped3A : memref<!tpu.dma_semaphore, #tpu.memory_space<semaphore_mem>>)
      %dma_wait3A_41 = tpu.memref_slice %arg2[%add3A_16] : memref<320000xi32, #tpu.memory_space<hbm>> -> memref<80xi32, #tpu.memory_space<hbm>>
      %dma_wait3A_42 = tpu.memref_slice %arg2[%add3A_16] : memref<320000xi32, #tpu.memory_space<hbm>> -> memref<80xi32, #tpu.memory_space<hbm>>
      tpu.wait_dma2 semaphore(%run_scoped3A : memref<!tpu.dma_semaphore, #tpu.memory_space<semaphore_mem>>) src(%dma_wait3A_42 : memref<80xi32, #tpu.memory_space<hbm>>) dst(%arg9 : memref<80xi32, #tpu.memory_space<vmem>>)
      tpu.yield
    }) : () -> ()
    %mul3A_17 = arith.constant 10000 : i32
    %mul3A_18 = arith.muli %add3A, %mul3A_17 : i32
    %add3A_19 = arith.constant 80 : i32
    %add3A_20 = arith.addi %mul3A_18, %add3A_19 : i32
    "tpu.region"() ({
      %run_scoped3A = tpu.sem_alloc : memref<!tpu.dma_semaphore, #tpu.memory_space<semaphore_mem>>
      %dma_start3A_39 = tpu.memref_slice %arg3[%add3A_20] : memref<320000xi32, #tpu.memory_space<hbm>> -> memref<80xi32, #tpu.memory_space<hbm>>
      %dma_start3A_40 = tpu.memref_slice %arg3[%add3A_20] : memref<320000xi32, #tpu.memory_space<hbm>> -> memref<80xi32, #tpu.memory_space<hbm>>
      tpu.enqueue_dma source(%dma_start3A_40 : memref<80xi32, #tpu.memory_space<hbm>>) target(%arg10 : memref<80xi32, #tpu.memory_space<vmem>>) target_semaphore(%run_scoped3A : memref<!tpu.dma_semaphore, #tpu.memory_space<semaphore_mem>>)
      %dma_wait3A_41 = tpu.memref_slice %arg3[%add3A_20] : memref<320000xi32, #tpu.memory_space<hbm>> -> memref<80xi32, #tpu.memory_space<hbm>>
      %dma_wait3A_42 = tpu.memref_slice %arg3[%add3A_20] : memref<320000xi32, #tpu.memory_space<hbm>> -> memref<80xi32, #tpu.memory_space<hbm>>
      tpu.wait_dma2 semaphore(%run_scoped3A : memref<!tpu.dma_semaphore, #tpu.memory_space<semaphore_mem>>) src(%dma_wait3A_42 : memref<80xi32, #tpu.memory_space<hbm>>) dst(%arg10 : memref<80xi32, #tpu.memory_space<vmem>>)
      tpu.yield
    }) : () -> ()
    %dma_start3A_21 = arith.constant 0 : i32
    %dma_start3A_22 = arith.constant 0 : i32
    %dma_start3A_23 = tpu.memref_slice %arg4[%dma_start3A_21, %dma_start3A_22] : memref<10000x128xf32, #tpu.memory_space<hbm>> -> memref<10000x128xf32, #tpu.memory_space<hbm>>
    tpu.enqueue_indirect_dma source(%dma_start3A_23 : memref<10000x128xf32, #tpu.memory_space<hbm>>) target(%arg14 : memref<80x128xf32, #tpu.memory_space<vmem>>) offsets(%arg9 : memref<80xi32, #tpu.memory_space<vmem>>) semaphore(%arg18 : memref<!tpu.dma_semaphore, #tpu.memory_space<semaphore_mem>>)
    %scan3A = arith.constant 0 : i32
    %scan3A_24 = arith.constant 0 : i32
    %scan3A_25 = arith.constant 41 : i32
    %scan3A_26 = arith.addi %scan3A_24, %scan3A_25 : i32
    %scan3A_27 = arith.constant 1 : i32
    scf.for %scan3A_39 = %scan3A_24 to %scan3A_26 step %scan3A_27  : i32 {
      %mul3A_40 = arith.constant 3 : i32
      %mul3A_41 = arith.muli %mul3A_40, %scan3A_39 : i32
      %add3A_42 = arith.constant 2 : i32
      %add3A_43 = arith.addi %mul3A_41, %add3A_42 : i32
      %mul3A_44 = arith.constant 10000 : i32
      %mul3A_45 = arith.muli %add3A, %mul3A_44 : i32
      %mul3A_46 = arith.constant 80 : i32
      %mul3A_47 = arith.muli %add3A_43, %mul3A_46 : i32
      %add3A_48 = arith.addi %mul3A_45, %mul3A_47 : i32
      "tpu.region"() ({
        %run_scoped3A = tpu.sem_alloc : memref<!tpu.dma_semaphore, #tpu.memory_space<semaphore_mem>>
        %dma_start3A_112 = tpu.memref_slice %arg2[%add3A_48] : memref<320000xi32, #tpu.memory_space<hbm>> -> memref<80xi32, #tpu.memory_space<hbm>>
        %dma_start3A_113 = tpu.memref_slice %arg2[%add3A_48] : memref<320000xi32, #tpu.memory_space<hbm>> -> memref<80xi32, #tpu.memory_space<hbm>>
        tpu.enqueue_dma source(%dma_start3A_113 : memref<80xi32, #tpu.memory_space<hbm>>) target(%arg11 : memref<80xi32, #tpu.memory_space<vmem>>) target_semaphore(%run_scoped3A : memref<!tpu.dma_semaphore, #tpu.memory_space<semaphore_mem>>)
        %dma_wait3A_114 = tpu.memref_slice %arg2[%add3A_48] : memref<320000xi32, #tpu.memory_space<hbm>> -> memref<80xi32, #tpu.memory_space<hbm>>
        %dma_wait3A_115 = tpu.memref_slice %arg2[%add3A_48] : memref<320000xi32, #tpu.memory_space<hbm>> -> memref<80xi32, #tpu.memory_space<hbm>>
        tpu.wait_dma2 semaphore(%run_scoped3A : memref<!tpu.dma_semaphore, #tpu.memory_space<semaphore_mem>>) src(%dma_wait3A_115 : memref<80xi32, #tpu.memory_space<hbm>>) dst(%arg11 : memref<80xi32, #tpu.memory_space<vmem>>)
        tpu.yield
      }) : () -> ()
      %mul3A_49 = arith.constant 3 : i32
      %mul3A_50 = arith.muli %mul3A_49, %scan3A_39 : i32
      %add3A_51 = arith.constant 2 : i32
      %add3A_52 = arith.addi %mul3A_50, %add3A_51 : i32
      %mul3A_53 = arith.constant 10000 : i32
      %mul3A_54 = arith.muli %add3A, %mul3A_53 : i32
      %mul3A_55 = arith.constant 80 : i32
      %mul3A_56 = arith.muli %add3A_52, %mul3A_55 : i32
      %add3A_57 = arith.addi %mul3A_54, %mul3A_56 : i32
      "tpu.region"() ({
        %run_scoped3A = tpu.sem_alloc : memref<!tpu.dma_semaphore, #tpu.memory_space<semaphore_mem>>
        %dma_start3A_112 = tpu.memref_slice %arg3[%add3A_57] : memref<320000xi32, #tpu.memory_space<hbm>> -> memref<80xi32, #tpu.memory_space<hbm>>
        %dma_start3A_113 = tpu.memref_slice %arg3[%add3A_57] : memref<320000xi32, #tpu.memory_space<hbm>> -> memref<80xi32, #tpu.memory_space<hbm>>
        tpu.enqueue_dma source(%dma_start3A_113 : memref<80xi32, #tpu.memory_space<hbm>>) target(%arg12 : memref<80xi32, #tpu.memory_space<vmem>>) target_semaphore(%run_scoped3A : memref<!tpu.dma_semaphore, #tpu.memory_space<semaphore_mem>>)
        %dma_wait3A_114 = tpu.memref_slice %arg3[%add3A_57] : memref<320000xi32, #tpu.memory_space<hbm>> -> memref<80xi32, #tpu.memory_space<hbm>>
        %dma_wait3A_115 = tpu.memref_slice %arg3[%add3A_57] : memref<320000xi32, #tpu.memory_space<hbm>> -> memref<80xi32, #tpu.memory_space<hbm>>
        tpu.wait_dma2 semaphore(%run_scoped3A : memref<!tpu.dma_semaphore, #tpu.memory_space<semaphore_mem>>) src(%dma_wait3A_115 : memref<80xi32, #tpu.memory_space<hbm>>) dst(%arg12 : memref<80xi32, #tpu.memory_space<vmem>>)
        tpu.yield
      }) : () -> ()
      %dma_wait3A_58 = arith.constant 0 : i32
      %dma_wait3A_59 = arith.constant 0 : i32
      %dma_wait3A_60 = tpu.memref_slice %arg4[%dma_wait3A_58, %dma_wait3A_59] : memref<10000x128xf32, #tpu.memory_space<hbm>> -> memref<10000x128xf32, #tpu.memory_space<hbm>>
      tpu.wait_indirect_dma semaphore(%arg17 : memref<!tpu.dma_semaphore, #tpu.memory_space<semaphore_mem>>) src(%dma_wait3A_60 : memref<10000x128xf32, #tpu.memory_space<hbm>>) dst(%arg13 : memref<80x128xf32, #tpu.memory_space<vmem>>)
      %dma_start3A_61 = arith.constant 0 : i32
      %dma_start3A_62 = arith.constant 0 : i32
      %dma_start3A_63 = tpu.memref_slice %arg4[%dma_start3A_61, %dma_start3A_62] : memref<10000x128xf32, #tpu.memory_space<hbm>> -> memref<10000x128xf32, #tpu.memory_space<hbm>>
      tpu.enqueue_indirect_dma source(%dma_start3A_63 : memref<10000x128xf32, #tpu.memory_space<hbm>>) target(%arg15 : memref<80x128xf32, #tpu.memory_space<vmem>>) offsets(%arg11 : memref<80xi32, #tpu.memory_space<vmem>>) semaphore(%arg19 : memref<!tpu.dma_semaphore, #tpu.memory_space<semaphore_mem>>)
      "tpu.region"() ({
        %run_scoped3A = tpu.sem_alloc : memref<!tpu.dma_semaphore, #tpu.memory_space<semaphore_mem>>
        %dma_start3A_112 = arith.constant 0 : i32
        %dma_start3A_113 = arith.constant 0 : i32
        %dma_start3A_114 = tpu.memref_slice %arg21[%dma_start3A_112, %dma_start3A_113] : memref<10240x128xf32, #tpu.memory_space<vmem_shared>> -> memref<10240x128xf32, #tpu.memory_space<vmem_shared>>
        tpu.enqueue_indirect_dma source(%arg13 : memref<80x128xf32, #tpu.memory_space<vmem>>) target(%dma_start3A_114 : memref<10240x128xf32, #tpu.memory_space<vmem_shared>>) offsets(%arg8 : memref<80xi32, #tpu.memory_space<vmem>>) semaphore(%run_scoped3A : memref<!tpu.dma_semaphore, #tpu.memory_space<semaphore_mem>>) {add = true}
        %dma_wait3A_115 = arith.constant 0 : i32
        %dma_wait3A_116 = arith.constant 0 : i32
        %dma_wait3A_117 = tpu.memref_slice %arg21[%dma_wait3A_115, %dma_wait3A_116] : memref<10240x128xf32, #tpu.memory_space<vmem_shared>> -> memref<10240x128xf32, #tpu.memory_space<vmem_shared>>
        tpu.wait_indirect_dma semaphore(%run_scoped3A : memref<!tpu.dma_semaphore, #tpu.memory_space<semaphore_mem>>) src(%arg13 : memref<80x128xf32, #tpu.memory_space<vmem>>) dst(%dma_wait3A_117 : memref<10240x128xf32, #tpu.memory_space<vmem_shared>>)
        tpu.yield
      }) : () -> ()
      %mul3A_64 = arith.constant 3 : i32
      %mul3A_65 = arith.muli %mul3A_64, %scan3A_39 : i32
      %add3A_66 = arith.constant 3 : i32
      %add3A_67 = arith.addi %mul3A_65, %add3A_66 : i32
      %mul3A_68 = arith.constant 10000 : i32
      %mul3A_69 = arith.muli %add3A, %mul3A_68 : i32
      %mul3A_70 = arith.constant 80 : i32
      %mul3A_71 = arith.muli %add3A_67, %mul3A_70 : i32
      %add3A_72 = arith.addi %mul3A_69, %mul3A_71 : i32
      "tpu.region"() ({
        %run_scoped3A = tpu.sem_alloc : memref<!tpu.dma_semaphore, #tpu.memory_space<semaphore_mem>>
        %dma_start3A_112 = tpu.memref_slice %arg2[%add3A_72] : memref<320000xi32, #tpu.memory_space<hbm>> -> memref<80xi32, #tpu.memory_space<hbm>>
        %dma_start3A_113 = tpu.memref_slice %arg2[%add3A_72] : memref<320000xi32, #tpu.memory_space<hbm>> -> memref<80xi32, #tpu.memory_space<hbm>>
        tpu.enqueue_dma source(%dma_start3A_113 : memref<80xi32, #tpu.memory_space<hbm>>) target(%arg7 : memref<80xi32, #tpu.memory_space<vmem>>) target_semaphore(%run_scoped3A : memref<!tpu.dma_semaphore, #tpu.memory_space<semaphore_mem>>)
        %dma_wait3A_114 = tpu.memref_slice %arg2[%add3A_72] : memref<320000xi32, #tpu.memory_space<hbm>> -> memref<80xi32, #tpu.memory_space<hbm>>
        %dma_wait3A_115 = tpu.memref_slice %arg2[%add3A_72] : memref<320000xi32, #tpu.memory_space<hbm>> -> memref<80xi32, #tpu.memory_space<hbm>>
        tpu.wait_dma2 semaphore(%run_scoped3A : memref<!tpu.dma_semaphore, #tpu.memory_space<semaphore_mem>>) src(%dma_wait3A_115 : memref<80xi32, #tpu.memory_space<hbm>>) dst(%arg7 : memref<80xi32, #tpu.memory_space<vmem>>)
        tpu.yield
      }) : () -> ()
      %mul3A_73 = arith.constant 3 : i32
      %mul3A_74 = arith.muli %mul3A_73, %scan3A_39 : i32
      %add3A_75 = arith.constant 3 : i32
      %add3A_76 = arith.addi %mul3A_74, %add3A_75 : i32
      %mul3A_77 = arith.constant 10000 : i32
      %mul3A_78 = arith.muli %add3A, %mul3A_77 : i32
      %mul3A_79 = arith.constant 80 : i32
      %mul3A_80 = arith.muli %add3A_76, %mul3A_79 : i32
      %add3A_81 = arith.addi %mul3A_78, %mul3A_80 : i32
      "tpu.region"() ({
        %run_scoped3A = tpu.sem_alloc : memref<!tpu.dma_semaphore, #tpu.memory_space<semaphore_mem>>
        %dma_start3A_112 = tpu.memref_slice %arg3[%add3A_81] : memref<320000xi32, #tpu.memory_space<hbm>> -> memref<80xi32, #tpu.memory_space<hbm>>
        %dma_start3A_113 = tpu.memref_slice %arg3[%add3A_81] : memref<320000xi32, #tpu.memory_space<hbm>> -> memref<80xi32, #tpu.memory_space<hbm>>
        tpu.enqueue_dma source(%dma_start3A_113 : memref<80xi32, #tpu.memory_space<hbm>>) target(%arg8 : memref<80xi32, #tpu.memory_space<vmem>>) target_semaphore(%run_scoped3A : memref<!tpu.dma_semaphore, #tpu.memory_space<semaphore_mem>>)
        %dma_wait3A_114 = tpu.memref_slice %arg3[%add3A_81] : memref<320000xi32, #tpu.memory_space<hbm>> -> memref<80xi32, #tpu.memory_space<hbm>>
        %dma_wait3A_115 = tpu.memref_slice %arg3[%add3A_81] : memref<320000xi32, #tpu.memory_space<hbm>> -> memref<80xi32, #tpu.memory_space<hbm>>
        tpu.wait_dma2 semaphore(%run_scoped3A : memref<!tpu.dma_semaphore, #tpu.memory_space<semaphore_mem>>) src(%dma_wait3A_115 : memref<80xi32, #tpu.memory_space<hbm>>) dst(%arg8 : memref<80xi32, #tpu.memory_space<vmem>>)
        tpu.yield
      }) : () -> ()
      %dma_wait3A_82 = arith.constant 0 : i32
      %dma_wait3A_83 = arith.constant 0 : i32
      %dma_wait3A_84 = tpu.memref_slice %arg4[%dma_wait3A_82, %dma_wait3A_83] : memref<10000x128xf32, #tpu.memory_space<hbm>> -> memref<10000x128xf32, #tpu.memory_space<hbm>>
      tpu.wait_indirect_dma semaphore(%arg18 : memref<!tpu.dma_semaphore, #tpu.memory_space<semaphore_mem>>) src(%dma_wait3A_84 : memref<10000x128xf32, #tpu.memory_space<hbm>>) dst(%arg14 : memref<80x128xf32, #tpu.memory_space<vmem>>)
      %dma_start3A_85 = arith.constant 0 : i32
      %dma_start3A_86 = arith.constant 0 : i32
      %dma_start3A_87 = tpu.memref_slice %arg4[%dma_start3A_85, %dma_start3A_86] : memref<10000x128xf32, #tpu.memory_space<hbm>> -> memref<10000x128xf32, #tpu.memory_space<hbm>>
      tpu.enqueue_indirect_dma source(%dma_start3A_87 : memref<10000x128xf32, #tpu.memory_space<hbm>>) target(%arg13 : memref<80x128xf32, #tpu.memory_space<vmem>>) offsets(%arg7 : memref<80xi32, #tpu.memory_space<vmem>>) semaphore(%arg17 : memref<!tpu.dma_semaphore, #tpu.memory_space<semaphore_mem>>)
      "tpu.region"() ({
        %run_scoped3A = tpu.sem_alloc : memref<!tpu.dma_semaphore, #tpu.memory_space<semaphore_mem>>
        %dma_start3A_112 = arith.constant 0 : i32
        %dma_start3A_113 = arith.constant 0 : i32
        %dma_start3A_114 = tpu.memref_slice %arg21[%dma_start3A_112, %dma_start3A_113] : memref<10240x128xf32, #tpu.memory_space<vmem_shared>> -> memref<10240x128xf32, #tpu.memory_space<vmem_shared>>
        tpu.enqueue_indirect_dma source(%arg14 : memref<80x128xf32, #tpu.memory_space<vmem>>) target(%dma_start3A_114 : memref<10240x128xf32, #tpu.memory_space<vmem_shared>>) offsets(%arg10 : memref<80xi32, #tpu.memory_space<vmem>>) semaphore(%run_scoped3A : memref<!tpu.dma_semaphore, #tpu.memory_space<semaphore_mem>>) {add = true}
        %dma_wait3A_115 = arith.constant 0 : i32
        %dma_wait3A_116 = arith.constant 0 : i32
        %dma_wait3A_117 = tpu.memref_slice %arg21[%dma_wait3A_115, %dma_wait3A_116] : memref<10240x128xf32, #tpu.memory_space<vmem_shared>> -> memref<10240x128xf32, #tpu.memory_space<vmem_shared>>
        tpu.wait_indirect_dma semaphore(%run_scoped3A : memref<!tpu.dma_semaphore, #tpu.memory_space<semaphore_mem>>) src(%arg14 : memref<80x128xf32, #tpu.memory_space<vmem>>) dst(%dma_wait3A_117 : memref<10240x128xf32, #tpu.memory_space<vmem_shared>>)
        tpu.yield
      }) : () -> ()
      %mul3A_88 = arith.constant 3 : i32
      %mul3A_89 = arith.muli %mul3A_88, %scan3A_39 : i32
      %add3A_90 = arith.constant 4 : i32
      %add3A_91 = arith.addi %mul3A_89, %add3A_90 : i32
      %mul3A_92 = arith.constant 10000 : i32
      %mul3A_93 = arith.muli %add3A, %mul3A_92 : i32
      %mul3A_94 = arith.constant 80 : i32
      %mul3A_95 = arith.muli %add3A_91, %mul3A_94 : i32
      %add3A_96 = arith.addi %mul3A_93, %mul3A_95 : i32
      "tpu.region"() ({
        %run_scoped3A = tpu.sem_alloc : memref<!tpu.dma_semaphore, #tpu.memory_space<semaphore_mem>>
        %dma_start3A_112 = tpu.memref_slice %arg2[%add3A_96] : memref<320000xi32, #tpu.memory_space<hbm>> -> memref<80xi32, #tpu.memory_space<hbm>>
        %dma_start3A_113 = tpu.memref_slice %arg2[%add3A_96] : memref<320000xi32, #tpu.memory_space<hbm>> -> memref<80xi32, #tpu.memory_space<hbm>>
        tpu.enqueue_dma source(%dma_start3A_113 : memref<80xi32, #tpu.memory_space<hbm>>) target(%arg9 : memref<80xi32, #tpu.memory_space<vmem>>) target_semaphore(%run_scoped3A : memref<!tpu.dma_semaphore, #tpu.memory_space<semaphore_mem>>)
        %dma_wait3A_114 = tpu.memref_slice %arg2[%add3A_96] : memref<320000xi32, #tpu.memory_space<hbm>> -> memref<80xi32, #tpu.memory_space<hbm>>
        %dma_wait3A_115 = tpu.memref_slice %arg2[%add3A_96] : memref<320000xi32, #tpu.memory_space<hbm>> -> memref<80xi32, #tpu.memory_space<hbm>>
        tpu.wait_dma2 semaphore(%run_scoped3A : memref<!tpu.dma_semaphore, #tpu.memory_space<semaphore_mem>>) src(%dma_wait3A_115 : memref<80xi32, #tpu.memory_space<hbm>>) dst(%arg9 : memref<80xi32, #tpu.memory_space<vmem>>)
        tpu.yield
      }) : () -> ()
      %mul3A_97 = arith.constant 3 : i32
      %mul3A_98 = arith.muli %mul3A_97, %scan3A_39 : i32
      %add3A_99 = arith.constant 4 : i32
      %add3A_100 = arith.addi %mul3A_98, %add3A_99 : i32
      %mul3A_101 = arith.constant 10000 : i32
      %mul3A_102 = arith.muli %add3A, %mul3A_101 : i32
      %mul3A_103 = arith.constant 80 : i32
      %mul3A_104 = arith.muli %add3A_100, %mul3A_103 : i32
      %add3A_105 = arith.addi %mul3A_102, %mul3A_104 : i32
      "tpu.region"() ({
        %run_scoped3A = tpu.sem_alloc : memref<!tpu.dma_semaphore, #tpu.memory_space<semaphore_mem>>
        %dma_start3A_112 = tpu.memref_slice %arg3[%add3A_105] : memref<320000xi32, #tpu.memory_space<hbm>> -> memref<80xi32, #tpu.memory_space<hbm>>
        %dma_start3A_113 = tpu.memref_slice %arg3[%add3A_105] : memref<320000xi32, #tpu.memory_space<hbm>> -> memref<80xi32, #tpu.memory_space<hbm>>
        tpu.enqueue_dma source(%dma_start3A_113 : memref<80xi32, #tpu.memory_space<hbm>>) target(%arg10 : memref<80xi32, #tpu.memory_space<vmem>>) target_semaphore(%run_scoped3A : memref<!tpu.dma_semaphore, #tpu.memory_space<semaphore_mem>>)
        %dma_wait3A_114 = tpu.memref_slice %arg3[%add3A_105] : memref<320000xi32, #tpu.memory_space<hbm>> -> memref<80xi32, #tpu.memory_space<hbm>>
        %dma_wait3A_115 = tpu.memref_slice %arg3[%add3A_105] : memref<320000xi32, #tpu.memory_space<hbm>> -> memref<80xi32, #tpu.memory_space<hbm>>
        tpu.wait_dma2 semaphore(%run_scoped3A : memref<!tpu.dma_semaphore, #tpu.memory_space<semaphore_mem>>) src(%dma_wait3A_115 : memref<80xi32, #tpu.memory_space<hbm>>) dst(%arg10 : memref<80xi32, #tpu.memory_space<vmem>>)
        tpu.yield
      }) : () -> ()
      %dma_wait3A_106 = arith.constant 0 : i32
      %dma_wait3A_107 = arith.constant 0 : i32
      %dma_wait3A_108 = tpu.memref_slice %arg4[%dma_wait3A_106, %dma_wait3A_107] : memref<10000x128xf32, #tpu.memory_space<hbm>> -> memref<10000x128xf32, #tpu.memory_space<hbm>>
      tpu.wait_indirect_dma semaphore(%arg19 : memref<!tpu.dma_semaphore, #tpu.memory_space<semaphore_mem>>) src(%dma_wait3A_108 : memref<10000x128xf32, #tpu.memory_space<hbm>>) dst(%arg15 : memref<80x128xf32, #tpu.memory_space<vmem>>)
      %dma_start3A_109 = arith.constant 0 : i32
      %dma_start3A_110 = arith.constant 0 : i32
      %dma_start3A_111 = tpu.memref_slice %arg4[%dma_start3A_109, %dma_start3A_110] : memref<10000x128xf32, #tpu.memory_space<hbm>> -> memref<10000x128xf32, #tpu.memory_space<hbm>>
      tpu.enqueue_indirect_dma source(%dma_start3A_111 : memref<10000x128xf32, #tpu.memory_space<hbm>>) target(%arg14 : memref<80x128xf32, #tpu.memory_space<vmem>>) offsets(%arg9 : memref<80xi32, #tpu.memory_space<vmem>>) semaphore(%arg18 : memref<!tpu.dma_semaphore, #tpu.memory_space<semaphore_mem>>)
      "tpu.region"() ({
        %run_scoped3A = tpu.sem_alloc : memref<!tpu.dma_semaphore, #tpu.memory_space<semaphore_mem>>
        %dma_start3A_112 = arith.constant 0 : i32
        %dma_start3A_113 = arith.constant 0 : i32
        %dma_start3A_114 = tpu.memref_slice %arg21[%dma_start3A_112, %dma_start3A_113] : memref<10240x128xf32, #tpu.memory_space<vmem_shared>> -> memref<10240x128xf32, #tpu.memory_space<vmem_shared>>
        tpu.enqueue_indirect_dma source(%arg15 : memref<80x128xf32, #tpu.memory_space<vmem>>) target(%dma_start3A_114 : memref<10240x128xf32, #tpu.memory_space<vmem_shared>>) offsets(%arg12 : memref<80xi32, #tpu.memory_space<vmem>>) semaphore(%run_scoped3A : memref<!tpu.dma_semaphore, #tpu.memory_space<semaphore_mem>>) {add = true}
        %dma_wait3A_115 = arith.constant 0 : i32
        %dma_wait3A_116 = arith.constant 0 : i32
        %dma_wait3A_117 = tpu.memref_slice %arg21[%dma_wait3A_115, %dma_wait3A_116] : memref<10240x128xf32, #tpu.memory_space<vmem_shared>> -> memref<10240x128xf32, #tpu.memory_space<vmem_shared>>
        tpu.wait_indirect_dma semaphore(%run_scoped3A : memref<!tpu.dma_semaphore, #tpu.memory_space<semaphore_mem>>) src(%arg15 : memref<80x128xf32, #tpu.memory_space<vmem>>) dst(%dma_wait3A_117 : memref<10240x128xf32, #tpu.memory_space<vmem_shared>>)
        tpu.yield
      }) : () -> ()
    }
    %scan3A_28 = arith.constant 41 : i32
    %dma_wait3A = arith.constant 0 : i32
    %dma_wait3A_29 = arith.constant 0 : i32
    %dma_wait3A_30 = tpu.memref_slice %arg4[%dma_wait3A, %dma_wait3A_29] : memref<10000x128xf32, #tpu.memory_space<hbm>> -> memref<10000x128xf32, #tpu.memory_space<hbm>>
    tpu.wait_indirect_dma semaphore(%arg17 : memref<!tpu.dma_semaphore, #tpu.memory_space<semaphore_mem>>) src(%dma_wait3A_30 : memref<10000x128xf32, #tpu.memory_space<hbm>>) dst(%arg13 : memref<80x128xf32, #tpu.memory_space<vmem>>)
    "tpu.region"() ({
      %run_scoped3A = tpu.sem_alloc : memref<!tpu.dma_semaphore, #tpu.memory_space<semaphore_mem>>
      %dma_start3A_39 = arith.constant 0 : i32
      %dma_start3A_40 = arith.constant 0 : i32
      %dma_start3A_41 = tpu.memref_slice %arg21[%dma_start3A_39, %dma_start3A_40] : memref<10240x128xf32, #tpu.memory_space<vmem_shared>> -> memref<10240x128xf32, #tpu.memory_space<vmem_shared>>
      tpu.enqueue_indirect_dma source(%arg13 : memref<80x128xf32, #tpu.memory_space<vmem>>) target(%dma_start3A_41 : memref<10240x128xf32, #tpu.memory_space<vmem_shared>>) offsets(%arg8 : memref<80xi32, #tpu.memory_space<vmem>>) semaphore(%run_scoped3A : memref<!tpu.dma_semaphore, #tpu.memory_space<semaphore_mem>>) {add = true}
      %dma_wait3A_42 = arith.constant 0 : i32
      %dma_wait3A_43 = arith.constant 0 : i32
      %dma_wait3A_44 = tpu.memref_slice %arg21[%dma_wait3A_42, %dma_wait3A_43] : memref<10240x128xf32, #tpu.memory_space<vmem_shared>> -> memref<10240x128xf32, #tpu.memory_space<vmem_shared>>
      tpu.wait_indirect_dma semaphore(%run_scoped3A : memref<!tpu.dma_semaphore, #tpu.memory_space<semaphore_mem>>) src(%arg13 : memref<80x128xf32, #tpu.memory_space<vmem>>) dst(%dma_wait3A_44 : memref<10240x128xf32, #tpu.memory_space<vmem_shared>>)
      tpu.yield
    }) : () -> ()
    %dma_wait3A_31 = arith.constant 0 : i32
    %dma_wait3A_32 = arith.constant 0 : i32
    %dma_wait3A_33 = tpu.memref_slice %arg4[%dma_wait3A_31, %dma_wait3A_32] : memref<10000x128xf32, #tpu.memory_space<hbm>> -> memref<10000x128xf32, #tpu.memory_space<hbm>>
    tpu.wait_indirect_dma semaphore(%arg18 : memref<!tpu.dma_semaphore, #tpu.memory_space<semaphore_mem>>) src(%dma_wait3A_33 : memref<10000x128xf32, #tpu.memory_space<hbm>>) dst(%arg14 : memref<80x128xf32, #tpu.memory_space<vmem>>)
    "tpu.region"() ({
      %run_scoped3A = tpu.sem_alloc : memref<!tpu.dma_semaphore, #tpu.memory_space<semaphore_mem>>
      %dma_start3A_39 = arith.constant 0 : i32
      %dma_start3A_40 = arith.constant 0 : i32
      %dma_start3A_41 = tpu.memref_slice %arg21[%dma_start3A_39, %dma_start3A_40] : memref<10240x128xf32, #tpu.memory_space<vmem_shared>> -> memref<10240x128xf32, #tpu.memory_space<vmem_shared>>
      tpu.enqueue_indirect_dma source(%arg14 : memref<80x128xf32, #tpu.memory_space<vmem>>) target(%dma_start3A_41 : memref<10240x128xf32, #tpu.memory_space<vmem_shared>>) offsets(%arg10 : memref<80xi32, #tpu.memory_space<vmem>>) semaphore(%run_scoped3A : memref<!tpu.dma_semaphore, #tpu.memory_space<semaphore_mem>>) {add = true}
      %dma_wait3A_42 = arith.constant 0 : i32
      %dma_wait3A_43 = arith.constant 0 : i32
      %dma_wait3A_44 = tpu.memref_slice %arg21[%dma_wait3A_42, %dma_wait3A_43] : memref<10240x128xf32, #tpu.memory_space<vmem_shared>> -> memref<10240x128xf32, #tpu.memory_space<vmem_shared>>
      tpu.wait_indirect_dma semaphore(%run_scoped3A : memref<!tpu.dma_semaphore, #tpu.memory_space<semaphore_mem>>) src(%arg14 : memref<80x128xf32, #tpu.memory_space<vmem>>) dst(%dma_wait3A_44 : memref<10240x128xf32, #tpu.memory_space<vmem_shared>>)
      tpu.yield
    }) : () -> ()
    %barrier3A_34 = arith.constant 0 : index
    tpu.barrier barrier_id(%barrier3A_34)
    %mul3A_35 = arith.constant 640 : i32
    %mul3A_36 = arith.muli %arg1, %mul3A_35 : i32
    %mul3A_37 = arith.constant 640 : i32
    %mul3A_38 = arith.muli %arg1, %mul3A_37 : i32
    "tpu.region"() ({
      %run_scoped3A = tpu.sem_alloc : memref<!tpu.dma_semaphore, #tpu.memory_space<semaphore_mem>>
      %dma_start3A_39 = arith.constant 0 : i32
      %dma_start3A_40 = tpu.memref_slice %arg6[%arg0, %mul3A_38, %dma_start3A_39] : memref<2x10240x128xf32, #tpu.memory_space<hbm>> -> memref<1x640x128xf32, #tpu.memory_space<hbm>>
      %dma_start3A_41 = tpu.memref_squeeze %dma_start3A_40 : memref<1x640x128xf32, #tpu.memory_space<hbm>> -> memref<640x128xf32, #tpu.memory_space<hbm>>
      %dma_start3A_42 = arith.constant 0 : i32
      %dma_start3A_43 = tpu.memref_slice %arg21[%mul3A_36, %dma_start3A_42] : memref<10240x128xf32, #tpu.memory_space<vmem_shared>> -> memref<640x128xf32, #tpu.memory_space<vmem_shared>>
      tpu.enqueue_dma source(%dma_start3A_43 : memref<640x128xf32, #tpu.memory_space<vmem_shared>>) target(%dma_start3A_41 : memref<640x128xf32, #tpu.memory_space<hbm>>) target_semaphore(%run_scoped3A : memref<!tpu.dma_semaphore, #tpu.memory_space<semaphore_mem>>)
      %dma_wait3A_44 = arith.constant 0 : i32
      %dma_wait3A_45 = tpu.memref_slice %arg6[%arg0, %mul3A_38, %dma_wait3A_44] : memref<2x10240x128xf32, #tpu.memory_space<hbm>> -> memref<1x640x128xf32, #tpu.memory_space<hbm>>
      %dma_wait3A_46 = tpu.memref_squeeze %dma_wait3A_45 : memref<1x640x128xf32, #tpu.memory_space<hbm>> -> memref<640x128xf32, #tpu.memory_space<hbm>>
      %dma_wait3A_47 = arith.constant 0 : i32
      %dma_wait3A_48 = tpu.memref_slice %arg21[%mul3A_36, %dma_wait3A_47] : memref<10240x128xf32, #tpu.memory_space<vmem_shared>> -> memref<640x128xf32, #tpu.memory_space<vmem_shared>>
      tpu.wait_dma2 semaphore(%run_scoped3A : memref<!tpu.dma_semaphore, #tpu.memory_space<semaphore_mem>>) src(%dma_wait3A_48 : memref<640x128xf32, #tpu.memory_space<vmem_shared>>) dst(%dma_wait3A_46 : memref<640x128xf32, #tpu.memory_space<hbm>>)
      tpu.yield
    }) : () -> ()
    return
  }
}

#map = affine_map<(d0, d1) -> (0)>
#map1 = affine_map<(d0, d1) -> (0, 0)>
#map2 = affine_map<(d0, d1) -> (0, 0, 0)>
module attributes {stable_mosaic.version = 14 : i64} {
  func.func @_sc_body_single(%arg0: i32, %arg1: i32, %arg2: memref<320000xi32, #tpu.memory_space<hbm>>, %arg3: memref<320000xi32, #tpu.memory_space<hbm>>, %arg4: memref<10000x128xf32, #tpu.memory_space<hbm>>, %arg5: memref<640x128xf32, #tpu.memory_space<hbm>>, %arg6: memref<2x10240x128xf32, #tpu.memory_space<hbm>>, %arg7: memref<80xi32, #tpu.memory_space<vmem>>, %arg8: memref<80xi32, #tpu.memory_space<vmem>>, %arg9: memref<80xi32, #tpu.memory_space<vmem>>, %arg10: memref<80xi32, #tpu.memory_space<vmem>>, %arg11: memref<80xi32, #tpu.memory_space<vmem>>, %arg12: memref<80xi32, #tpu.memory_space<vmem>>, %arg13: memref<80x128xf32, #tpu.memory_space<vmem>>, %arg14: memref<80x128xf32, #tpu.memory_space<vmem>>, %arg15: memref<80x128xf32, #tpu.memory_space<vmem>>, %arg16: memref<80x128xf32, #tpu.memory_space<vmem>>, %arg17: memref<!tpu.dma_semaphore, #tpu.memory_space<semaphore_mem>>, %arg18: memref<!tpu.dma_semaphore, #tpu.memory_space<semaphore_mem>>, %arg19: memref<!tpu.dma_semaphore, #tpu.memory_space<semaphore_mem>>, %arg20: memref<!tpu.dma_semaphore, #tpu.memory_space<semaphore_mem>>, %arg21: memref<10240x128xf32, #tpu.memory_space<vmem_shared>>) attributes {dimension_semantics = [#tpu.dimension_semantics<core_parallel>, #tpu.dimension_semantics<subcore_parallel>], iteration_bounds = array<i64: 2, 16>, scalar_prefetch = 0 : i64, scratch_operands = 15 : i64, tpu.core_type = #tpu.core_type<sc_vector_subcore>, window_params = [{transform_indices = #map}, {transform_indices = #map}, {transform_indices = #map1}, {transform_indices = #map1}, {transform_indices = #map2}]} {
    %mul3A = arith.constant 16 : i32
    %mul3A_0 = arith.muli %arg0, %mul3A : i32
    %add3A = arith.addi %mul3A_0, %arg1 : i32
    %mul3A_1 = arith.constant 640 : i32
    %mul3A_2 = arith.muli %arg1, %mul3A_1 : i32
    "tpu.region"() ({
      %run_scoped3A = tpu.sem_alloc : memref<!tpu.dma_semaphore, #tpu.memory_space<semaphore_mem>>
      %dma_start3A_39 = arith.constant 0 : i32
      %dma_start3A_40 = tpu.memref_slice %arg21[%mul3A_2, %dma_start3A_39] : memref<10240x128xf32, #tpu.memory_space<vmem_shared>> -> memref<640x128xf32, #tpu.memory_space<vmem_shared>>
      tpu.enqueue_dma source(%arg5 : memref<640x128xf32, #tpu.memory_space<hbm>>) target(%dma_start3A_40 : memref<640x128xf32, #tpu.memory_space<vmem_shared>>) target_semaphore(%run_scoped3A : memref<!tpu.dma_semaphore, #tpu.memory_space<semaphore_mem>>)
      %dma_wait3A_41 = arith.constant 0 : i32
      %dma_wait3A_42 = tpu.memref_slice %arg21[%mul3A_2, %dma_wait3A_41] : memref<10240x128xf32, #tpu.memory_space<vmem_shared>> -> memref<640x128xf32, #tpu.memory_space<vmem_shared>>
      tpu.wait_dma2 semaphore(%run_scoped3A : memref<!tpu.dma_semaphore, #tpu.memory_space<semaphore_mem>>) src(%arg5 : memref<640x128xf32, #tpu.memory_space<hbm>>) dst(%dma_wait3A_42 : memref<640x128xf32, #tpu.memory_space<vmem_shared>>)
      tpu.yield
    }) : () -> ()
    %barrier3A = arith.constant 0 : index
    tpu.barrier barrier_id(%barrier3A)
    %mul3A_3 = arith.constant 10000 : i32
    %mul3A_4 = arith.muli %add3A, %mul3A_3 : i32
    %add3A_5 = arith.constant 0 : i32
    %add3A_6 = arith.addi %mul3A_4, %add3A_5 : i32
    "tpu.region"() ({
      %run_scoped3A = tpu.sem_alloc : memref<!tpu.dma_semaphore, #tpu.memory_space<semaphore_mem>>
      %dma_start3A_39 = tpu.memref_slice %arg2[%add3A_6] : memref<320000xi32, #tpu.memory_space<hbm>> -> memref<80xi32, #tpu.memory_space<hbm>>
      %dma_start3A_40 = tpu.memref_slice %arg2[%add3A_6] : memref<320000xi32, #tpu.memory_space<hbm>> -> memref<80xi32, #tpu.memory_space<hbm>>
      tpu.enqueue_dma source(%dma_start3A_40 : memref<80xi32, #tpu.memory_space<hbm>>) target(%arg7 : memref<80xi32, #tpu.memory_space<vmem>>) target_semaphore(%run_scoped3A : memref<!tpu.dma_semaphore, #tpu.memory_space<semaphore_mem>>)
      %dma_wait3A_41 = tpu.memref_slice %arg2[%add3A_6] : memref<320000xi32, #tpu.memory_space<hbm>> -> memref<80xi32, #tpu.memory_space<hbm>>
      %dma_wait3A_42 = tpu.memref_slice %arg2[%add3A_6] : memref<320000xi32, #tpu.memory_space<hbm>> -> memref<80xi32, #tpu.memory_space<hbm>>
      tpu.wait_dma2 semaphore(%run_scoped3A : memref<!tpu.dma_semaphore, #tpu.memory_space<semaphore_mem>>) src(%dma_wait3A_42 : memref<80xi32, #tpu.memory_space<hbm>>) dst(%arg7 : memref<80xi32, #tpu.memory_space<vmem>>)
      tpu.yield
    }) : () -> ()
    %mul3A_7 = arith.constant 10000 : i32
    %mul3A_8 = arith.muli %add3A, %mul3A_7 : i32
    %add3A_9 = arith.constant 0 : i32
    %add3A_10 = arith.addi %mul3A_8, %add3A_9 : i32
    "tpu.region"() ({
      %run_scoped3A = tpu.sem_alloc : memref<!tpu.dma_semaphore, #tpu.memory_space<semaphore_mem>>
      %dma_start3A_39 = tpu.memref_slice %arg3[%add3A_10] : memref<320000xi32, #tpu.memory_space<hbm>> -> memref<80xi32, #tpu.memory_space<hbm>>
      %dma_start3A_40 = tpu.memref_slice %arg3[%add3A_10] : memref<320000xi32, #tpu.memory_space<hbm>> -> memref<80xi32, #tpu.memory_space<hbm>>
      tpu.enqueue_dma source(%dma_start3A_40 : memref<80xi32, #tpu.memory_space<hbm>>) target(%arg8 : memref<80xi32, #tpu.memory_space<vmem>>) target_semaphore(%run_scoped3A : memref<!tpu.dma_semaphore, #tpu.memory_space<semaphore_mem>>)
      %dma_wait3A_41 = tpu.memref_slice %arg3[%add3A_10] : memref<320000xi32, #tpu.memory_space<hbm>> -> memref<80xi32, #tpu.memory_space<hbm>>
      %dma_wait3A_42 = tpu.memref_slice %arg3[%add3A_10] : memref<320000xi32, #tpu.memory_space<hbm>> -> memref<80xi32, #tpu.memory_space<hbm>>
      tpu.wait_dma2 semaphore(%run_scoped3A : memref<!tpu.dma_semaphore, #tpu.memory_space<semaphore_mem>>) src(%dma_wait3A_42 : memref<80xi32, #tpu.memory_space<hbm>>) dst(%arg8 : memref<80xi32, #tpu.memory_space<vmem>>)
      tpu.yield
    }) : () -> ()
    %dma_start3A = arith.constant 0 : i32
    %dma_start3A_11 = arith.constant 0 : i32
    %dma_start3A_12 = tpu.memref_slice %arg4[%dma_start3A, %dma_start3A_11] : memref<10000x128xf32, #tpu.memory_space<hbm>> -> memref<10000x128xf32, #tpu.memory_space<hbm>>
    tpu.enqueue_indirect_dma source(%dma_start3A_12 : memref<10000x128xf32, #tpu.memory_space<hbm>>) target(%arg13 : memref<80x128xf32, #tpu.memory_space<vmem>>) offsets(%arg7 : memref<80xi32, #tpu.memory_space<vmem>>) semaphore(%arg17 : memref<!tpu.dma_semaphore, #tpu.memory_space<semaphore_mem>>)
    %mul3A_13 = arith.constant 10000 : i32
    %mul3A_14 = arith.muli %add3A, %mul3A_13 : i32
    %add3A_15 = arith.constant 80 : i32
    %add3A_16 = arith.addi %mul3A_14, %add3A_15 : i32
    "tpu.region"() ({
      %run_scoped3A = tpu.sem_alloc : memref<!tpu.dma_semaphore, #tpu.memory_space<semaphore_mem>>
      %dma_start3A_39 = tpu.memref_slice %arg2[%add3A_16] : memref<320000xi32, #tpu.memory_space<hbm>> -> memref<80xi32, #tpu.memory_space<hbm>>
      %dma_start3A_40 = tpu.memref_slice %arg2[%add3A_16] : memref<320000xi32, #tpu.memory_space<hbm>> -> memref<80xi32, #tpu.memory_space<hbm>>
      tpu.enqueue_dma source(%dma_start3A_40 : memref<80xi32, #tpu.memory_space<hbm>>) target(%arg9 : memref<80xi32, #tpu.memory_space<vmem>>) target_semaphore(%run_scoped3A : memref<!tpu.dma_semaphore, #tpu.memory_space<semaphore_mem>>)
      %dma_wait3A_41 = tpu.memref_slice %arg2[%add3A_16] : memref<320000xi32, #tpu.memory_space<hbm>> -> memref<80xi32, #tpu.memory_space<hbm>>
      %dma_wait3A_42 = tpu.memref_slice %arg2[%add3A_16] : memref<320000xi32, #tpu.memory_space<hbm>> -> memref<80xi32, #tpu.memory_space<hbm>>
      tpu.wait_dma2 semaphore(%run_scoped3A : memref<!tpu.dma_semaphore, #tpu.memory_space<semaphore_mem>>) src(%dma_wait3A_42 : memref<80xi32, #tpu.memory_space<hbm>>) dst(%arg9 : memref<80xi32, #tpu.memory_space<vmem>>)
      tpu.yield
    }) : () -> ()
    %mul3A_17 = arith.constant 10000 : i32
    %mul3A_18 = arith.muli %add3A, %mul3A_17 : i32
    %add3A_19 = arith.constant 80 : i32
    %add3A_20 = arith.addi %mul3A_18, %add3A_19 : i32
    "tpu.region"() ({
      %run_scoped3A = tpu.sem_alloc : memref<!tpu.dma_semaphore, #tpu.memory_space<semaphore_mem>>
      %dma_start3A_39 = tpu.memref_slice %arg3[%add3A_20] : memref<320000xi32, #tpu.memory_space<hbm>> -> memref<80xi32, #tpu.memory_space<hbm>>
      %dma_start3A_40 = tpu.memref_slice %arg3[%add3A_20] : memref<320000xi32, #tpu.memory_space<hbm>> -> memref<80xi32, #tpu.memory_space<hbm>>
      tpu.enqueue_dma source(%dma_start3A_40 : memref<80xi32, #tpu.memory_space<hbm>>) target(%arg10 : memref<80xi32, #tpu.memory_space<vmem>>) target_semaphore(%run_scoped3A : memref<!tpu.dma_semaphore, #tpu.memory_space<semaphore_mem>>)
      %dma_wait3A_41 = tpu.memref_slice %arg3[%add3A_20] : memref<320000xi32, #tpu.memory_space<hbm>> -> memref<80xi32, #tpu.memory_space<hbm>>
      %dma_wait3A_42 = tpu.memref_slice %arg3[%add3A_20] : memref<320000xi32, #tpu.memory_space<hbm>> -> memref<80xi32, #tpu.memory_space<hbm>>
      tpu.wait_dma2 semaphore(%run_scoped3A : memref<!tpu.dma_semaphore, #tpu.memory_space<semaphore_mem>>) src(%dma_wait3A_42 : memref<80xi32, #tpu.memory_space<hbm>>) dst(%arg10 : memref<80xi32, #tpu.memory_space<vmem>>)
      tpu.yield
    }) : () -> ()
    %dma_start3A_21 = arith.constant 0 : i32
    %dma_start3A_22 = arith.constant 0 : i32
    %dma_start3A_23 = tpu.memref_slice %arg4[%dma_start3A_21, %dma_start3A_22] : memref<10000x128xf32, #tpu.memory_space<hbm>> -> memref<10000x128xf32, #tpu.memory_space<hbm>>
    tpu.enqueue_indirect_dma source(%dma_start3A_23 : memref<10000x128xf32, #tpu.memory_space<hbm>>) target(%arg14 : memref<80x128xf32, #tpu.memory_space<vmem>>) offsets(%arg9 : memref<80xi32, #tpu.memory_space<vmem>>) semaphore(%arg18 : memref<!tpu.dma_semaphore, #tpu.memory_space<semaphore_mem>>)
    %scan3A = arith.constant 0 : i32
    %scan3A_24 = arith.constant 0 : i32
    %scan3A_25 = arith.constant 41 : i32
    %scan3A_26 = arith.addi %scan3A_24, %scan3A_25 : i32
    %scan3A_27 = arith.constant 1 : i32
    scf.for %scan3A_39 = %scan3A_24 to %scan3A_26 step %scan3A_27  : i32 {
      %mul3A_40 = arith.constant 3 : i32
      %mul3A_41 = arith.muli %mul3A_40, %scan3A_39 : i32
      %add3A_42 = arith.constant 2 : i32
      %add3A_43 = arith.addi %mul3A_41, %add3A_42 : i32
      %mul3A_44 = arith.constant 10000 : i32
      %mul3A_45 = arith.muli %add3A, %mul3A_44 : i32
      %mul3A_46 = arith.constant 80 : i32
      %mul3A_47 = arith.muli %add3A_43, %mul3A_46 : i32
      %add3A_48 = arith.addi %mul3A_45, %mul3A_47 : i32
      "tpu.region"() ({
        %run_scoped3A = tpu.sem_alloc : memref<!tpu.dma_semaphore, #tpu.memory_space<semaphore_mem>>
        %dma_start3A_112 = tpu.memref_slice %arg2[%add3A_48] : memref<320000xi32, #tpu.memory_space<hbm>> -> memref<80xi32, #tpu.memory_space<hbm>>
        %dma_start3A_113 = tpu.memref_slice %arg2[%add3A_48] : memref<320000xi32, #tpu.memory_space<hbm>> -> memref<80xi32, #tpu.memory_space<hbm>>
        tpu.enqueue_dma source(%dma_start3A_113 : memref<80xi32, #tpu.memory_space<hbm>>) target(%arg11 : memref<80xi32, #tpu.memory_space<vmem>>) target_semaphore(%run_scoped3A : memref<!tpu.dma_semaphore, #tpu.memory_space<semaphore_mem>>)
        %dma_wait3A_114 = tpu.memref_slice %arg2[%add3A_48] : memref<320000xi32, #tpu.memory_space<hbm>> -> memref<80xi32, #tpu.memory_space<hbm>>
        %dma_wait3A_115 = tpu.memref_slice %arg2[%add3A_48] : memref<320000xi32, #tpu.memory_space<hbm>> -> memref<80xi32, #tpu.memory_space<hbm>>
        tpu.wait_dma2 semaphore(%run_scoped3A : memref<!tpu.dma_semaphore, #tpu.memory_space<semaphore_mem>>) src(%dma_wait3A_115 : memref<80xi32, #tpu.memory_space<hbm>>) dst(%arg11 : memref<80xi32, #tpu.memory_space<vmem>>)
        tpu.yield
      }) : () -> ()
      %mul3A_49 = arith.constant 3 : i32
      %mul3A_50 = arith.muli %mul3A_49, %scan3A_39 : i32
      %add3A_51 = arith.constant 2 : i32
      %add3A_52 = arith.addi %mul3A_50, %add3A_51 : i32
      %mul3A_53 = arith.constant 10000 : i32
      %mul3A_54 = arith.muli %add3A, %mul3A_53 : i32
      %mul3A_55 = arith.constant 80 : i32
      %mul3A_56 = arith.muli %add3A_52, %mul3A_55 : i32
      %add3A_57 = arith.addi %mul3A_54, %mul3A_56 : i32
      "tpu.region"() ({
        %run_scoped3A = tpu.sem_alloc : memref<!tpu.dma_semaphore, #tpu.memory_space<semaphore_mem>>
        %dma_start3A_112 = tpu.memref_slice %arg3[%add3A_57] : memref<320000xi32, #tpu.memory_space<hbm>> -> memref<80xi32, #tpu.memory_space<hbm>>
        %dma_start3A_113 = tpu.memref_slice %arg3[%add3A_57] : memref<320000xi32, #tpu.memory_space<hbm>> -> memref<80xi32, #tpu.memory_space<hbm>>
        tpu.enqueue_dma source(%dma_start3A_113 : memref<80xi32, #tpu.memory_space<hbm>>) target(%arg12 : memref<80xi32, #tpu.memory_space<vmem>>) target_semaphore(%run_scoped3A : memref<!tpu.dma_semaphore, #tpu.memory_space<semaphore_mem>>)
        %dma_wait3A_114 = tpu.memref_slice %arg3[%add3A_57] : memref<320000xi32, #tpu.memory_space<hbm>> -> memref<80xi32, #tpu.memory_space<hbm>>
        %dma_wait3A_115 = tpu.memref_slice %arg3[%add3A_57] : memref<320000xi32, #tpu.memory_space<hbm>> -> memref<80xi32, #tpu.memory_space<hbm>>
        tpu.wait_dma2 semaphore(%run_scoped3A : memref<!tpu.dma_semaphore, #tpu.memory_space<semaphore_mem>>) src(%dma_wait3A_115 : memref<80xi32, #tpu.memory_space<hbm>>) dst(%arg12 : memref<80xi32, #tpu.memory_space<vmem>>)
        tpu.yield
      }) : () -> ()
      %dma_wait3A_58 = arith.constant 0 : i32
      %dma_wait3A_59 = arith.constant 0 : i32
      %dma_wait3A_60 = tpu.memref_slice %arg4[%dma_wait3A_58, %dma_wait3A_59] : memref<10000x128xf32, #tpu.memory_space<hbm>> -> memref<10000x128xf32, #tpu.memory_space<hbm>>
      tpu.wait_indirect_dma semaphore(%arg17 : memref<!tpu.dma_semaphore, #tpu.memory_space<semaphore_mem>>) src(%dma_wait3A_60 : memref<10000x128xf32, #tpu.memory_space<hbm>>) dst(%arg13 : memref<80x128xf32, #tpu.memory_space<vmem>>)
      %dma_start3A_61 = arith.constant 0 : i32
      %dma_start3A_62 = arith.constant 0 : i32
      %dma_start3A_63 = tpu.memref_slice %arg4[%dma_start3A_61, %dma_start3A_62] : memref<10000x128xf32, #tpu.memory_space<hbm>> -> memref<10000x128xf32, #tpu.memory_space<hbm>>
      tpu.enqueue_indirect_dma source(%dma_start3A_63 : memref<10000x128xf32, #tpu.memory_space<hbm>>) target(%arg15 : memref<80x128xf32, #tpu.memory_space<vmem>>) offsets(%arg11 : memref<80xi32, #tpu.memory_space<vmem>>) semaphore(%arg19 : memref<!tpu.dma_semaphore, #tpu.memory_space<semaphore_mem>>)
      "tpu.region"() ({
        %run_scoped3A = tpu.sem_alloc : memref<!tpu.dma_semaphore, #tpu.memory_space<semaphore_mem>>
        %dma_start3A_112 = arith.constant 0 : i32
        %dma_start3A_113 = arith.constant 0 : i32
        %dma_start3A_114 = tpu.memref_slice %arg21[%dma_start3A_112, %dma_start3A_113] : memref<10240x128xf32, #tpu.memory_space<vmem_shared>> -> memref<10240x128xf32, #tpu.memory_space<vmem_shared>>
        tpu.enqueue_indirect_dma source(%arg13 : memref<80x128xf32, #tpu.memory_space<vmem>>) target(%dma_start3A_114 : memref<10240x128xf32, #tpu.memory_space<vmem_shared>>) offsets(%arg8 : memref<80xi32, #tpu.memory_space<vmem>>) semaphore(%run_scoped3A : memref<!tpu.dma_semaphore, #tpu.memory_space<semaphore_mem>>) {add = true}
        %dma_wait3A_115 = arith.constant 0 : i32
        %dma_wait3A_116 = arith.constant 0 : i32
        %dma_wait3A_117 = tpu.memref_slice %arg21[%dma_wait3A_115, %dma_wait3A_116] : memref<10240x128xf32, #tpu.memory_space<vmem_shared>> -> memref<10240x128xf32, #tpu.memory_space<vmem_shared>>
        tpu.wait_indirect_dma semaphore(%run_scoped3A : memref<!tpu.dma_semaphore, #tpu.memory_space<semaphore_mem>>) src(%arg13 : memref<80x128xf32, #tpu.memory_space<vmem>>) dst(%dma_wait3A_117 : memref<10240x128xf32, #tpu.memory_space<vmem_shared>>)
        tpu.yield
      }) : () -> ()
      %mul3A_64 = arith.constant 3 : i32
      %mul3A_65 = arith.muli %mul3A_64, %scan3A_39 : i32
      %add3A_66 = arith.constant 3 : i32
      %add3A_67 = arith.addi %mul3A_65, %add3A_66 : i32
      %mul3A_68 = arith.constant 10000 : i32
      %mul3A_69 = arith.muli %add3A, %mul3A_68 : i32
      %mul3A_70 = arith.constant 80 : i32
      %mul3A_71 = arith.muli %add3A_67, %mul3A_70 : i32
      %add3A_72 = arith.addi %mul3A_69, %mul3A_71 : i32
      "tpu.region"() ({
        %run_scoped3A = tpu.sem_alloc : memref<!tpu.dma_semaphore, #tpu.memory_space<semaphore_mem>>
        %dma_start3A_112 = tpu.memref_slice %arg2[%add3A_72] : memref<320000xi32, #tpu.memory_space<hbm>> -> memref<80xi32, #tpu.memory_space<hbm>>
        %dma_start3A_113 = tpu.memref_slice %arg2[%add3A_72] : memref<320000xi32, #tpu.memory_space<hbm>> -> memref<80xi32, #tpu.memory_space<hbm>>
        tpu.enqueue_dma source(%dma_start3A_113 : memref<80xi32, #tpu.memory_space<hbm>>) target(%arg7 : memref<80xi32, #tpu.memory_space<vmem>>) target_semaphore(%run_scoped3A : memref<!tpu.dma_semaphore, #tpu.memory_space<semaphore_mem>>)
        %dma_wait3A_114 = tpu.memref_slice %arg2[%add3A_72] : memref<320000xi32, #tpu.memory_space<hbm>> -> memref<80xi32, #tpu.memory_space<hbm>>
        %dma_wait3A_115 = tpu.memref_slice %arg2[%add3A_72] : memref<320000xi32, #tpu.memory_space<hbm>> -> memref<80xi32, #tpu.memory_space<hbm>>
        tpu.wait_dma2 semaphore(%run_scoped3A : memref<!tpu.dma_semaphore, #tpu.memory_space<semaphore_mem>>) src(%dma_wait3A_115 : memref<80xi32, #tpu.memory_space<hbm>>) dst(%arg7 : memref<80xi32, #tpu.memory_space<vmem>>)
        tpu.yield
      }) : () -> ()
      %mul3A_73 = arith.constant 3 : i32
      %mul3A_74 = arith.muli %mul3A_73, %scan3A_39 : i32
      %add3A_75 = arith.constant 3 : i32
      %add3A_76 = arith.addi %mul3A_74, %add3A_75 : i32
      %mul3A_77 = arith.constant 10000 : i32
      %mul3A_78 = arith.muli %add3A, %mul3A_77 : i32
      %mul3A_79 = arith.constant 80 : i32
      %mul3A_80 = arith.muli %add3A_76, %mul3A_79 : i32
      %add3A_81 = arith.addi %mul3A_78, %mul3A_80 : i32
      "tpu.region"() ({
        %run_scoped3A = tpu.sem_alloc : memref<!tpu.dma_semaphore, #tpu.memory_space<semaphore_mem>>
        %dma_start3A_112 = tpu.memref_slice %arg3[%add3A_81] : memref<320000xi32, #tpu.memory_space<hbm>> -> memref<80xi32, #tpu.memory_space<hbm>>
        %dma_start3A_113 = tpu.memref_slice %arg3[%add3A_81] : memref<320000xi32, #tpu.memory_space<hbm>> -> memref<80xi32, #tpu.memory_space<hbm>>
        tpu.enqueue_dma source(%dma_start3A_113 : memref<80xi32, #tpu.memory_space<hbm>>) target(%arg8 : memref<80xi32, #tpu.memory_space<vmem>>) target_semaphore(%run_scoped3A : memref<!tpu.dma_semaphore, #tpu.memory_space<semaphore_mem>>)
        %dma_wait3A_114 = tpu.memref_slice %arg3[%add3A_81] : memref<320000xi32, #tpu.memory_space<hbm>> -> memref<80xi32, #tpu.memory_space<hbm>>
        %dma_wait3A_115 = tpu.memref_slice %arg3[%add3A_81] : memref<320000xi32, #tpu.memory_space<hbm>> -> memref<80xi32, #tpu.memory_space<hbm>>
        tpu.wait_dma2 semaphore(%run_scoped3A : memref<!tpu.dma_semaphore, #tpu.memory_space<semaphore_mem>>) src(%dma_wait3A_115 : memref<80xi32, #tpu.memory_space<hbm>>) dst(%arg8 : memref<80xi32, #tpu.memory_space<vmem>>)
        tpu.yield
      }) : () -> ()
      %dma_wait3A_82 = arith.constant 0 : i32
      %dma_wait3A_83 = arith.constant 0 : i32
      %dma_wait3A_84 = tpu.memref_slice %arg4[%dma_wait3A_82, %dma_wait3A_83] : memref<10000x128xf32, #tpu.memory_space<hbm>> -> memref<10000x128xf32, #tpu.memory_space<hbm>>
      tpu.wait_indirect_dma semaphore(%arg18 : memref<!tpu.dma_semaphore, #tpu.memory_space<semaphore_mem>>) src(%dma_wait3A_84 : memref<10000x128xf32, #tpu.memory_space<hbm>>) dst(%arg14 : memref<80x128xf32, #tpu.memory_space<vmem>>)
      %dma_start3A_85 = arith.constant 0 : i32
      %dma_start3A_86 = arith.constant 0 : i32
      %dma_start3A_87 = tpu.memref_slice %arg4[%dma_start3A_85, %dma_start3A_86] : memref<10000x128xf32, #tpu.memory_space<hbm>> -> memref<10000x128xf32, #tpu.memory_space<hbm>>
      tpu.enqueue_indirect_dma source(%dma_start3A_87 : memref<10000x128xf32, #tpu.memory_space<hbm>>) target(%arg13 : memref<80x128xf32, #tpu.memory_space<vmem>>) offsets(%arg7 : memref<80xi32, #tpu.memory_space<vmem>>) semaphore(%arg17 : memref<!tpu.dma_semaphore, #tpu.memory_space<semaphore_mem>>)
      "tpu.region"() ({
        %run_scoped3A = tpu.sem_alloc : memref<!tpu.dma_semaphore, #tpu.memory_space<semaphore_mem>>
        %dma_start3A_112 = arith.constant 0 : i32
        %dma_start3A_113 = arith.constant 0 : i32
        %dma_start3A_114 = tpu.memref_slice %arg21[%dma_start3A_112, %dma_start3A_113] : memref<10240x128xf32, #tpu.memory_space<vmem_shared>> -> memref<10240x128xf32, #tpu.memory_space<vmem_shared>>
        tpu.enqueue_indirect_dma source(%arg14 : memref<80x128xf32, #tpu.memory_space<vmem>>) target(%dma_start3A_114 : memref<10240x128xf32, #tpu.memory_space<vmem_shared>>) offsets(%arg10 : memref<80xi32, #tpu.memory_space<vmem>>) semaphore(%run_scoped3A : memref<!tpu.dma_semaphore, #tpu.memory_space<semaphore_mem>>) {add = true}
        %dma_wait3A_115 = arith.constant 0 : i32
        %dma_wait3A_116 = arith.constant 0 : i32
        %dma_wait3A_117 = tpu.memref_slice %arg21[%dma_wait3A_115, %dma_wait3A_116] : memref<10240x128xf32, #tpu.memory_space<vmem_shared>> -> memref<10240x128xf32, #tpu.memory_space<vmem_shared>>
        tpu.wait_indirect_dma semaphore(%run_scoped3A : memref<!tpu.dma_semaphore, #tpu.memory_space<semaphore_mem>>) src(%arg14 : memref<80x128xf32, #tpu.memory_space<vmem>>) dst(%dma_wait3A_117 : memref<10240x128xf32, #tpu.memory_space<vmem_shared>>)
        tpu.yield
      }) : () -> ()
      %mul3A_88 = arith.constant 3 : i32
      %mul3A_89 = arith.muli %mul3A_88, %scan3A_39 : i32
      %add3A_90 = arith.constant 4 : i32
      %add3A_91 = arith.addi %mul3A_89, %add3A_90 : i32
      %mul3A_92 = arith.constant 10000 : i32
      %mul3A_93 = arith.muli %add3A, %mul3A_92 : i32
      %mul3A_94 = arith.constant 80 : i32
      %mul3A_95 = arith.muli %add3A_91, %mul3A_94 : i32
      %add3A_96 = arith.addi %mul3A_93, %mul3A_95 : i32
      "tpu.region"() ({
        %run_scoped3A = tpu.sem_alloc : memref<!tpu.dma_semaphore, #tpu.memory_space<semaphore_mem>>
        %dma_start3A_112 = tpu.memref_slice %arg2[%add3A_96] : memref<320000xi32, #tpu.memory_space<hbm>> -> memref<80xi32, #tpu.memory_space<hbm>>
        %dma_start3A_113 = tpu.memref_slice %arg2[%add3A_96] : memref<320000xi32, #tpu.memory_space<hbm>> -> memref<80xi32, #tpu.memory_space<hbm>>
        tpu.enqueue_dma source(%dma_start3A_113 : memref<80xi32, #tpu.memory_space<hbm>>) target(%arg9 : memref<80xi32, #tpu.memory_space<vmem>>) target_semaphore(%run_scoped3A : memref<!tpu.dma_semaphore, #tpu.memory_space<semaphore_mem>>)
        %dma_wait3A_114 = tpu.memref_slice %arg2[%add3A_96] : memref<320000xi32, #tpu.memory_space<hbm>> -> memref<80xi32, #tpu.memory_space<hbm>>
        %dma_wait3A_115 = tpu.memref_slice %arg2[%add3A_96] : memref<320000xi32, #tpu.memory_space<hbm>> -> memref<80xi32, #tpu.memory_space<hbm>>
        tpu.wait_dma2 semaphore(%run_scoped3A : memref<!tpu.dma_semaphore, #tpu.memory_space<semaphore_mem>>) src(%dma_wait3A_115 : memref<80xi32, #tpu.memory_space<hbm>>) dst(%arg9 : memref<80xi32, #tpu.memory_space<vmem>>)
        tpu.yield
      }) : () -> ()
      %mul3A_97 = arith.constant 3 : i32
      %mul3A_98 = arith.muli %mul3A_97, %scan3A_39 : i32
      %add3A_99 = arith.constant 4 : i32
      %add3A_100 = arith.addi %mul3A_98, %add3A_99 : i32
      %mul3A_101 = arith.constant 10000 : i32
      %mul3A_102 = arith.muli %add3A, %mul3A_101 : i32
      %mul3A_103 = arith.constant 80 : i32
      %mul3A_104 = arith.muli %add3A_100, %mul3A_103 : i32
      %add3A_105 = arith.addi %mul3A_102, %mul3A_104 : i32
      "tpu.region"() ({
        %run_scoped3A = tpu.sem_alloc : memref<!tpu.dma_semaphore, #tpu.memory_space<semaphore_mem>>
        %dma_start3A_112 = tpu.memref_slice %arg3[%add3A_105] : memref<320000xi32, #tpu.memory_space<hbm>> -> memref<80xi32, #tpu.memory_space<hbm>>
        %dma_start3A_113 = tpu.memref_slice %arg3[%add3A_105] : memref<320000xi32, #tpu.memory_space<hbm>> -> memref<80xi32, #tpu.memory_space<hbm>>
        tpu.enqueue_dma source(%dma_start3A_113 : memref<80xi32, #tpu.memory_space<hbm>>) target(%arg10 : memref<80xi32, #tpu.memory_space<vmem>>) target_semaphore(%run_scoped3A : memref<!tpu.dma_semaphore, #tpu.memory_space<semaphore_mem>>)
        %dma_wait3A_114 = tpu.memref_slice %arg3[%add3A_105] : memref<320000xi32, #tpu.memory_space<hbm>> -> memref<80xi32, #tpu.memory_space<hbm>>
        %dma_wait3A_115 = tpu.memref_slice %arg3[%add3A_105] : memref<320000xi32, #tpu.memory_space<hbm>> -> memref<80xi32, #tpu.memory_space<hbm>>
        tpu.wait_dma2 semaphore(%run_scoped3A : memref<!tpu.dma_semaphore, #tpu.memory_space<semaphore_mem>>) src(%dma_wait3A_115 : memref<80xi32, #tpu.memory_space<hbm>>) dst(%arg10 : memref<80xi32, #tpu.memory_space<vmem>>)
        tpu.yield
      }) : () -> ()
      %dma_wait3A_106 = arith.constant 0 : i32
      %dma_wait3A_107 = arith.constant 0 : i32
      %dma_wait3A_108 = tpu.memref_slice %arg4[%dma_wait3A_106, %dma_wait3A_107] : memref<10000x128xf32, #tpu.memory_space<hbm>> -> memref<10000x128xf32, #tpu.memory_space<hbm>>
      tpu.wait_indirect_dma semaphore(%arg19 : memref<!tpu.dma_semaphore, #tpu.memory_space<semaphore_mem>>) src(%dma_wait3A_108 : memref<10000x128xf32, #tpu.memory_space<hbm>>) dst(%arg15 : memref<80x128xf32, #tpu.memory_space<vmem>>)
      %dma_start3A_109 = arith.constant 0 : i32
      %dma_start3A_110 = arith.constant 0 : i32
      %dma_start3A_111 = tpu.memref_slice %arg4[%dma_start3A_109, %dma_start3A_110] : memref<10000x128xf32, #tpu.memory_space<hbm>> -> memref<10000x128xf32, #tpu.memory_space<hbm>>
      tpu.enqueue_indirect_dma source(%dma_start3A_111 : memref<10000x128xf32, #tpu.memory_space<hbm>>) target(%arg14 : memref<80x128xf32, #tpu.memory_space<vmem>>) offsets(%arg9 : memref<80xi32, #tpu.memory_space<vmem>>) semaphore(%arg18 : memref<!tpu.dma_semaphore, #tpu.memory_space<semaphore_mem>>)
      "tpu.region"() ({
        %run_scoped3A = tpu.sem_alloc : memref<!tpu.dma_semaphore, #tpu.memory_space<semaphore_mem>>
        %dma_start3A_112 = arith.constant 0 : i32
        %dma_start3A_113 = arith.constant 0 : i32
        %dma_start3A_114 = tpu.memref_slice %arg21[%dma_start3A_112, %dma_start3A_113] : memref<10240x128xf32, #tpu.memory_space<vmem_shared>> -> memref<10240x128xf32, #tpu.memory_space<vmem_shared>>
        tpu.enqueue_indirect_dma source(%arg15 : memref<80x128xf32, #tpu.memory_space<vmem>>) target(%dma_start3A_114 : memref<10240x128xf32, #tpu.memory_space<vmem_shared>>) offsets(%arg12 : memref<80xi32, #tpu.memory_space<vmem>>) semaphore(%run_scoped3A : memref<!tpu.dma_semaphore, #tpu.memory_space<semaphore_mem>>) {add = true}
        %dma_wait3A_115 = arith.constant 0 : i32
        %dma_wait3A_116 = arith.constant 0 : i32
        %dma_wait3A_117 = tpu.memref_slice %arg21[%dma_wait3A_115, %dma_wait3A_116] : memref<10240x128xf32, #tpu.memory_space<vmem_shared>> -> memref<10240x128xf32, #tpu.memory_space<vmem_shared>>
        tpu.wait_indirect_dma semaphore(%run_scoped3A : memref<!tpu.dma_semaphore, #tpu.memory_space<semaphore_mem>>) src(%arg15 : memref<80x128xf32, #tpu.memory_space<vmem>>) dst(%dma_wait3A_117 : memref<10240x128xf32, #tpu.memory_space<vmem_shared>>)
        tpu.yield
      }) : () -> ()
    }
    %scan3A_28 = arith.constant 41 : i32
    %dma_wait3A = arith.constant 0 : i32
    %dma_wait3A_29 = arith.constant 0 : i32
    %dma_wait3A_30 = tpu.memref_slice %arg4[%dma_wait3A, %dma_wait3A_29] : memref<10000x128xf32, #tpu.memory_space<hbm>> -> memref<10000x128xf32, #tpu.memory_space<hbm>>
    tpu.wait_indirect_dma semaphore(%arg17 : memref<!tpu.dma_semaphore, #tpu.memory_space<semaphore_mem>>) src(%dma_wait3A_30 : memref<10000x128xf32, #tpu.memory_space<hbm>>) dst(%arg13 : memref<80x128xf32, #tpu.memory_space<vmem>>)
    "tpu.region"() ({
      %run_scoped3A = tpu.sem_alloc : memref<!tpu.dma_semaphore, #tpu.memory_space<semaphore_mem>>
      %dma_start3A_39 = arith.constant 0 : i32
      %dma_start3A_40 = arith.constant 0 : i32
      %dma_start3A_41 = tpu.memref_slice %arg21[%dma_start3A_39, %dma_start3A_40] : memref<10240x128xf32, #tpu.memory_space<vmem_shared>> -> memref<10240x128xf32, #tpu.memory_space<vmem_shared>>
      tpu.enqueue_indirect_dma source(%arg13 : memref<80x128xf32, #tpu.memory_space<vmem>>) target(%dma_start3A_41 : memref<10240x128xf32, #tpu.memory_space<vmem_shared>>) offsets(%arg8 : memref<80xi32, #tpu.memory_space<vmem>>) semaphore(%run_scoped3A : memref<!tpu.dma_semaphore, #tpu.memory_space<semaphore_mem>>) {add = true}
      %dma_wait3A_42 = arith.constant 0 : i32
      %dma_wait3A_43 = arith.constant 0 : i32
      %dma_wait3A_44 = tpu.memref_slice %arg21[%dma_wait3A_42, %dma_wait3A_43] : memref<10240x128xf32, #tpu.memory_space<vmem_shared>> -> memref<10240x128xf32, #tpu.memory_space<vmem_shared>>
      tpu.wait_indirect_dma semaphore(%run_scoped3A : memref<!tpu.dma_semaphore, #tpu.memory_space<semaphore_mem>>) src(%arg13 : memref<80x128xf32, #tpu.memory_space<vmem>>) dst(%dma_wait3A_44 : memref<10240x128xf32, #tpu.memory_space<vmem_shared>>)
      tpu.yield
    }) : () -> ()
    %dma_wait3A_31 = arith.constant 0 : i32
    %dma_wait3A_32 = arith.constant 0 : i32
    %dma_wait3A_33 = tpu.memref_slice %arg4[%dma_wait3A_31, %dma_wait3A_32] : memref<10000x128xf32, #tpu.memory_space<hbm>> -> memref<10000x128xf32, #tpu.memory_space<hbm>>
    tpu.wait_indirect_dma semaphore(%arg18 : memref<!tpu.dma_semaphore, #tpu.memory_space<semaphore_mem>>) src(%dma_wait3A_33 : memref<10000x128xf32, #tpu.memory_space<hbm>>) dst(%arg14 : memref<80x128xf32, #tpu.memory_space<vmem>>)
    "tpu.region"() ({
      %run_scoped3A = tpu.sem_alloc : memref<!tpu.dma_semaphore, #tpu.memory_space<semaphore_mem>>
      %dma_start3A_39 = arith.constant 0 : i32
      %dma_start3A_40 = arith.constant 0 : i32
      %dma_start3A_41 = tpu.memref_slice %arg21[%dma_start3A_39, %dma_start3A_40] : memref<10240x128xf32, #tpu.memory_space<vmem_shared>> -> memref<10240x128xf32, #tpu.memory_space<vmem_shared>>
      tpu.enqueue_indirect_dma source(%arg14 : memref<80x128xf32, #tpu.memory_space<vmem>>) target(%dma_start3A_41 : memref<10240x128xf32, #tpu.memory_space<vmem_shared>>) offsets(%arg10 : memref<80xi32, #tpu.memory_space<vmem>>) semaphore(%run_scoped3A : memref<!tpu.dma_semaphore, #tpu.memory_space<semaphore_mem>>) {add = true}
      %dma_wait3A_42 = arith.constant 0 : i32
      %dma_wait3A_43 = arith.constant 0 : i32
      %dma_wait3A_44 = tpu.memref_slice %arg21[%dma_wait3A_42, %dma_wait3A_43] : memref<10240x128xf32, #tpu.memory_space<vmem_shared>> -> memref<10240x128xf32, #tpu.memory_space<vmem_shared>>
      tpu.wait_indirect_dma semaphore(%run_scoped3A : memref<!tpu.dma_semaphore, #tpu.memory_space<semaphore_mem>>) src(%arg14 : memref<80x128xf32, #tpu.memory_space<vmem>>) dst(%dma_wait3A_44 : memref<10240x128xf32, #tpu.memory_space<vmem_shared>>)
      tpu.yield
    }) : () -> ()
    %barrier3A_34 = arith.constant 0 : index
    tpu.barrier barrier_id(%barrier3A_34)
    %mul3A_35 = arith.constant 640 : i32
    %mul3A_36 = arith.muli %arg1, %mul3A_35 : i32
    %mul3A_37 = arith.constant 640 : i32
    %mul3A_38 = arith.muli %arg1, %mul3A_37 : i32
    "tpu.region"() ({
      %run_scoped3A = tpu.sem_alloc : memref<!tpu.dma_semaphore, #tpu.memory_space<semaphore_mem>>
      %dma_start3A_39 = arith.constant 0 : i32
      %dma_start3A_40 = tpu.memref_slice %arg6[%arg0, %mul3A_38, %dma_start3A_39] : memref<2x10240x128xf32, #tpu.memory_space<hbm>> -> memref<1x640x128xf32, #tpu.memory_space<hbm>>
      %dma_start3A_41 = tpu.memref_squeeze %dma_start3A_40 : memref<1x640x128xf32, #tpu.memory_space<hbm>> -> memref<640x128xf32, #tpu.memory_space<hbm>>
      %dma_start3A_42 = arith.constant 0 : i32
      %dma_start3A_43 = tpu.memref_slice %arg21[%mul3A_36, %dma_start3A_42] : memref<10240x128xf32, #tpu.memory_space<vmem_shared>> -> memref<640x128xf32, #tpu.memory_space<vmem_shared>>
      tpu.enqueue_dma source(%dma_start3A_43 : memref<640x128xf32, #tpu.memory_space<vmem_shared>>) target(%dma_start3A_41 : memref<640x128xf32, #tpu.memory_space<hbm>>) target_semaphore(%run_scoped3A : memref<!tpu.dma_semaphore, #tpu.memory_space<semaphore_mem>>)
      %dma_wait3A_44 = arith.constant 0 : i32
      %dma_wait3A_45 = tpu.memref_slice %arg6[%arg0, %mul3A_38, %dma_wait3A_44] : memref<2x10240x128xf32, #tpu.memory_space<hbm>> -> memref<1x640x128xf32, #tpu.memory_space<hbm>>
      %dma_wait3A_46 = tpu.memref_squeeze %dma_wait3A_45 : memref<1x640x128xf32, #tpu.memory_space<hbm>> -> memref<640x128xf32, #tpu.memory_space<hbm>>
      %dma_wait3A_47 = arith.constant 0 : i32
      %dma_wait3A_48 = tpu.memref_slice %arg21[%mul3A_36, %dma_wait3A_47] : memref<10240x128xf32, #tpu.memory_space<vmem_shared>> -> memref<640x128xf32, #tpu.memory_space<vmem_shared>>
      tpu.wait_dma2 semaphore(%run_scoped3A : memref<!tpu.dma_semaphore, #tpu.memory_space<semaphore_mem>>) src(%dma_wait3A_48 : memref<640x128xf32, #tpu.memory_space<vmem_shared>>) dst(%dma_wait3A_46 : memref<640x128xf32, #tpu.memory_space<hbm>>)
      tpu.yield
    }) : () -> ()
    return
  }
}

#map = affine_map<(d0, d1) -> (0)>
#map1 = affine_map<(d0, d1) -> (0, 0)>
#map2 = affine_map<(d0, d1) -> (0, 0, 0)>
module attributes {stable_mosaic.version = 14 : i64} {
  func.func @_sc_body_l1(%arg0: i32, %arg1: i32, %arg2: memref<320000xi32, #tpu.memory_space<hbm>>, %arg3: memref<320000xi32, #tpu.memory_space<hbm>>, %arg4: memref<10000x128xf32, #tpu.memory_space<hbm>>, %arg5: memref<320000xi32, #tpu.memory_space<hbm>>, %arg6: memref<320000xi32, #tpu.memory_space<hbm>>, %arg7: memref<10000x128xf32, #tpu.memory_space<hbm>>, %arg8: memref<640x128xf32, #tpu.memory_space<hbm>>, %arg9: memref<80x128xf32, #tpu.memory_space<hbm>>, %arg10: memref<2x10240x128xf32, #tpu.memory_space<hbm>>, %arg11: memref<2x10240x128xf32, #tpu.memory_space<hbm>>, %arg12: memref<2x10240x128xf32, #tpu.memory_space<hbm>>, %arg13: memref<2x10240x128xf32, #tpu.memory_space<hbm>>, %arg14: memref<80xi32, #tpu.memory_space<vmem>>, %arg15: memref<80xi32, #tpu.memory_space<vmem>>, %arg16: memref<80xi32, #tpu.memory_space<vmem>>, %arg17: memref<80xi32, #tpu.memory_space<vmem>>, %arg18: memref<80xi32, #tpu.memory_space<vmem>>, %arg19: memref<80xi32, #tpu.memory_space<vmem>>, %arg20: memref<80x128xf32, #tpu.memory_space<vmem>>, %arg21: memref<80x128xf32, #tpu.memory_space<vmem>>, %arg22: memref<80x128xf32, #tpu.memory_space<vmem>>, %arg23: memref<80x128xf32, #tpu.memory_space<vmem>>, %arg24: memref<!tpu.dma_semaphore, #tpu.memory_space<semaphore_mem>>, %arg25: memref<!tpu.dma_semaphore, #tpu.memory_space<semaphore_mem>>, %arg26: memref<!tpu.dma_semaphore, #tpu.memory_space<semaphore_mem>>, %arg27: memref<!tpu.dma_semaphore, #tpu.memory_space<semaphore_mem>>, %arg28: memref<10240x128xf32, #tpu.memory_space<vmem_shared>>) attributes {dimension_semantics = [#tpu.dimension_semantics<core_parallel>, #tpu.dimension_semantics<subcore_parallel>], iteration_bounds = array<i64: 2, 16>, scalar_prefetch = 0 : i64, scratch_operands = 15 : i64, tpu.core_type = #tpu.core_type<sc_vector_subcore>, window_params = [{transform_indices = #map}, {transform_indices = #map}, {transform_indices = #map1}, {transform_indices = #map}, {transform_indices = #map}, {transform_indices = #map1}, {transform_indices = #map1}, {transform_indices = #map1}, {transform_indices = #map2}, {transform_indices = #map2}, {transform_indices = #map2}, {transform_indices = #map2}]} {
    "tpu.region"() ({
      %run_scoped3A = tpu.sem_alloc : memref<!tpu.dma_semaphore, #tpu.memory_space<semaphore_mem>>
      tpu.enqueue_dma source(%arg9 : memref<80x128xf32, #tpu.memory_space<hbm>>) target(%arg23 : memref<80x128xf32, #tpu.memory_space<vmem>>) target_semaphore(%run_scoped3A : memref<!tpu.dma_semaphore, #tpu.memory_space<semaphore_mem>>)
      tpu.wait_dma2 semaphore(%run_scoped3A : memref<!tpu.dma_semaphore, #tpu.memory_space<semaphore_mem>>) src(%arg9 : memref<80x128xf32, #tpu.memory_space<hbm>>) dst(%arg23 : memref<80x128xf32, #tpu.memory_space<vmem>>)
      tpu.yield
    }) : () -> ()
    %mul3A = arith.constant 16 : i32
    %mul3A_0 = arith.muli %arg0, %mul3A : i32
    %add3A = arith.addi %mul3A_0, %arg1 : i32
    %mul3A_1 = arith.constant 640 : i32
    %mul3A_2 = arith.muli %arg1, %mul3A_1 : i32
    "tpu.region"() ({
      %run_scoped3A = tpu.sem_alloc : memref<!tpu.dma_semaphore, #tpu.memory_space<semaphore_mem>>
      %dma_start3A_117 = arith.constant 0 : i32
      %dma_start3A_118 = tpu.memref_slice %arg28[%mul3A_2, %dma_start3A_117] : memref<10240x128xf32, #tpu.memory_space<vmem_shared>> -> memref<640x128xf32, #tpu.memory_space<vmem_shared>>
      tpu.enqueue_dma source(%arg8 : memref<640x128xf32, #tpu.memory_space<hbm>>) target(%dma_start3A_118 : memref<640x128xf32, #tpu.memory_space<vmem_shared>>) target_semaphore(%run_scoped3A : memref<!tpu.dma_semaphore, #tpu.memory_space<semaphore_mem>>)
      %dma_wait3A_119 = arith.constant 0 : i32
      %dma_wait3A_120 = tpu.memref_slice %arg28[%mul3A_2, %dma_wait3A_119] : memref<10240x128xf32, #tpu.memory_space<vmem_shared>> -> memref<640x128xf32, #tpu.memory_space<vmem_shared>>
      tpu.wait_dma2 semaphore(%run_scoped3A : memref<!tpu.dma_semaphore, #tpu.memory_space<semaphore_mem>>) src(%arg8 : memref<640x128xf32, #tpu.memory_space<hbm>>) dst(%dma_wait3A_120 : memref<640x128xf32, #tpu.memory_space<vmem_shared>>)
      tpu.yield
    }) : () -> ()
    %barrier3A = arith.constant 0 : index
    tpu.barrier barrier_id(%barrier3A)
    %mul3A_3 = arith.constant 10000 : i32
    %mul3A_4 = arith.muli %add3A, %mul3A_3 : i32
    %add3A_5 = arith.constant 0 : i32
    %add3A_6 = arith.addi %mul3A_4, %add3A_5 : i32
    "tpu.region"() ({
      %run_scoped3A = tpu.sem_alloc : memref<!tpu.dma_semaphore, #tpu.memory_space<semaphore_mem>>
      %dma_start3A_117 = tpu.memref_slice %arg2[%add3A_6] : memref<320000xi32, #tpu.memory_space<hbm>> -> memref<80xi32, #tpu.memory_space<hbm>>
      %dma_start3A_118 = tpu.memref_slice %arg2[%add3A_6] : memref<320000xi32, #tpu.memory_space<hbm>> -> memref<80xi32, #tpu.memory_space<hbm>>
      tpu.enqueue_dma source(%dma_start3A_118 : memref<80xi32, #tpu.memory_space<hbm>>) target(%arg14 : memref<80xi32, #tpu.memory_space<vmem>>) target_semaphore(%run_scoped3A : memref<!tpu.dma_semaphore, #tpu.memory_space<semaphore_mem>>)
      %dma_wait3A_119 = tpu.memref_slice %arg2[%add3A_6] : memref<320000xi32, #tpu.memory_space<hbm>> -> memref<80xi32, #tpu.memory_space<hbm>>
      %dma_wait3A_120 = tpu.memref_slice %arg2[%add3A_6] : memref<320000xi32, #tpu.memory_space<hbm>> -> memref<80xi32, #tpu.memory_space<hbm>>
      tpu.wait_dma2 semaphore(%run_scoped3A : memref<!tpu.dma_semaphore, #tpu.memory_space<semaphore_mem>>) src(%dma_wait3A_120 : memref<80xi32, #tpu.memory_space<hbm>>) dst(%arg14 : memref<80xi32, #tpu.memory_space<vmem>>)
      tpu.yield
    }) : () -> ()
    %mul3A_7 = arith.constant 10000 : i32
    %mul3A_8 = arith.muli %add3A, %mul3A_7 : i32
    %add3A_9 = arith.constant 0 : i32
    %add3A_10 = arith.addi %mul3A_8, %add3A_9 : i32
    "tpu.region"() ({
      %run_scoped3A = tpu.sem_alloc : memref<!tpu.dma_semaphore, #tpu.memory_space<semaphore_mem>>
      %dma_start3A_117 = tpu.memref_slice %arg3[%add3A_10] : memref<320000xi32, #tpu.memory_space<hbm>> -> memref<80xi32, #tpu.memory_space<hbm>>
      %dma_start3A_118 = tpu.memref_slice %arg3[%add3A_10] : memref<320000xi32, #tpu.memory_space<hbm>> -> memref<80xi32, #tpu.memory_space<hbm>>
      tpu.enqueue_dma source(%dma_start3A_118 : memref<80xi32, #tpu.memory_space<hbm>>) target(%arg15 : memref<80xi32, #tpu.memory_space<vmem>>) target_semaphore(%run_scoped3A : memref<!tpu.dma_semaphore, #tpu.memory_space<semaphore_mem>>)
      %dma_wait3A_119 = tpu.memref_slice %arg3[%add3A_10] : memref<320000xi32, #tpu.memory_space<hbm>> -> memref<80xi32, #tpu.memory_space<hbm>>
      %dma_wait3A_120 = tpu.memref_slice %arg3[%add3A_10] : memref<320000xi32, #tpu.memory_space<hbm>> -> memref<80xi32, #tpu.memory_space<hbm>>
      tpu.wait_dma2 semaphore(%run_scoped3A : memref<!tpu.dma_semaphore, #tpu.memory_space<semaphore_mem>>) src(%dma_wait3A_120 : memref<80xi32, #tpu.memory_space<hbm>>) dst(%arg15 : memref<80xi32, #tpu.memory_space<vmem>>)
      tpu.yield
    }) : () -> ()
    %dma_start3A = arith.constant 0 : i32
    %dma_start3A_11 = arith.constant 0 : i32
    %dma_start3A_12 = tpu.memref_slice %arg4[%dma_start3A, %dma_start3A_11] : memref<10000x128xf32, #tpu.memory_space<hbm>> -> memref<10000x128xf32, #tpu.memory_space<hbm>>
    tpu.enqueue_indirect_dma source(%dma_start3A_12 : memref<10000x128xf32, #tpu.memory_space<hbm>>) target(%arg20 : memref<80x128xf32, #tpu.memory_space<vmem>>) offsets(%arg14 : memref<80xi32, #tpu.memory_space<vmem>>) semaphore(%arg24 : memref<!tpu.dma_semaphore, #tpu.memory_space<semaphore_mem>>)
    %mul3A_13 = arith.constant 10000 : i32
    %mul3A_14 = arith.muli %add3A, %mul3A_13 : i32
    %add3A_15 = arith.constant 80 : i32
    %add3A_16 = arith.addi %mul3A_14, %add3A_15 : i32
    "tpu.region"() ({
      %run_scoped3A = tpu.sem_alloc : memref<!tpu.dma_semaphore, #tpu.memory_space<semaphore_mem>>
      %dma_start3A_117 = tpu.memref_slice %arg2[%add3A_16] : memref<320000xi32, #tpu.memory_space<hbm>> -> memref<80xi32, #tpu.memory_space<hbm>>
      %dma_start3A_118 = tpu.memref_slice %arg2[%add3A_16] : memref<320000xi32, #tpu.memory_space<hbm>> -> memref<80xi32, #tpu.memory_space<hbm>>
      tpu.enqueue_dma source(%dma_start3A_118 : memref<80xi32, #tpu.memory_space<hbm>>) target(%arg16 : memref<80xi32, #tpu.memory_space<vmem>>) target_semaphore(%run_scoped3A : memref<!tpu.dma_semaphore, #tpu.memory_space<semaphore_mem>>)
      %dma_wait3A_119 = tpu.memref_slice %arg2[%add3A_16] : memref<320000xi32, #tpu.memory_space<hbm>> -> memref<80xi32, #tpu.memory_space<hbm>>
      %dma_wait3A_120 = tpu.memref_slice %arg2[%add3A_16] : memref<320000xi32, #tpu.memory_space<hbm>> -> memref<80xi32, #tpu.memory_space<hbm>>
      tpu.wait_dma2 semaphore(%run_scoped3A : memref<!tpu.dma_semaphore, #tpu.memory_space<semaphore_mem>>) src(%dma_wait3A_120 : memref<80xi32, #tpu.memory_space<hbm>>) dst(%arg16 : memref<80xi32, #tpu.memory_space<vmem>>)
      tpu.yield
    }) : () -> ()
    %mul3A_17 = arith.constant 10000 : i32
    %mul3A_18 = arith.muli %add3A, %mul3A_17 : i32
    %add3A_19 = arith.constant 80 : i32
    %add3A_20 = arith.addi %mul3A_18, %add3A_19 : i32
    "tpu.region"() ({
      %run_scoped3A = tpu.sem_alloc : memref<!tpu.dma_semaphore, #tpu.memory_space<semaphore_mem>>
      %dma_start3A_117 = tpu.memref_slice %arg3[%add3A_20] : memref<320000xi32, #tpu.memory_space<hbm>> -> memref<80xi32, #tpu.memory_space<hbm>>
      %dma_start3A_118 = tpu.memref_slice %arg3[%add3A_20] : memref<320000xi32, #tpu.memory_space<hbm>> -> memref<80xi32, #tpu.memory_space<hbm>>
      tpu.enqueue_dma source(%dma_start3A_118 : memref<80xi32, #tpu.memory_space<hbm>>) target(%arg17 : memref<80xi32, #tpu.memory_space<vmem>>) target_semaphore(%run_scoped3A : memref<!tpu.dma_semaphore, #tpu.memory_space<semaphore_mem>>)
      %dma_wait3A_119 = tpu.memref_slice %arg3[%add3A_20] : memref<320000xi32, #tpu.memory_space<hbm>> -> memref<80xi32, #tpu.memory_space<hbm>>
      %dma_wait3A_120 = tpu.memref_slice %arg3[%add3A_20] : memref<320000xi32, #tpu.memory_space<hbm>> -> memref<80xi32, #tpu.memory_space<hbm>>
      tpu.wait_dma2 semaphore(%run_scoped3A : memref<!tpu.dma_semaphore, #tpu.memory_space<semaphore_mem>>) src(%dma_wait3A_120 : memref<80xi32, #tpu.memory_space<hbm>>) dst(%arg17 : memref<80xi32, #tpu.memory_space<vmem>>)
      tpu.yield
    }) : () -> ()
    %dma_start3A_21 = arith.constant 0 : i32
    %dma_start3A_22 = arith.constant 0 : i32
    %dma_start3A_23 = tpu.memref_slice %arg4[%dma_start3A_21, %dma_start3A_22] : memref<10000x128xf32, #tpu.memory_space<hbm>> -> memref<10000x128xf32, #tpu.memory_space<hbm>>
    tpu.enqueue_indirect_dma source(%dma_start3A_23 : memref<10000x128xf32, #tpu.memory_space<hbm>>) target(%arg21 : memref<80x128xf32, #tpu.memory_space<vmem>>) offsets(%arg16 : memref<80xi32, #tpu.memory_space<vmem>>) semaphore(%arg25 : memref<!tpu.dma_semaphore, #tpu.memory_space<semaphore_mem>>)
    %scan3A = arith.constant 0 : i32
    %scan3A_24 = arith.constant 0 : i32
    %scan3A_25 = arith.constant 41 : i32
    %scan3A_26 = arith.addi %scan3A_24, %scan3A_25 : i32
    %scan3A_27 = arith.constant 1 : i32
    scf.for %scan3A_117 = %scan3A_24 to %scan3A_26 step %scan3A_27  : i32 {
      %mul3A_118 = arith.constant 3 : i32
      %mul3A_119 = arith.muli %mul3A_118, %scan3A_117 : i32
      %add3A_120 = arith.constant 2 : i32
      %add3A_121 = arith.addi %mul3A_119, %add3A_120 : i32
      %mul3A_122 = arith.constant 10000 : i32
      %mul3A_123 = arith.muli %add3A, %mul3A_122 : i32
      %mul3A_124 = arith.constant 80 : i32
      %mul3A_125 = arith.muli %add3A_121, %mul3A_124 : i32
      %add3A_126 = arith.addi %mul3A_123, %mul3A_125 : i32
      "tpu.region"() ({
        %run_scoped3A = tpu.sem_alloc : memref<!tpu.dma_semaphore, #tpu.memory_space<semaphore_mem>>
        %dma_start3A_190 = tpu.memref_slice %arg2[%add3A_126] : memref<320000xi32, #tpu.memory_space<hbm>> -> memref<80xi32, #tpu.memory_space<hbm>>
        %dma_start3A_191 = tpu.memref_slice %arg2[%add3A_126] : memref<320000xi32, #tpu.memory_space<hbm>> -> memref<80xi32, #tpu.memory_space<hbm>>
        tpu.enqueue_dma source(%dma_start3A_191 : memref<80xi32, #tpu.memory_space<hbm>>) target(%arg18 : memref<80xi32, #tpu.memory_space<vmem>>) target_semaphore(%run_scoped3A : memref<!tpu.dma_semaphore, #tpu.memory_space<semaphore_mem>>)
        %dma_wait3A_192 = tpu.memref_slice %arg2[%add3A_126] : memref<320000xi32, #tpu.memory_space<hbm>> -> memref<80xi32, #tpu.memory_space<hbm>>
        %dma_wait3A_193 = tpu.memref_slice %arg2[%add3A_126] : memref<320000xi32, #tpu.memory_space<hbm>> -> memref<80xi32, #tpu.memory_space<hbm>>
        tpu.wait_dma2 semaphore(%run_scoped3A : memref<!tpu.dma_semaphore, #tpu.memory_space<semaphore_mem>>) src(%dma_wait3A_193 : memref<80xi32, #tpu.memory_space<hbm>>) dst(%arg18 : memref<80xi32, #tpu.memory_space<vmem>>)
        tpu.yield
      }) : () -> ()
      %mul3A_127 = arith.constant 3 : i32
      %mul3A_128 = arith.muli %mul3A_127, %scan3A_117 : i32
      %add3A_129 = arith.constant 2 : i32
      %add3A_130 = arith.addi %mul3A_128, %add3A_129 : i32
      %mul3A_131 = arith.constant 10000 : i32
      %mul3A_132 = arith.muli %add3A, %mul3A_131 : i32
      %mul3A_133 = arith.constant 80 : i32
      %mul3A_134 = arith.muli %add3A_130, %mul3A_133 : i32
      %add3A_135 = arith.addi %mul3A_132, %mul3A_134 : i32
      "tpu.region"() ({
        %run_scoped3A = tpu.sem_alloc : memref<!tpu.dma_semaphore, #tpu.memory_space<semaphore_mem>>
        %dma_start3A_190 = tpu.memref_slice %arg3[%add3A_135] : memref<320000xi32, #tpu.memory_space<hbm>> -> memref<80xi32, #tpu.memory_space<hbm>>
        %dma_start3A_191 = tpu.memref_slice %arg3[%add3A_135] : memref<320000xi32, #tpu.memory_space<hbm>> -> memref<80xi32, #tpu.memory_space<hbm>>
        tpu.enqueue_dma source(%dma_start3A_191 : memref<80xi32, #tpu.memory_space<hbm>>) target(%arg19 : memref<80xi32, #tpu.memory_space<vmem>>) target_semaphore(%run_scoped3A : memref<!tpu.dma_semaphore, #tpu.memory_space<semaphore_mem>>)
        %dma_wait3A_192 = tpu.memref_slice %arg3[%add3A_135] : memref<320000xi32, #tpu.memory_space<hbm>> -> memref<80xi32, #tpu.memory_space<hbm>>
        %dma_wait3A_193 = tpu.memref_slice %arg3[%add3A_135] : memref<320000xi32, #tpu.memory_space<hbm>> -> memref<80xi32, #tpu.memory_space<hbm>>
        tpu.wait_dma2 semaphore(%run_scoped3A : memref<!tpu.dma_semaphore, #tpu.memory_space<semaphore_mem>>) src(%dma_wait3A_193 : memref<80xi32, #tpu.memory_space<hbm>>) dst(%arg19 : memref<80xi32, #tpu.memory_space<vmem>>)
        tpu.yield
      }) : () -> ()
      %dma_wait3A_136 = arith.constant 0 : i32
      %dma_wait3A_137 = arith.constant 0 : i32
      %dma_wait3A_138 = tpu.memref_slice %arg4[%dma_wait3A_136, %dma_wait3A_137] : memref<10000x128xf32, #tpu.memory_space<hbm>> -> memref<10000x128xf32, #tpu.memory_space<hbm>>
      tpu.wait_indirect_dma semaphore(%arg24 : memref<!tpu.dma_semaphore, #tpu.memory_space<semaphore_mem>>) src(%dma_wait3A_138 : memref<10000x128xf32, #tpu.memory_space<hbm>>) dst(%arg20 : memref<80x128xf32, #tpu.memory_space<vmem>>)
      %dma_start3A_139 = arith.constant 0 : i32
      %dma_start3A_140 = arith.constant 0 : i32
      %dma_start3A_141 = tpu.memref_slice %arg4[%dma_start3A_139, %dma_start3A_140] : memref<10000x128xf32, #tpu.memory_space<hbm>> -> memref<10000x128xf32, #tpu.memory_space<hbm>>
      tpu.enqueue_indirect_dma source(%dma_start3A_141 : memref<10000x128xf32, #tpu.memory_space<hbm>>) target(%arg22 : memref<80x128xf32, #tpu.memory_space<vmem>>) offsets(%arg18 : memref<80xi32, #tpu.memory_space<vmem>>) semaphore(%arg26 : memref<!tpu.dma_semaphore, #tpu.memory_space<semaphore_mem>>)
      "tpu.region"() ({
        %run_scoped3A = tpu.sem_alloc : memref<!tpu.dma_semaphore, #tpu.memory_space<semaphore_mem>>
        %dma_start3A_190 = arith.constant 0 : i32
        %dma_start3A_191 = arith.constant 0 : i32
        %dma_start3A_192 = tpu.memref_slice %arg28[%dma_start3A_190, %dma_start3A_191] : memref<10240x128xf32, #tpu.memory_space<vmem_shared>> -> memref<10240x128xf32, #tpu.memory_space<vmem_shared>>
        tpu.enqueue_indirect_dma source(%arg20 : memref<80x128xf32, #tpu.memory_space<vmem>>) target(%dma_start3A_192 : memref<10240x128xf32, #tpu.memory_space<vmem_shared>>) offsets(%arg15 : memref<80xi32, #tpu.memory_space<vmem>>) semaphore(%run_scoped3A : memref<!tpu.dma_semaphore, #tpu.memory_space<semaphore_mem>>) {add = true}
        %dma_wait3A_193 = arith.constant 0 : i32
        %dma_wait3A_194 = arith.constant 0 : i32
        %dma_wait3A_195 = tpu.memref_slice %arg28[%dma_wait3A_193, %dma_wait3A_194] : memref<10240x128xf32, #tpu.memory_space<vmem_shared>> -> memref<10240x128xf32, #tpu.memory_space<vmem_shared>>
        tpu.wait_indirect_dma semaphore(%run_scoped3A : memref<!tpu.dma_semaphore, #tpu.memory_space<semaphore_mem>>) src(%arg20 : memref<80x128xf32, #tpu.memory_space<vmem>>) dst(%dma_wait3A_195 : memref<10240x128xf32, #tpu.memory_space<vmem_shared>>)
        tpu.yield
      }) : () -> ()
      %mul3A_142 = arith.constant 3 : i32
      %mul3A_143 = arith.muli %mul3A_142, %scan3A_117 : i32
      %add3A_144 = arith.constant 3 : i32
      %add3A_145 = arith.addi %mul3A_143, %add3A_144 : i32
      %mul3A_146 = arith.constant 10000 : i32
      %mul3A_147 = arith.muli %add3A, %mul3A_146 : i32
      %mul3A_148 = arith.constant 80 : i32
      %mul3A_149 = arith.muli %add3A_145, %mul3A_148 : i32
      %add3A_150 = arith.addi %mul3A_147, %mul3A_149 : i32
      "tpu.region"() ({
        %run_scoped3A = tpu.sem_alloc : memref<!tpu.dma_semaphore, #tpu.memory_space<semaphore_mem>>
        %dma_start3A_190 = tpu.memref_slice %arg2[%add3A_150] : memref<320000xi32, #tpu.memory_space<hbm>> -> memref<80xi32, #tpu.memory_space<hbm>>
        %dma_start3A_191 = tpu.memref_slice %arg2[%add3A_150] : memref<320000xi32, #tpu.memory_space<hbm>> -> memref<80xi32, #tpu.memory_space<hbm>>
        tpu.enqueue_dma source(%dma_start3A_191 : memref<80xi32, #tpu.memory_space<hbm>>) target(%arg14 : memref<80xi32, #tpu.memory_space<vmem>>) target_semaphore(%run_scoped3A : memref<!tpu.dma_semaphore, #tpu.memory_space<semaphore_mem>>)
        %dma_wait3A_192 = tpu.memref_slice %arg2[%add3A_150] : memref<320000xi32, #tpu.memory_space<hbm>> -> memref<80xi32, #tpu.memory_space<hbm>>
        %dma_wait3A_193 = tpu.memref_slice %arg2[%add3A_150] : memref<320000xi32, #tpu.memory_space<hbm>> -> memref<80xi32, #tpu.memory_space<hbm>>
        tpu.wait_dma2 semaphore(%run_scoped3A : memref<!tpu.dma_semaphore, #tpu.memory_space<semaphore_mem>>) src(%dma_wait3A_193 : memref<80xi32, #tpu.memory_space<hbm>>) dst(%arg14 : memref<80xi32, #tpu.memory_space<vmem>>)
        tpu.yield
      }) : () -> ()
      %mul3A_151 = arith.constant 3 : i32
      %mul3A_152 = arith.muli %mul3A_151, %scan3A_117 : i32
      %add3A_153 = arith.constant 3 : i32
      %add3A_154 = arith.addi %mul3A_152, %add3A_153 : i32
      %mul3A_155 = arith.constant 10000 : i32
      %mul3A_156 = arith.muli %add3A, %mul3A_155 : i32
      %mul3A_157 = arith.constant 80 : i32
      %mul3A_158 = arith.muli %add3A_154, %mul3A_157 : i32
      %add3A_159 = arith.addi %mul3A_156, %mul3A_158 : i32
      "tpu.region"() ({
        %run_scoped3A = tpu.sem_alloc : memref<!tpu.dma_semaphore, #tpu.memory_space<semaphore_mem>>
        %dma_start3A_190 = tpu.memref_slice %arg3[%add3A_159] : memref<320000xi32, #tpu.memory_space<hbm>> -> memref<80xi32, #tpu.memory_space<hbm>>
        %dma_start3A_191 = tpu.memref_slice %arg3[%add3A_159] : memref<320000xi32, #tpu.memory_space<hbm>> -> memref<80xi32, #tpu.memory_space<hbm>>
        tpu.enqueue_dma source(%dma_start3A_191 : memref<80xi32, #tpu.memory_space<hbm>>) target(%arg15 : memref<80xi32, #tpu.memory_space<vmem>>) target_semaphore(%run_scoped3A : memref<!tpu.dma_semaphore, #tpu.memory_space<semaphore_mem>>)
        %dma_wait3A_192 = tpu.memref_slice %arg3[%add3A_159] : memref<320000xi32, #tpu.memory_space<hbm>> -> memref<80xi32, #tpu.memory_space<hbm>>
        %dma_wait3A_193 = tpu.memref_slice %arg3[%add3A_159] : memref<320000xi32, #tpu.memory_space<hbm>> -> memref<80xi32, #tpu.memory_space<hbm>>
        tpu.wait_dma2 semaphore(%run_scoped3A : memref<!tpu.dma_semaphore, #tpu.memory_space<semaphore_mem>>) src(%dma_wait3A_193 : memref<80xi32, #tpu.memory_space<hbm>>) dst(%arg15 : memref<80xi32, #tpu.memory_space<vmem>>)
        tpu.yield
      }) : () -> ()
      %dma_wait3A_160 = arith.constant 0 : i32
      %dma_wait3A_161 = arith.constant 0 : i32
      %dma_wait3A_162 = tpu.memref_slice %arg4[%dma_wait3A_160, %dma_wait3A_161] : memref<10000x128xf32, #tpu.memory_space<hbm>> -> memref<10000x128xf32, #tpu.memory_space<hbm>>
      tpu.wait_indirect_dma semaphore(%arg25 : memref<!tpu.dma_semaphore, #tpu.memory_space<semaphore_mem>>) src(%dma_wait3A_162 : memref<10000x128xf32, #tpu.memory_space<hbm>>) dst(%arg21 : memref<80x128xf32, #tpu.memory_space<vmem>>)
      %dma_start3A_163 = arith.constant 0 : i32
      %dma_start3A_164 = arith.constant 0 : i32
      %dma_start3A_165 = tpu.memref_slice %arg4[%dma_start3A_163, %dma_start3A_164] : memref<10000x128xf32, #tpu.memory_space<hbm>> -> memref<10000x128xf32, #tpu.memory_space<hbm>>
      tpu.enqueue_indirect_dma source(%dma_start3A_165 : memref<10000x128xf32, #tpu.memory_space<hbm>>) target(%arg20 : memref<80x128xf32, #tpu.memory_space<vmem>>) offsets(%arg14 : memref<80xi32, #tpu.memory_space<vmem>>) semaphore(%arg24 : memref<!tpu.dma_semaphore, #tpu.memory_space<semaphore_mem>>)
      "tpu.region"() ({
        %run_scoped3A = tpu.sem_alloc : memref<!tpu.dma_semaphore, #tpu.memory_space<semaphore_mem>>
        %dma_start3A_190 = arith.constant 0 : i32
        %dma_start3A_191 = arith.constant 0 : i32
        %dma_start3A_192 = tpu.memref_slice %arg28[%dma_start3A_190, %dma_start3A_191] : memref<10240x128xf32, #tpu.memory_space<vmem_shared>> -> memref<10240x128xf32, #tpu.memory_space<vmem_shared>>
        tpu.enqueue_indirect_dma source(%arg21 : memref<80x128xf32, #tpu.memory_space<vmem>>) target(%dma_start3A_192 : memref<10240x128xf32, #tpu.memory_space<vmem_shared>>) offsets(%arg17 : memref<80xi32, #tpu.memory_space<vmem>>) semaphore(%run_scoped3A : memref<!tpu.dma_semaphore, #tpu.memory_space<semaphore_mem>>) {add = true}
        %dma_wait3A_193 = arith.constant 0 : i32
        %dma_wait3A_194 = arith.constant 0 : i32
        %dma_wait3A_195 = tpu.memref_slice %arg28[%dma_wait3A_193, %dma_wait3A_194] : memref<10240x128xf32, #tpu.memory_space<vmem_shared>> -> memref<10240x128xf32, #tpu.memory_space<vmem_shared>>
        tpu.wait_indirect_dma semaphore(%run_scoped3A : memref<!tpu.dma_semaphore, #tpu.memory_space<semaphore_mem>>) src(%arg21 : memref<80x128xf32, #tpu.memory_space<vmem>>) dst(%dma_wait3A_195 : memref<10240x128xf32, #tpu.memory_space<vmem_shared>>)
        tpu.yield
      }) : () -> ()
      %mul3A_166 = arith.constant 3 : i32
      %mul3A_167 = arith.muli %mul3A_166, %scan3A_117 : i32
      %add3A_168 = arith.constant 4 : i32
      %add3A_169 = arith.addi %mul3A_167, %add3A_168 : i32
      %mul3A_170 = arith.constant 10000 : i32
      %mul3A_171 = arith.muli %add3A, %mul3A_170 : i32
      %mul3A_172 = arith.constant 80 : i32
      %mul3A_173 = arith.muli %add3A_169, %mul3A_172 : i32
      %add3A_174 = arith.addi %mul3A_171, %mul3A_173 : i32
      "tpu.region"() ({
        %run_scoped3A = tpu.sem_alloc : memref<!tpu.dma_semaphore, #tpu.memory_space<semaphore_mem>>
        %dma_start3A_190 = tpu.memref_slice %arg2[%add3A_174] : memref<320000xi32, #tpu.memory_space<hbm>> -> memref<80xi32, #tpu.memory_space<hbm>>
        %dma_start3A_191 = tpu.memref_slice %arg2[%add3A_174] : memref<320000xi32, #tpu.memory_space<hbm>> -> memref<80xi32, #tpu.memory_space<hbm>>
        tpu.enqueue_dma source(%dma_start3A_191 : memref<80xi32, #tpu.memory_space<hbm>>) target(%arg16 : memref<80xi32, #tpu.memory_space<vmem>>) target_semaphore(%run_scoped3A : memref<!tpu.dma_semaphore, #tpu.memory_space<semaphore_mem>>)
        %dma_wait3A_192 = tpu.memref_slice %arg2[%add3A_174] : memref<320000xi32, #tpu.memory_space<hbm>> -> memref<80xi32, #tpu.memory_space<hbm>>
        %dma_wait3A_193 = tpu.memref_slice %arg2[%add3A_174] : memref<320000xi32, #tpu.memory_space<hbm>> -> memref<80xi32, #tpu.memory_space<hbm>>
        tpu.wait_dma2 semaphore(%run_scoped3A : memref<!tpu.dma_semaphore, #tpu.memory_space<semaphore_mem>>) src(%dma_wait3A_193 : memref<80xi32, #tpu.memory_space<hbm>>) dst(%arg16 : memref<80xi32, #tpu.memory_space<vmem>>)
        tpu.yield
      }) : () -> ()
      %mul3A_175 = arith.constant 3 : i32
      %mul3A_176 = arith.muli %mul3A_175, %scan3A_117 : i32
      %add3A_177 = arith.constant 4 : i32
      %add3A_178 = arith.addi %mul3A_176, %add3A_177 : i32
      %mul3A_179 = arith.constant 10000 : i32
      %mul3A_180 = arith.muli %add3A, %mul3A_179 : i32
      %mul3A_181 = arith.constant 80 : i32
      %mul3A_182 = arith.muli %add3A_178, %mul3A_181 : i32
      %add3A_183 = arith.addi %mul3A_180, %mul3A_182 : i32
      "tpu.region"() ({
        %run_scoped3A = tpu.sem_alloc : memref<!tpu.dma_semaphore, #tpu.memory_space<semaphore_mem>>
        %dma_start3A_190 = tpu.memref_slice %arg3[%add3A_183] : memref<320000xi32, #tpu.memory_space<hbm>> -> memref<80xi32, #tpu.memory_space<hbm>>
        %dma_start3A_191 = tpu.memref_slice %arg3[%add3A_183] : memref<320000xi32, #tpu.memory_space<hbm>> -> memref<80xi32, #tpu.memory_space<hbm>>
        tpu.enqueue_dma source(%dma_start3A_191 : memref<80xi32, #tpu.memory_space<hbm>>) target(%arg17 : memref<80xi32, #tpu.memory_space<vmem>>) target_semaphore(%run_scoped3A : memref<!tpu.dma_semaphore, #tpu.memory_space<semaphore_mem>>)
        %dma_wait3A_192 = tpu.memref_slice %arg3[%add3A_183] : memref<320000xi32, #tpu.memory_space<hbm>> -> memref<80xi32, #tpu.memory_space<hbm>>
        %dma_wait3A_193 = tpu.memref_slice %arg3[%add3A_183] : memref<320000xi32, #tpu.memory_space<hbm>> -> memref<80xi32, #tpu.memory_space<hbm>>
        tpu.wait_dma2 semaphore(%run_scoped3A : memref<!tpu.dma_semaphore, #tpu.memory_space<semaphore_mem>>) src(%dma_wait3A_193 : memref<80xi32, #tpu.memory_space<hbm>>) dst(%arg17 : memref<80xi32, #tpu.memory_space<vmem>>)
        tpu.yield
      }) : () -> ()
      %dma_wait3A_184 = arith.constant 0 : i32
      %dma_wait3A_185 = arith.constant 0 : i32
      %dma_wait3A_186 = tpu.memref_slice %arg4[%dma_wait3A_184, %dma_wait3A_185] : memref<10000x128xf32, #tpu.memory_space<hbm>> -> memref<10000x128xf32, #tpu.memory_space<hbm>>
      tpu.wait_indirect_dma semaphore(%arg26 : memref<!tpu.dma_semaphore, #tpu.memory_space<semaphore_mem>>) src(%dma_wait3A_186 : memref<10000x128xf32, #tpu.memory_space<hbm>>) dst(%arg22 : memref<80x128xf32, #tpu.memory_space<vmem>>)
      %dma_start3A_187 = arith.constant 0 : i32
      %dma_start3A_188 = arith.constant 0 : i32
      %dma_start3A_189 = tpu.memref_slice %arg4[%dma_start3A_187, %dma_start3A_188] : memref<10000x128xf32, #tpu.memory_space<hbm>> -> memref<10000x128xf32, #tpu.memory_space<hbm>>
      tpu.enqueue_indirect_dma source(%dma_start3A_189 : memref<10000x128xf32, #tpu.memory_space<hbm>>) target(%arg21 : memref<80x128xf32, #tpu.memory_space<vmem>>) offsets(%arg16 : memref<80xi32, #tpu.memory_space<vmem>>) semaphore(%arg25 : memref<!tpu.dma_semaphore, #tpu.memory_space<semaphore_mem>>)
      "tpu.region"() ({
        %run_scoped3A = tpu.sem_alloc : memref<!tpu.dma_semaphore, #tpu.memory_space<semaphore_mem>>
        %dma_start3A_190 = arith.constant 0 : i32
        %dma_start3A_191 = arith.constant 0 : i32
        %dma_start3A_192 = tpu.memref_slice %arg28[%dma_start3A_190, %dma_start3A_191] : memref<10240x128xf32, #tpu.memory_space<vmem_shared>> -> memref<10240x128xf32, #tpu.memory_space<vmem_shared>>
        tpu.enqueue_indirect_dma source(%arg22 : memref<80x128xf32, #tpu.memory_space<vmem>>) target(%dma_start3A_192 : memref<10240x128xf32, #tpu.memory_space<vmem_shared>>) offsets(%arg19 : memref<80xi32, #tpu.memory_space<vmem>>) semaphore(%run_scoped3A : memref<!tpu.dma_semaphore, #tpu.memory_space<semaphore_mem>>) {add = true}
        %dma_wait3A_193 = arith.constant 0 : i32
        %dma_wait3A_194 = arith.constant 0 : i32
        %dma_wait3A_195 = tpu.memref_slice %arg28[%dma_wait3A_193, %dma_wait3A_194] : memref<10240x128xf32, #tpu.memory_space<vmem_shared>> -> memref<10240x128xf32, #tpu.memory_space<vmem_shared>>
        tpu.wait_indirect_dma semaphore(%run_scoped3A : memref<!tpu.dma_semaphore, #tpu.memory_space<semaphore_mem>>) src(%arg22 : memref<80x128xf32, #tpu.memory_space<vmem>>) dst(%dma_wait3A_195 : memref<10240x128xf32, #tpu.memory_space<vmem_shared>>)
        tpu.yield
      }) : () -> ()
    }
    %scan3A_28 = arith.constant 41 : i32
    %dma_wait3A = arith.constant 0 : i32
    %dma_wait3A_29 = arith.constant 0 : i32
    %dma_wait3A_30 = tpu.memref_slice %arg4[%dma_wait3A, %dma_wait3A_29] : memref<10000x128xf32, #tpu.memory_space<hbm>> -> memref<10000x128xf32, #tpu.memory_space<hbm>>
    tpu.wait_indirect_dma semaphore(%arg24 : memref<!tpu.dma_semaphore, #tpu.memory_space<semaphore_mem>>) src(%dma_wait3A_30 : memref<10000x128xf32, #tpu.memory_space<hbm>>) dst(%arg20 : memref<80x128xf32, #tpu.memory_space<vmem>>)
    "tpu.region"() ({
      %run_scoped3A = tpu.sem_alloc : memref<!tpu.dma_semaphore, #tpu.memory_space<semaphore_mem>>
      %dma_start3A_117 = arith.constant 0 : i32
      %dma_start3A_118 = arith.constant 0 : i32
      %dma_start3A_119 = tpu.memref_slice %arg28[%dma_start3A_117, %dma_start3A_118] : memref<10240x128xf32, #tpu.memory_space<vmem_shared>> -> memref<10240x128xf32, #tpu.memory_space<vmem_shared>>
      tpu.enqueue_indirect_dma source(%arg20 : memref<80x128xf32, #tpu.memory_space<vmem>>) target(%dma_start3A_119 : memref<10240x128xf32, #tpu.memory_space<vmem_shared>>) offsets(%arg15 : memref<80xi32, #tpu.memory_space<vmem>>) semaphore(%run_scoped3A : memref<!tpu.dma_semaphore, #tpu.memory_space<semaphore_mem>>) {add = true}
      %dma_wait3A_120 = arith.constant 0 : i32
      %dma_wait3A_121 = arith.constant 0 : i32
      %dma_wait3A_122 = tpu.memref_slice %arg28[%dma_wait3A_120, %dma_wait3A_121] : memref<10240x128xf32, #tpu.memory_space<vmem_shared>> -> memref<10240x128xf32, #tpu.memory_space<vmem_shared>>
      tpu.wait_indirect_dma semaphore(%run_scoped3A : memref<!tpu.dma_semaphore, #tpu.memory_space<semaphore_mem>>) src(%arg20 : memref<80x128xf32, #tpu.memory_space<vmem>>) dst(%dma_wait3A_122 : memref<10240x128xf32, #tpu.memory_space<vmem_shared>>)
      tpu.yield
    }) : () -> ()
    %dma_wait3A_31 = arith.constant 0 : i32
    %dma_wait3A_32 = arith.constant 0 : i32
    %dma_wait3A_33 = tpu.memref_slice %arg4[%dma_wait3A_31, %dma_wait3A_32] : memref<10000x128xf32, #tpu.memory_space<hbm>> -> memref<10000x128xf32, #tpu.memory_space<hbm>>
    tpu.wait_indirect_dma semaphore(%arg25 : memref<!tpu.dma_semaphore, #tpu.memory_space<semaphore_mem>>) src(%dma_wait3A_33 : memref<10000x128xf32, #tpu.memory_space<hbm>>) dst(%arg21 : memref<80x128xf32, #tpu.memory_space<vmem>>)
    "tpu.region"() ({
      %run_scoped3A = tpu.sem_alloc : memref<!tpu.dma_semaphore, #tpu.memory_space<semaphore_mem>>
      %dma_start3A_117 = arith.constant 0 : i32
      %dma_start3A_118 = arith.constant 0 : i32
      %dma_start3A_119 = tpu.memref_slice %arg28[%dma_start3A_117, %dma_start3A_118] : memref<10240x128xf32, #tpu.memory_space<vmem_shared>> -> memref<10240x128xf32, #tpu.memory_space<vmem_shared>>
      tpu.enqueue_indirect_dma source(%arg21 : memref<80x128xf32, #tpu.memory_space<vmem>>) target(%dma_start3A_119 : memref<10240x128xf32, #tpu.memory_space<vmem_shared>>) offsets(%arg17 : memref<80xi32, #tpu.memory_space<vmem>>) semaphore(%run_scoped3A : memref<!tpu.dma_semaphore, #tpu.memory_space<semaphore_mem>>) {add = true}
      %dma_wait3A_120 = arith.constant 0 : i32
      %dma_wait3A_121 = arith.constant 0 : i32
      %dma_wait3A_122 = tpu.memref_slice %arg28[%dma_wait3A_120, %dma_wait3A_121] : memref<10240x128xf32, #tpu.memory_space<vmem_shared>> -> memref<10240x128xf32, #tpu.memory_space<vmem_shared>>
      tpu.wait_indirect_dma semaphore(%run_scoped3A : memref<!tpu.dma_semaphore, #tpu.memory_space<semaphore_mem>>) src(%arg21 : memref<80x128xf32, #tpu.memory_space<vmem>>) dst(%dma_wait3A_122 : memref<10240x128xf32, #tpu.memory_space<vmem_shared>>)
      tpu.yield
    }) : () -> ()
    %barrier3A_34 = arith.constant 0 : index
    tpu.barrier barrier_id(%barrier3A_34)
    %mul3A_35 = arith.constant 640 : i32
    %mul3A_36 = arith.muli %arg1, %mul3A_35 : i32
    %mul3A_37 = arith.constant 640 : i32
    %mul3A_38 = arith.muli %arg1, %mul3A_37 : i32
    "tpu.region"() ({
      %run_scoped3A = tpu.sem_alloc : memref<!tpu.dma_semaphore, #tpu.memory_space<semaphore_mem>>
      %dma_start3A_117 = arith.constant 0 : i32
      %dma_start3A_118 = tpu.memref_slice %arg10[%arg0, %mul3A_38, %dma_start3A_117] : memref<2x10240x128xf32, #tpu.memory_space<hbm>> -> memref<1x640x128xf32, #tpu.memory_space<hbm>>
      %dma_start3A_119 = tpu.memref_squeeze %dma_start3A_118 : memref<1x640x128xf32, #tpu.memory_space<hbm>> -> memref<640x128xf32, #tpu.memory_space<hbm>>
      %dma_start3A_120 = arith.constant 0 : i32
      %dma_start3A_121 = tpu.memref_slice %arg28[%mul3A_36, %dma_start3A_120] : memref<10240x128xf32, #tpu.memory_space<vmem_shared>> -> memref<640x128xf32, #tpu.memory_space<vmem_shared>>
      tpu.enqueue_dma source(%dma_start3A_121 : memref<640x128xf32, #tpu.memory_space<vmem_shared>>) target(%dma_start3A_119 : memref<640x128xf32, #tpu.memory_space<hbm>>) target_semaphore(%run_scoped3A : memref<!tpu.dma_semaphore, #tpu.memory_space<semaphore_mem>>)
      %dma_wait3A_122 = arith.constant 0 : i32
      %dma_wait3A_123 = tpu.memref_slice %arg10[%arg0, %mul3A_38, %dma_wait3A_122] : memref<2x10240x128xf32, #tpu.memory_space<hbm>> -> memref<1x640x128xf32, #tpu.memory_space<hbm>>
      %dma_wait3A_124 = tpu.memref_squeeze %dma_wait3A_123 : memref<1x640x128xf32, #tpu.memory_space<hbm>> -> memref<640x128xf32, #tpu.memory_space<hbm>>
      %dma_wait3A_125 = arith.constant 0 : i32
      %dma_wait3A_126 = tpu.memref_slice %arg28[%mul3A_36, %dma_wait3A_125] : memref<10240x128xf32, #tpu.memory_space<vmem_shared>> -> memref<640x128xf32, #tpu.memory_space<vmem_shared>>
      tpu.wait_dma2 semaphore(%run_scoped3A : memref<!tpu.dma_semaphore, #tpu.memory_space<semaphore_mem>>) src(%dma_wait3A_126 : memref<640x128xf32, #tpu.memory_space<vmem_shared>>) dst(%dma_wait3A_124 : memref<640x128xf32, #tpu.memory_space<hbm>>)
      tpu.yield
    }) : () -> ()
    %mul3A_39 = arith.constant 640 : i32
    %mul3A_40 = arith.muli %arg1, %mul3A_39 : i32
    "tpu.region"() ({
      %run_scoped3A = tpu.sem_alloc : memref<!tpu.dma_semaphore, #tpu.memory_space<semaphore_mem>>
      %dma_start3A_117 = arith.constant 0 : i32
      %dma_start3A_118 = tpu.memref_slice %arg28[%mul3A_40, %dma_start3A_117] : memref<10240x128xf32, #tpu.memory_space<vmem_shared>> -> memref<640x128xf32, #tpu.memory_space<vmem_shared>>
      tpu.enqueue_dma source(%arg8 : memref<640x128xf32, #tpu.memory_space<hbm>>) target(%dma_start3A_118 : memref<640x128xf32, #tpu.memory_space<vmem_shared>>) target_semaphore(%run_scoped3A : memref<!tpu.dma_semaphore, #tpu.memory_space<semaphore_mem>>)
      %dma_wait3A_119 = arith.constant 0 : i32
      %dma_wait3A_120 = tpu.memref_slice %arg28[%mul3A_40, %dma_wait3A_119] : memref<10240x128xf32, #tpu.memory_space<vmem_shared>> -> memref<640x128xf32, #tpu.memory_space<vmem_shared>>
      tpu.wait_dma2 semaphore(%run_scoped3A : memref<!tpu.dma_semaphore, #tpu.memory_space<semaphore_mem>>) src(%arg8 : memref<640x128xf32, #tpu.memory_space<hbm>>) dst(%dma_wait3A_120 : memref<640x128xf32, #tpu.memory_space<vmem_shared>>)
      tpu.yield
    }) : () -> ()
    %barrier3A_41 = arith.constant 0 : index
    tpu.barrier barrier_id(%barrier3A_41)
    %mul3A_42 = arith.constant 10000 : i32
    %mul3A_43 = arith.muli %add3A, %mul3A_42 : i32
    %add3A_44 = arith.constant 0 : i32
    %add3A_45 = arith.addi %mul3A_43, %add3A_44 : i32
    "tpu.region"() ({
      %run_scoped3A = tpu.sem_alloc : memref<!tpu.dma_semaphore, #tpu.memory_space<semaphore_mem>>
      %dma_start3A_117 = tpu.memref_slice %arg5[%add3A_45] : memref<320000xi32, #tpu.memory_space<hbm>> -> memref<80xi32, #tpu.memory_space<hbm>>
      %dma_start3A_118 = tpu.memref_slice %arg5[%add3A_45] : memref<320000xi32, #tpu.memory_space<hbm>> -> memref<80xi32, #tpu.memory_space<hbm>>
      tpu.enqueue_dma source(%dma_start3A_118 : memref<80xi32, #tpu.memory_space<hbm>>) target(%arg14 : memref<80xi32, #tpu.memory_space<vmem>>) target_semaphore(%run_scoped3A : memref<!tpu.dma_semaphore, #tpu.memory_space<semaphore_mem>>)
      %dma_wait3A_119 = tpu.memref_slice %arg5[%add3A_45] : memref<320000xi32, #tpu.memory_space<hbm>> -> memref<80xi32, #tpu.memory_space<hbm>>
      %dma_wait3A_120 = tpu.memref_slice %arg5[%add3A_45] : memref<320000xi32, #tpu.memory_space<hbm>> -> memref<80xi32, #tpu.memory_space<hbm>>
      tpu.wait_dma2 semaphore(%run_scoped3A : memref<!tpu.dma_semaphore, #tpu.memory_space<semaphore_mem>>) src(%dma_wait3A_120 : memref<80xi32, #tpu.memory_space<hbm>>) dst(%arg14 : memref<80xi32, #tpu.memory_space<vmem>>)
      tpu.yield
    }) : () -> ()
    %mul3A_46 = arith.constant 10000 : i32
    %mul3A_47 = arith.muli %add3A, %mul3A_46 : i32
    %add3A_48 = arith.constant 0 : i32
    %add3A_49 = arith.addi %mul3A_47, %add3A_48 : i32
    "tpu.region"() ({
      %run_scoped3A = tpu.sem_alloc : memref<!tpu.dma_semaphore, #tpu.memory_space<semaphore_mem>>
      %dma_start3A_117 = tpu.memref_slice %arg6[%add3A_49] : memref<320000xi32, #tpu.memory_space<hbm>> -> memref<80xi32, #tpu.memory_space<hbm>>
      %dma_start3A_118 = tpu.memref_slice %arg6[%add3A_49] : memref<320000xi32, #tpu.memory_space<hbm>> -> memref<80xi32, #tpu.memory_space<hbm>>
      tpu.enqueue_dma source(%dma_start3A_118 : memref<80xi32, #tpu.memory_space<hbm>>) target(%arg15 : memref<80xi32, #tpu.memory_space<vmem>>) target_semaphore(%run_scoped3A : memref<!tpu.dma_semaphore, #tpu.memory_space<semaphore_mem>>)
      %dma_wait3A_119 = tpu.memref_slice %arg6[%add3A_49] : memref<320000xi32, #tpu.memory_space<hbm>> -> memref<80xi32, #tpu.memory_space<hbm>>
      %dma_wait3A_120 = tpu.memref_slice %arg6[%add3A_49] : memref<320000xi32, #tpu.memory_space<hbm>> -> memref<80xi32, #tpu.memory_space<hbm>>
      tpu.wait_dma2 semaphore(%run_scoped3A : memref<!tpu.dma_semaphore, #tpu.memory_space<semaphore_mem>>) src(%dma_wait3A_120 : memref<80xi32, #tpu.memory_space<hbm>>) dst(%arg15 : memref<80xi32, #tpu.memory_space<vmem>>)
      tpu.yield
    }) : () -> ()
    %dma_start3A_50 = arith.constant 0 : i32
    %dma_start3A_51 = arith.constant 0 : i32
    %dma_start3A_52 = tpu.memref_slice %arg7[%dma_start3A_50, %dma_start3A_51] : memref<10000x128xf32, #tpu.memory_space<hbm>> -> memref<10000x128xf32, #tpu.memory_space<hbm>>
    tpu.enqueue_indirect_dma source(%dma_start3A_52 : memref<10000x128xf32, #tpu.memory_space<hbm>>) target(%arg20 : memref<80x128xf32, #tpu.memory_space<vmem>>) offsets(%arg14 : memref<80xi32, #tpu.memory_space<vmem>>) semaphore(%arg24 : memref<!tpu.dma_semaphore, #tpu.memory_space<semaphore_mem>>)
    %mul3A_53 = arith.constant 10000 : i32
    %mul3A_54 = arith.muli %add3A, %mul3A_53 : i32
    %add3A_55 = arith.constant 80 : i32
    %add3A_56 = arith.addi %mul3A_54, %add3A_55 : i32
    "tpu.region"() ({
      %run_scoped3A = tpu.sem_alloc : memref<!tpu.dma_semaphore, #tpu.memory_space<semaphore_mem>>
      %dma_start3A_117 = tpu.memref_slice %arg5[%add3A_56] : memref<320000xi32, #tpu.memory_space<hbm>> -> memref<80xi32, #tpu.memory_space<hbm>>
      %dma_start3A_118 = tpu.memref_slice %arg5[%add3A_56] : memref<320000xi32, #tpu.memory_space<hbm>> -> memref<80xi32, #tpu.memory_space<hbm>>
      tpu.enqueue_dma source(%dma_start3A_118 : memref<80xi32, #tpu.memory_space<hbm>>) target(%arg16 : memref<80xi32, #tpu.memory_space<vmem>>) target_semaphore(%run_scoped3A : memref<!tpu.dma_semaphore, #tpu.memory_space<semaphore_mem>>)
      %dma_wait3A_119 = tpu.memref_slice %arg5[%add3A_56] : memref<320000xi32, #tpu.memory_space<hbm>> -> memref<80xi32, #tpu.memory_space<hbm>>
      %dma_wait3A_120 = tpu.memref_slice %arg5[%add3A_56] : memref<320000xi32, #tpu.memory_space<hbm>> -> memref<80xi32, #tpu.memory_space<hbm>>
      tpu.wait_dma2 semaphore(%run_scoped3A : memref<!tpu.dma_semaphore, #tpu.memory_space<semaphore_mem>>) src(%dma_wait3A_120 : memref<80xi32, #tpu.memory_space<hbm>>) dst(%arg16 : memref<80xi32, #tpu.memory_space<vmem>>)
      tpu.yield
    }) : () -> ()
    %mul3A_57 = arith.constant 10000 : i32
    %mul3A_58 = arith.muli %add3A, %mul3A_57 : i32
    %add3A_59 = arith.constant 80 : i32
    %add3A_60 = arith.addi %mul3A_58, %add3A_59 : i32
    "tpu.region"() ({
      %run_scoped3A = tpu.sem_alloc : memref<!tpu.dma_semaphore, #tpu.memory_space<semaphore_mem>>
      %dma_start3A_117 = tpu.memref_slice %arg6[%add3A_60] : memref<320000xi32, #tpu.memory_space<hbm>> -> memref<80xi32, #tpu.memory_space<hbm>>
      %dma_start3A_118 = tpu.memref_slice %arg6[%add3A_60] : memref<320000xi32, #tpu.memory_space<hbm>> -> memref<80xi32, #tpu.memory_space<hbm>>
      tpu.enqueue_dma source(%dma_start3A_118 : memref<80xi32, #tpu.memory_space<hbm>>) target(%arg17 : memref<80xi32, #tpu.memory_space<vmem>>) target_semaphore(%run_scoped3A : memref<!tpu.dma_semaphore, #tpu.memory_space<semaphore_mem>>)
      %dma_wait3A_119 = tpu.memref_slice %arg6[%add3A_60] : memref<320000xi32, #tpu.memory_space<hbm>> -> memref<80xi32, #tpu.memory_space<hbm>>
      %dma_wait3A_120 = tpu.memref_slice %arg6[%add3A_60] : memref<320000xi32, #tpu.memory_space<hbm>> -> memref<80xi32, #tpu.memory_space<hbm>>
      tpu.wait_dma2 semaphore(%run_scoped3A : memref<!tpu.dma_semaphore, #tpu.memory_space<semaphore_mem>>) src(%dma_wait3A_120 : memref<80xi32, #tpu.memory_space<hbm>>) dst(%arg17 : memref<80xi32, #tpu.memory_space<vmem>>)
      tpu.yield
    }) : () -> ()
    %dma_start3A_61 = arith.constant 0 : i32
    %dma_start3A_62 = arith.constant 0 : i32
    %dma_start3A_63 = tpu.memref_slice %arg7[%dma_start3A_61, %dma_start3A_62] : memref<10000x128xf32, #tpu.memory_space<hbm>> -> memref<10000x128xf32, #tpu.memory_space<hbm>>
    tpu.enqueue_indirect_dma source(%dma_start3A_63 : memref<10000x128xf32, #tpu.memory_space<hbm>>) target(%arg21 : memref<80x128xf32, #tpu.memory_space<vmem>>) offsets(%arg16 : memref<80xi32, #tpu.memory_space<vmem>>) semaphore(%arg25 : memref<!tpu.dma_semaphore, #tpu.memory_space<semaphore_mem>>)
    %scan3A_64 = arith.constant 0 : i32
    %scan3A_65 = arith.constant 0 : i32
    %scan3A_66 = arith.constant 41 : i32
    %scan3A_67 = arith.addi %scan3A_65, %scan3A_66 : i32
    %scan3A_68 = arith.constant 1 : i32
    scf.for %scan3A_117 = %scan3A_65 to %scan3A_67 step %scan3A_68  : i32 {
      %mul3A_118 = arith.constant 3 : i32
      %mul3A_119 = arith.muli %mul3A_118, %scan3A_117 : i32
      %add3A_120 = arith.constant 2 : i32
      %add3A_121 = arith.addi %mul3A_119, %add3A_120 : i32
      %mul3A_122 = arith.constant 10000 : i32
      %mul3A_123 = arith.muli %add3A, %mul3A_122 : i32
      %mul3A_124 = arith.constant 80 : i32
      %mul3A_125 = arith.muli %add3A_121, %mul3A_124 : i32
      %add3A_126 = arith.addi %mul3A_123, %mul3A_125 : i32
      "tpu.region"() ({
        %run_scoped3A = tpu.sem_alloc : memref<!tpu.dma_semaphore, #tpu.memory_space<semaphore_mem>>
        %dma_start3A_190 = tpu.memref_slice %arg5[%add3A_126] : memref<320000xi32, #tpu.memory_space<hbm>> -> memref<80xi32, #tpu.memory_space<hbm>>
        %dma_start3A_191 = tpu.memref_slice %arg5[%add3A_126] : memref<320000xi32, #tpu.memory_space<hbm>> -> memref<80xi32, #tpu.memory_space<hbm>>
        tpu.enqueue_dma source(%dma_start3A_191 : memref<80xi32, #tpu.memory_space<hbm>>) target(%arg18 : memref<80xi32, #tpu.memory_space<vmem>>) target_semaphore(%run_scoped3A : memref<!tpu.dma_semaphore, #tpu.memory_space<semaphore_mem>>)
        %dma_wait3A_192 = tpu.memref_slice %arg5[%add3A_126] : memref<320000xi32, #tpu.memory_space<hbm>> -> memref<80xi32, #tpu.memory_space<hbm>>
        %dma_wait3A_193 = tpu.memref_slice %arg5[%add3A_126] : memref<320000xi32, #tpu.memory_space<hbm>> -> memref<80xi32, #tpu.memory_space<hbm>>
        tpu.wait_dma2 semaphore(%run_scoped3A : memref<!tpu.dma_semaphore, #tpu.memory_space<semaphore_mem>>) src(%dma_wait3A_193 : memref<80xi32, #tpu.memory_space<hbm>>) dst(%arg18 : memref<80xi32, #tpu.memory_space<vmem>>)
        tpu.yield
      }) : () -> ()
      %mul3A_127 = arith.constant 3 : i32
      %mul3A_128 = arith.muli %mul3A_127, %scan3A_117 : i32
      %add3A_129 = arith.constant 2 : i32
      %add3A_130 = arith.addi %mul3A_128, %add3A_129 : i32
      %mul3A_131 = arith.constant 10000 : i32
      %mul3A_132 = arith.muli %add3A, %mul3A_131 : i32
      %mul3A_133 = arith.constant 80 : i32
      %mul3A_134 = arith.muli %add3A_130, %mul3A_133 : i32
      %add3A_135 = arith.addi %mul3A_132, %mul3A_134 : i32
      "tpu.region"() ({
        %run_scoped3A = tpu.sem_alloc : memref<!tpu.dma_semaphore, #tpu.memory_space<semaphore_mem>>
        %dma_start3A_190 = tpu.memref_slice %arg6[%add3A_135] : memref<320000xi32, #tpu.memory_space<hbm>> -> memref<80xi32, #tpu.memory_space<hbm>>
        %dma_start3A_191 = tpu.memref_slice %arg6[%add3A_135] : memref<320000xi32, #tpu.memory_space<hbm>> -> memref<80xi32, #tpu.memory_space<hbm>>
        tpu.enqueue_dma source(%dma_start3A_191 : memref<80xi32, #tpu.memory_space<hbm>>) target(%arg19 : memref<80xi32, #tpu.memory_space<vmem>>) target_semaphore(%run_scoped3A : memref<!tpu.dma_semaphore, #tpu.memory_space<semaphore_mem>>)
        %dma_wait3A_192 = tpu.memref_slice %arg6[%add3A_135] : memref<320000xi32, #tpu.memory_space<hbm>> -> memref<80xi32, #tpu.memory_space<hbm>>
        %dma_wait3A_193 = tpu.memref_slice %arg6[%add3A_135] : memref<320000xi32, #tpu.memory_space<hbm>> -> memref<80xi32, #tpu.memory_space<hbm>>
        tpu.wait_dma2 semaphore(%run_scoped3A : memref<!tpu.dma_semaphore, #tpu.memory_space<semaphore_mem>>) src(%dma_wait3A_193 : memref<80xi32, #tpu.memory_space<hbm>>) dst(%arg19 : memref<80xi32, #tpu.memory_space<vmem>>)
        tpu.yield
      }) : () -> ()
      %dma_wait3A_136 = arith.constant 0 : i32
      %dma_wait3A_137 = arith.constant 0 : i32
      %dma_wait3A_138 = tpu.memref_slice %arg7[%dma_wait3A_136, %dma_wait3A_137] : memref<10000x128xf32, #tpu.memory_space<hbm>> -> memref<10000x128xf32, #tpu.memory_space<hbm>>
      tpu.wait_indirect_dma semaphore(%arg24 : memref<!tpu.dma_semaphore, #tpu.memory_space<semaphore_mem>>) src(%dma_wait3A_138 : memref<10000x128xf32, #tpu.memory_space<hbm>>) dst(%arg20 : memref<80x128xf32, #tpu.memory_space<vmem>>)
      %dma_start3A_139 = arith.constant 0 : i32
      %dma_start3A_140 = arith.constant 0 : i32
      %dma_start3A_141 = tpu.memref_slice %arg7[%dma_start3A_139, %dma_start3A_140] : memref<10000x128xf32, #tpu.memory_space<hbm>> -> memref<10000x128xf32, #tpu.memory_space<hbm>>
      tpu.enqueue_indirect_dma source(%dma_start3A_141 : memref<10000x128xf32, #tpu.memory_space<hbm>>) target(%arg22 : memref<80x128xf32, #tpu.memory_space<vmem>>) offsets(%arg18 : memref<80xi32, #tpu.memory_space<vmem>>) semaphore(%arg26 : memref<!tpu.dma_semaphore, #tpu.memory_space<semaphore_mem>>)
      "tpu.region"() ({
        %run_scoped3A = tpu.sem_alloc : memref<!tpu.dma_semaphore, #tpu.memory_space<semaphore_mem>>
        %dma_start3A_190 = arith.constant 0 : i32
        %dma_start3A_191 = arith.constant 0 : i32
        %dma_start3A_192 = tpu.memref_slice %arg28[%dma_start3A_190, %dma_start3A_191] : memref<10240x128xf32, #tpu.memory_space<vmem_shared>> -> memref<10240x128xf32, #tpu.memory_space<vmem_shared>>
        tpu.enqueue_indirect_dma source(%arg20 : memref<80x128xf32, #tpu.memory_space<vmem>>) target(%dma_start3A_192 : memref<10240x128xf32, #tpu.memory_space<vmem_shared>>) offsets(%arg15 : memref<80xi32, #tpu.memory_space<vmem>>) semaphore(%run_scoped3A : memref<!tpu.dma_semaphore, #tpu.memory_space<semaphore_mem>>) {add = true}
        %dma_wait3A_193 = arith.constant 0 : i32
        %dma_wait3A_194 = arith.constant 0 : i32
        %dma_wait3A_195 = tpu.memref_slice %arg28[%dma_wait3A_193, %dma_wait3A_194] : memref<10240x128xf32, #tpu.memory_space<vmem_shared>> -> memref<10240x128xf32, #tpu.memory_space<vmem_shared>>
        tpu.wait_indirect_dma semaphore(%run_scoped3A : memref<!tpu.dma_semaphore, #tpu.memory_space<semaphore_mem>>) src(%arg20 : memref<80x128xf32, #tpu.memory_space<vmem>>) dst(%dma_wait3A_195 : memref<10240x128xf32, #tpu.memory_space<vmem_shared>>)
        tpu.yield
      }) : () -> ()
      %mul3A_142 = arith.constant 3 : i32
      %mul3A_143 = arith.muli %mul3A_142, %scan3A_117 : i32
      %add3A_144 = arith.constant 3 : i32
      %add3A_145 = arith.addi %mul3A_143, %add3A_144 : i32
      %mul3A_146 = arith.constant 10000 : i32
      %mul3A_147 = arith.muli %add3A, %mul3A_146 : i32
      %mul3A_148 = arith.constant 80 : i32
      %mul3A_149 = arith.muli %add3A_145, %mul3A_148 : i32
      %add3A_150 = arith.addi %mul3A_147, %mul3A_149 : i32
      "tpu.region"() ({
        %run_scoped3A = tpu.sem_alloc : memref<!tpu.dma_semaphore, #tpu.memory_space<semaphore_mem>>
        %dma_start3A_190 = tpu.memref_slice %arg5[%add3A_150] : memref<320000xi32, #tpu.memory_space<hbm>> -> memref<80xi32, #tpu.memory_space<hbm>>
        %dma_start3A_191 = tpu.memref_slice %arg5[%add3A_150] : memref<320000xi32, #tpu.memory_space<hbm>> -> memref<80xi32, #tpu.memory_space<hbm>>
        tpu.enqueue_dma source(%dma_start3A_191 : memref<80xi32, #tpu.memory_space<hbm>>) target(%arg14 : memref<80xi32, #tpu.memory_space<vmem>>) target_semaphore(%run_scoped3A : memref<!tpu.dma_semaphore, #tpu.memory_space<semaphore_mem>>)
        %dma_wait3A_192 = tpu.memref_slice %arg5[%add3A_150] : memref<320000xi32, #tpu.memory_space<hbm>> -> memref<80xi32, #tpu.memory_space<hbm>>
        %dma_wait3A_193 = tpu.memref_slice %arg5[%add3A_150] : memref<320000xi32, #tpu.memory_space<hbm>> -> memref<80xi32, #tpu.memory_space<hbm>>
        tpu.wait_dma2 semaphore(%run_scoped3A : memref<!tpu.dma_semaphore, #tpu.memory_space<semaphore_mem>>) src(%dma_wait3A_193 : memref<80xi32, #tpu.memory_space<hbm>>) dst(%arg14 : memref<80xi32, #tpu.memory_space<vmem>>)
        tpu.yield
      }) : () -> ()
      %mul3A_151 = arith.constant 3 : i32
      %mul3A_152 = arith.muli %mul3A_151, %scan3A_117 : i32
      %add3A_153 = arith.constant 3 : i32
      %add3A_154 = arith.addi %mul3A_152, %add3A_153 : i32
      %mul3A_155 = arith.constant 10000 : i32
      %mul3A_156 = arith.muli %add3A, %mul3A_155 : i32
      %mul3A_157 = arith.constant 80 : i32
      %mul3A_158 = arith.muli %add3A_154, %mul3A_157 : i32
      %add3A_159 = arith.addi %mul3A_156, %mul3A_158 : i32
      "tpu.region"() ({
        %run_scoped3A = tpu.sem_alloc : memref<!tpu.dma_semaphore, #tpu.memory_space<semaphore_mem>>
        %dma_start3A_190 = tpu.memref_slice %arg6[%add3A_159] : memref<320000xi32, #tpu.memory_space<hbm>> -> memref<80xi32, #tpu.memory_space<hbm>>
        %dma_start3A_191 = tpu.memref_slice %arg6[%add3A_159] : memref<320000xi32, #tpu.memory_space<hbm>> -> memref<80xi32, #tpu.memory_space<hbm>>
        tpu.enqueue_dma source(%dma_start3A_191 : memref<80xi32, #tpu.memory_space<hbm>>) target(%arg15 : memref<80xi32, #tpu.memory_space<vmem>>) target_semaphore(%run_scoped3A : memref<!tpu.dma_semaphore, #tpu.memory_space<semaphore_mem>>)
        %dma_wait3A_192 = tpu.memref_slice %arg6[%add3A_159] : memref<320000xi32, #tpu.memory_space<hbm>> -> memref<80xi32, #tpu.memory_space<hbm>>
        %dma_wait3A_193 = tpu.memref_slice %arg6[%add3A_159] : memref<320000xi32, #tpu.memory_space<hbm>> -> memref<80xi32, #tpu.memory_space<hbm>>
        tpu.wait_dma2 semaphore(%run_scoped3A : memref<!tpu.dma_semaphore, #tpu.memory_space<semaphore_mem>>) src(%dma_wait3A_193 : memref<80xi32, #tpu.memory_space<hbm>>) dst(%arg15 : memref<80xi32, #tpu.memory_space<vmem>>)
        tpu.yield
      }) : () -> ()
      %dma_wait3A_160 = arith.constant 0 : i32
      %dma_wait3A_161 = arith.constant 0 : i32
      %dma_wait3A_162 = tpu.memref_slice %arg7[%dma_wait3A_160, %dma_wait3A_161] : memref<10000x128xf32, #tpu.memory_space<hbm>> -> memref<10000x128xf32, #tpu.memory_space<hbm>>
      tpu.wait_indirect_dma semaphore(%arg25 : memref<!tpu.dma_semaphore, #tpu.memory_space<semaphore_mem>>) src(%dma_wait3A_162 : memref<10000x128xf32, #tpu.memory_space<hbm>>) dst(%arg21 : memref<80x128xf32, #tpu.memory_space<vmem>>)
      %dma_start3A_163 = arith.constant 0 : i32
      %dma_start3A_164 = arith.constant 0 : i32
      %dma_start3A_165 = tpu.memref_slice %arg7[%dma_start3A_163, %dma_start3A_164] : memref<10000x128xf32, #tpu.memory_space<hbm>> -> memref<10000x128xf32, #tpu.memory_space<hbm>>
      tpu.enqueue_indirect_dma source(%dma_start3A_165 : memref<10000x128xf32, #tpu.memory_space<hbm>>) target(%arg20 : memref<80x128xf32, #tpu.memory_space<vmem>>) offsets(%arg14 : memref<80xi32, #tpu.memory_space<vmem>>) semaphore(%arg24 : memref<!tpu.dma_semaphore, #tpu.memory_space<semaphore_mem>>)
      "tpu.region"() ({
        %run_scoped3A = tpu.sem_alloc : memref<!tpu.dma_semaphore, #tpu.memory_space<semaphore_mem>>
        %dma_start3A_190 = arith.constant 0 : i32
        %dma_start3A_191 = arith.constant 0 : i32
        %dma_start3A_192 = tpu.memref_slice %arg28[%dma_start3A_190, %dma_start3A_191] : memref<10240x128xf32, #tpu.memory_space<vmem_shared>> -> memref<10240x128xf32, #tpu.memory_space<vmem_shared>>
        tpu.enqueue_indirect_dma source(%arg21 : memref<80x128xf32, #tpu.memory_space<vmem>>) target(%dma_start3A_192 : memref<10240x128xf32, #tpu.memory_space<vmem_shared>>) offsets(%arg17 : memref<80xi32, #tpu.memory_space<vmem>>) semaphore(%run_scoped3A : memref<!tpu.dma_semaphore, #tpu.memory_space<semaphore_mem>>) {add = true}
        %dma_wait3A_193 = arith.constant 0 : i32
        %dma_wait3A_194 = arith.constant 0 : i32
        %dma_wait3A_195 = tpu.memref_slice %arg28[%dma_wait3A_193, %dma_wait3A_194] : memref<10240x128xf32, #tpu.memory_space<vmem_shared>> -> memref<10240x128xf32, #tpu.memory_space<vmem_shared>>
        tpu.wait_indirect_dma semaphore(%run_scoped3A : memref<!tpu.dma_semaphore, #tpu.memory_space<semaphore_mem>>) src(%arg21 : memref<80x128xf32, #tpu.memory_space<vmem>>) dst(%dma_wait3A_195 : memref<10240x128xf32, #tpu.memory_space<vmem_shared>>)
        tpu.yield
      }) : () -> ()
      %mul3A_166 = arith.constant 3 : i32
      %mul3A_167 = arith.muli %mul3A_166, %scan3A_117 : i32
      %add3A_168 = arith.constant 4 : i32
      %add3A_169 = arith.addi %mul3A_167, %add3A_168 : i32
      %mul3A_170 = arith.constant 10000 : i32
      %mul3A_171 = arith.muli %add3A, %mul3A_170 : i32
      %mul3A_172 = arith.constant 80 : i32
      %mul3A_173 = arith.muli %add3A_169, %mul3A_172 : i32
      %add3A_174 = arith.addi %mul3A_171, %mul3A_173 : i32
      "tpu.region"() ({
        %run_scoped3A = tpu.sem_alloc : memref<!tpu.dma_semaphore, #tpu.memory_space<semaphore_mem>>
        %dma_start3A_190 = tpu.memref_slice %arg5[%add3A_174] : memref<320000xi32, #tpu.memory_space<hbm>> -> memref<80xi32, #tpu.memory_space<hbm>>
        %dma_start3A_191 = tpu.memref_slice %arg5[%add3A_174] : memref<320000xi32, #tpu.memory_space<hbm>> -> memref<80xi32, #tpu.memory_space<hbm>>
        tpu.enqueue_dma source(%dma_start3A_191 : memref<80xi32, #tpu.memory_space<hbm>>) target(%arg16 : memref<80xi32, #tpu.memory_space<vmem>>) target_semaphore(%run_scoped3A : memref<!tpu.dma_semaphore, #tpu.memory_space<semaphore_mem>>)
        %dma_wait3A_192 = tpu.memref_slice %arg5[%add3A_174] : memref<320000xi32, #tpu.memory_space<hbm>> -> memref<80xi32, #tpu.memory_space<hbm>>
        %dma_wait3A_193 = tpu.memref_slice %arg5[%add3A_174] : memref<320000xi32, #tpu.memory_space<hbm>> -> memref<80xi32, #tpu.memory_space<hbm>>
        tpu.wait_dma2 semaphore(%run_scoped3A : memref<!tpu.dma_semaphore, #tpu.memory_space<semaphore_mem>>) src(%dma_wait3A_193 : memref<80xi32, #tpu.memory_space<hbm>>) dst(%arg16 : memref<80xi32, #tpu.memory_space<vmem>>)
        tpu.yield
      }) : () -> ()
      %mul3A_175 = arith.constant 3 : i32
      %mul3A_176 = arith.muli %mul3A_175, %scan3A_117 : i32
      %add3A_177 = arith.constant 4 : i32
      %add3A_178 = arith.addi %mul3A_176, %add3A_177 : i32
      %mul3A_179 = arith.constant 10000 : i32
      %mul3A_180 = arith.muli %add3A, %mul3A_179 : i32
      %mul3A_181 = arith.constant 80 : i32
      %mul3A_182 = arith.muli %add3A_178, %mul3A_181 : i32
      %add3A_183 = arith.addi %mul3A_180, %mul3A_182 : i32
      "tpu.region"() ({
        %run_scoped3A = tpu.sem_alloc : memref<!tpu.dma_semaphore, #tpu.memory_space<semaphore_mem>>
        %dma_start3A_190 = tpu.memref_slice %arg6[%add3A_183] : memref<320000xi32, #tpu.memory_space<hbm>> -> memref<80xi32, #tpu.memory_space<hbm>>
        %dma_start3A_191 = tpu.memref_slice %arg6[%add3A_183] : memref<320000xi32, #tpu.memory_space<hbm>> -> memref<80xi32, #tpu.memory_space<hbm>>
        tpu.enqueue_dma source(%dma_start3A_191 : memref<80xi32, #tpu.memory_space<hbm>>) target(%arg17 : memref<80xi32, #tpu.memory_space<vmem>>) target_semaphore(%run_scoped3A : memref<!tpu.dma_semaphore, #tpu.memory_space<semaphore_mem>>)
        %dma_wait3A_192 = tpu.memref_slice %arg6[%add3A_183] : memref<320000xi32, #tpu.memory_space<hbm>> -> memref<80xi32, #tpu.memory_space<hbm>>
        %dma_wait3A_193 = tpu.memref_slice %arg6[%add3A_183] : memref<320000xi32, #tpu.memory_space<hbm>> -> memref<80xi32, #tpu.memory_space<hbm>>
        tpu.wait_dma2 semaphore(%run_scoped3A : memref<!tpu.dma_semaphore, #tpu.memory_space<semaphore_mem>>) src(%dma_wait3A_193 : memref<80xi32, #tpu.memory_space<hbm>>) dst(%arg17 : memref<80xi32, #tpu.memory_space<vmem>>)
        tpu.yield
      }) : () -> ()
      %dma_wait3A_184 = arith.constant 0 : i32
      %dma_wait3A_185 = arith.constant 0 : i32
      %dma_wait3A_186 = tpu.memref_slice %arg7[%dma_wait3A_184, %dma_wait3A_185] : memref<10000x128xf32, #tpu.memory_space<hbm>> -> memref<10000x128xf32, #tpu.memory_space<hbm>>
      tpu.wait_indirect_dma semaphore(%arg26 : memref<!tpu.dma_semaphore, #tpu.memory_space<semaphore_mem>>) src(%dma_wait3A_186 : memref<10000x128xf32, #tpu.memory_space<hbm>>) dst(%arg22 : memref<80x128xf32, #tpu.memory_space<vmem>>)
      %dma_start3A_187 = arith.constant 0 : i32
      %dma_start3A_188 = arith.constant 0 : i32
      %dma_start3A_189 = tpu.memref_slice %arg7[%dma_start3A_187, %dma_start3A_188] : memref<10000x128xf32, #tpu.memory_space<hbm>> -> memref<10000x128xf32, #tpu.memory_space<hbm>>
      tpu.enqueue_indirect_dma source(%dma_start3A_189 : memref<10000x128xf32, #tpu.memory_space<hbm>>) target(%arg21 : memref<80x128xf32, #tpu.memory_space<vmem>>) offsets(%arg16 : memref<80xi32, #tpu.memory_space<vmem>>) semaphore(%arg25 : memref<!tpu.dma_semaphore, #tpu.memory_space<semaphore_mem>>)
      "tpu.region"() ({
        %run_scoped3A = tpu.sem_alloc : memref<!tpu.dma_semaphore, #tpu.memory_space<semaphore_mem>>
        %dma_start3A_190 = arith.constant 0 : i32
        %dma_start3A_191 = arith.constant 0 : i32
        %dma_start3A_192 = tpu.memref_slice %arg28[%dma_start3A_190, %dma_start3A_191] : memref<10240x128xf32, #tpu.memory_space<vmem_shared>> -> memref<10240x128xf32, #tpu.memory_space<vmem_shared>>
        tpu.enqueue_indirect_dma source(%arg22 : memref<80x128xf32, #tpu.memory_space<vmem>>) target(%dma_start3A_192 : memref<10240x128xf32, #tpu.memory_space<vmem_shared>>) offsets(%arg19 : memref<80xi32, #tpu.memory_space<vmem>>) semaphore(%run_scoped3A : memref<!tpu.dma_semaphore, #tpu.memory_space<semaphore_mem>>) {add = true}
        %dma_wait3A_193 = arith.constant 0 : i32
        %dma_wait3A_194 = arith.constant 0 : i32
        %dma_wait3A_195 = tpu.memref_slice %arg28[%dma_wait3A_193, %dma_wait3A_194] : memref<10240x128xf32, #tpu.memory_space<vmem_shared>> -> memref<10240x128xf32, #tpu.memory_space<vmem_shared>>
        tpu.wait_indirect_dma semaphore(%run_scoped3A : memref<!tpu.dma_semaphore, #tpu.memory_space<semaphore_mem>>) src(%arg22 : memref<80x128xf32, #tpu.memory_space<vmem>>) dst(%dma_wait3A_195 : memref<10240x128xf32, #tpu.memory_space<vmem_shared>>)
        tpu.yield
      }) : () -> ()
    }
    %scan3A_69 = arith.constant 41 : i32
    %dma_wait3A_70 = arith.constant 0 : i32
    %dma_wait3A_71 = arith.constant 0 : i32
    %dma_wait3A_72 = tpu.memref_slice %arg7[%dma_wait3A_70, %dma_wait3A_71] : memref<10000x128xf32, #tpu.memory_space<hbm>> -> memref<10000x128xf32, #tpu.memory_space<hbm>>
    tpu.wait_indirect_dma semaphore(%arg24 : memref<!tpu.dma_semaphore, #tpu.memory_space<semaphore_mem>>) src(%dma_wait3A_72 : memref<10000x128xf32, #tpu.memory_space<hbm>>) dst(%arg20 : memref<80x128xf32, #tpu.memory_space<vmem>>)
    "tpu.region"() ({
      %run_scoped3A = tpu.sem_alloc : memref<!tpu.dma_semaphore, #tpu.memory_space<semaphore_mem>>
      %dma_start3A_117 = arith.constant 0 : i32
      %dma_start3A_118 = arith.constant 0 : i32
      %dma_start3A_119 = tpu.memref_slice %arg28[%dma_start3A_117, %dma_start3A_118] : memref<10240x128xf32, #tpu.memory_space<vmem_shared>> -> memref<10240x128xf32, #tpu.memory_space<vmem_shared>>
      tpu.enqueue_indirect_dma source(%arg20 : memref<80x128xf32, #tpu.memory_space<vmem>>) target(%dma_start3A_119 : memref<10240x128xf32, #tpu.memory_space<vmem_shared>>) offsets(%arg15 : memref<80xi32, #tpu.memory_space<vmem>>) semaphore(%run_scoped3A : memref<!tpu.dma_semaphore, #tpu.memory_space<semaphore_mem>>) {add = true}
      %dma_wait3A_120 = arith.constant 0 : i32
      %dma_wait3A_121 = arith.constant 0 : i32
      %dma_wait3A_122 = tpu.memref_slice %arg28[%dma_wait3A_120, %dma_wait3A_121] : memref<10240x128xf32, #tpu.memory_space<vmem_shared>> -> memref<10240x128xf32, #tpu.memory_space<vmem_shared>>
      tpu.wait_indirect_dma semaphore(%run_scoped3A : memref<!tpu.dma_semaphore, #tpu.memory_space<semaphore_mem>>) src(%arg20 : memref<80x128xf32, #tpu.memory_space<vmem>>) dst(%dma_wait3A_122 : memref<10240x128xf32, #tpu.memory_space<vmem_shared>>)
      tpu.yield
    }) : () -> ()
    %dma_wait3A_73 = arith.constant 0 : i32
    %dma_wait3A_74 = arith.constant 0 : i32
    %dma_wait3A_75 = tpu.memref_slice %arg7[%dma_wait3A_73, %dma_wait3A_74] : memref<10000x128xf32, #tpu.memory_space<hbm>> -> memref<10000x128xf32, #tpu.memory_space<hbm>>
    tpu.wait_indirect_dma semaphore(%arg25 : memref<!tpu.dma_semaphore, #tpu.memory_space<semaphore_mem>>) src(%dma_wait3A_75 : memref<10000x128xf32, #tpu.memory_space<hbm>>) dst(%arg21 : memref<80x128xf32, #tpu.memory_space<vmem>>)
    "tpu.region"() ({
      %run_scoped3A = tpu.sem_alloc : memref<!tpu.dma_semaphore, #tpu.memory_space<semaphore_mem>>
      %dma_start3A_117 = arith.constant 0 : i32
      %dma_start3A_118 = arith.constant 0 : i32
      %dma_start3A_119 = tpu.memref_slice %arg28[%dma_start3A_117, %dma_start3A_118] : memref<10240x128xf32, #tpu.memory_space<vmem_shared>> -> memref<10240x128xf32, #tpu.memory_space<vmem_shared>>
      tpu.enqueue_indirect_dma source(%arg21 : memref<80x128xf32, #tpu.memory_space<vmem>>) target(%dma_start3A_119 : memref<10240x128xf32, #tpu.memory_space<vmem_shared>>) offsets(%arg17 : memref<80xi32, #tpu.memory_space<vmem>>) semaphore(%run_scoped3A : memref<!tpu.dma_semaphore, #tpu.memory_space<semaphore_mem>>) {add = true}
      %dma_wait3A_120 = arith.constant 0 : i32
      %dma_wait3A_121 = arith.constant 0 : i32
      %dma_wait3A_122 = tpu.memref_slice %arg28[%dma_wait3A_120, %dma_wait3A_121] : memref<10240x128xf32, #tpu.memory_space<vmem_shared>> -> memref<10240x128xf32, #tpu.memory_space<vmem_shared>>
      tpu.wait_indirect_dma semaphore(%run_scoped3A : memref<!tpu.dma_semaphore, #tpu.memory_space<semaphore_mem>>) src(%arg21 : memref<80x128xf32, #tpu.memory_space<vmem>>) dst(%dma_wait3A_122 : memref<10240x128xf32, #tpu.memory_space<vmem_shared>>)
      tpu.yield
    }) : () -> ()
    %barrier3A_76 = arith.constant 0 : index
    tpu.barrier barrier_id(%barrier3A_76)
    %mul3A_77 = arith.constant 640 : i32
    %mul3A_78 = arith.muli %arg1, %mul3A_77 : i32
    %mul3A_79 = arith.constant 640 : i32
    %mul3A_80 = arith.muli %arg1, %mul3A_79 : i32
    "tpu.region"() ({
      %run_scoped3A = tpu.sem_alloc : memref<!tpu.dma_semaphore, #tpu.memory_space<semaphore_mem>>
      %dma_start3A_117 = arith.constant 0 : i32
      %dma_start3A_118 = tpu.memref_slice %arg11[%arg0, %mul3A_80, %dma_start3A_117] : memref<2x10240x128xf32, #tpu.memory_space<hbm>> -> memref<1x640x128xf32, #tpu.memory_space<hbm>>
      %dma_start3A_119 = tpu.memref_squeeze %dma_start3A_118 : memref<1x640x128xf32, #tpu.memory_space<hbm>> -> memref<640x128xf32, #tpu.memory_space<hbm>>
      %dma_start3A_120 = arith.constant 0 : i32
      %dma_start3A_121 = tpu.memref_slice %arg28[%mul3A_78, %dma_start3A_120] : memref<10240x128xf32, #tpu.memory_space<vmem_shared>> -> memref<640x128xf32, #tpu.memory_space<vmem_shared>>
      tpu.enqueue_dma source(%dma_start3A_121 : memref<640x128xf32, #tpu.memory_space<vmem_shared>>) target(%dma_start3A_119 : memref<640x128xf32, #tpu.memory_space<hbm>>) target_semaphore(%run_scoped3A : memref<!tpu.dma_semaphore, #tpu.memory_space<semaphore_mem>>)
      %dma_wait3A_122 = arith.constant 0 : i32
      %dma_wait3A_123 = tpu.memref_slice %arg11[%arg0, %mul3A_80, %dma_wait3A_122] : memref<2x10240x128xf32, #tpu.memory_space<hbm>> -> memref<1x640x128xf32, #tpu.memory_space<hbm>>
      %dma_wait3A_124 = tpu.memref_squeeze %dma_wait3A_123 : memref<1x640x128xf32, #tpu.memory_space<hbm>> -> memref<640x128xf32, #tpu.memory_space<hbm>>
      %dma_wait3A_125 = arith.constant 0 : i32
      %dma_wait3A_126 = tpu.memref_slice %arg28[%mul3A_78, %dma_wait3A_125] : memref<10240x128xf32, #tpu.memory_space<vmem_shared>> -> memref<640x128xf32, #tpu.memory_space<vmem_shared>>
      tpu.wait_dma2 semaphore(%run_scoped3A : memref<!tpu.dma_semaphore, #tpu.memory_space<semaphore_mem>>) src(%dma_wait3A_126 : memref<640x128xf32, #tpu.memory_space<vmem_shared>>) dst(%dma_wait3A_124 : memref<640x128xf32, #tpu.memory_space<hbm>>)
      tpu.yield
    }) : () -> ()
    %mul3A_81 = arith.constant 640 : i32
    %mul3A_82 = arith.muli %arg1, %mul3A_81 : i32
    "tpu.region"() ({
      %run_scoped3A = tpu.sem_alloc : memref<!tpu.dma_semaphore, #tpu.memory_space<semaphore_mem>>
      %dma_start3A_117 = arith.constant 0 : i32
      %dma_start3A_118 = tpu.memref_slice %arg28[%mul3A_82, %dma_start3A_117] : memref<10240x128xf32, #tpu.memory_space<vmem_shared>> -> memref<640x128xf32, #tpu.memory_space<vmem_shared>>
      tpu.enqueue_dma source(%arg8 : memref<640x128xf32, #tpu.memory_space<hbm>>) target(%dma_start3A_118 : memref<640x128xf32, #tpu.memory_space<vmem_shared>>) target_semaphore(%run_scoped3A : memref<!tpu.dma_semaphore, #tpu.memory_space<semaphore_mem>>)
      %dma_wait3A_119 = arith.constant 0 : i32
      %dma_wait3A_120 = tpu.memref_slice %arg28[%mul3A_82, %dma_wait3A_119] : memref<10240x128xf32, #tpu.memory_space<vmem_shared>> -> memref<640x128xf32, #tpu.memory_space<vmem_shared>>
      tpu.wait_dma2 semaphore(%run_scoped3A : memref<!tpu.dma_semaphore, #tpu.memory_space<semaphore_mem>>) src(%arg8 : memref<640x128xf32, #tpu.memory_space<hbm>>) dst(%dma_wait3A_120 : memref<640x128xf32, #tpu.memory_space<vmem_shared>>)
      tpu.yield
    }) : () -> ()
    %barrier3A_83 = arith.constant 0 : index
    tpu.barrier barrier_id(%barrier3A_83)
    %mul3A_84 = arith.constant 10000 : i32
    %mul3A_85 = arith.muli %add3A, %mul3A_84 : i32
    %add3A_86 = arith.constant 0 : i32
    %add3A_87 = arith.addi %mul3A_85, %add3A_86 : i32
    "tpu.region"() ({
      %run_scoped3A = tpu.sem_alloc : memref<!tpu.dma_semaphore, #tpu.memory_space<semaphore_mem>>
      %dma_start3A_117 = tpu.memref_slice %arg3[%add3A_87] : memref<320000xi32, #tpu.memory_space<hbm>> -> memref<80xi32, #tpu.memory_space<hbm>>
      %dma_start3A_118 = tpu.memref_slice %arg3[%add3A_87] : memref<320000xi32, #tpu.memory_space<hbm>> -> memref<80xi32, #tpu.memory_space<hbm>>
      tpu.enqueue_dma source(%dma_start3A_118 : memref<80xi32, #tpu.memory_space<hbm>>) target(%arg15 : memref<80xi32, #tpu.memory_space<vmem>>) target_semaphore(%run_scoped3A : memref<!tpu.dma_semaphore, #tpu.memory_space<semaphore_mem>>)
      %dma_wait3A_119 = tpu.memref_slice %arg3[%add3A_87] : memref<320000xi32, #tpu.memory_space<hbm>> -> memref<80xi32, #tpu.memory_space<hbm>>
      %dma_wait3A_120 = tpu.memref_slice %arg3[%add3A_87] : memref<320000xi32, #tpu.memory_space<hbm>> -> memref<80xi32, #tpu.memory_space<hbm>>
      tpu.wait_dma2 semaphore(%run_scoped3A : memref<!tpu.dma_semaphore, #tpu.memory_space<semaphore_mem>>) src(%dma_wait3A_120 : memref<80xi32, #tpu.memory_space<hbm>>) dst(%arg15 : memref<80xi32, #tpu.memory_space<vmem>>)
      tpu.yield
    }) : () -> ()
    %scan3A_88 = arith.constant 0 : i32
    %scan3A_89 = arith.constant 0 : i32
    %scan3A_90 = arith.constant 62 : i32
    %scan3A_91 = arith.addi %scan3A_89, %scan3A_90 : i32
    %scan3A_92 = arith.constant 1 : i32
    scf.for %scan3A_117 = %scan3A_89 to %scan3A_91 step %scan3A_92  : i32 {
      %mul3A_118 = arith.constant 2 : i32
      %mul3A_119 = arith.muli %mul3A_118, %scan3A_117 : i32
      %add3A_120 = arith.constant 1 : i32
      %add3A_121 = arith.addi %mul3A_119, %add3A_120 : i32
      %mul3A_122 = arith.constant 10000 : i32
      %mul3A_123 = arith.muli %add3A, %mul3A_122 : i32
      %mul3A_124 = arith.constant 80 : i32
      %mul3A_125 = arith.muli %add3A_121, %mul3A_124 : i32
      %add3A_126 = arith.addi %mul3A_123, %mul3A_125 : i32
      %dma_start3A_127 = tpu.memref_slice %arg3[%add3A_126] : memref<320000xi32, #tpu.memory_space<hbm>> -> memref<80xi32, #tpu.memory_space<hbm>>
      %dma_start3A_128 = tpu.memref_slice %arg3[%add3A_126] : memref<320000xi32, #tpu.memory_space<hbm>> -> memref<80xi32, #tpu.memory_space<hbm>>
      tpu.enqueue_dma source(%dma_start3A_128 : memref<80xi32, #tpu.memory_space<hbm>>) target(%arg17 : memref<80xi32, #tpu.memory_space<vmem>>) target_semaphore(%arg27 : memref<!tpu.dma_semaphore, #tpu.memory_space<semaphore_mem>>)
      "tpu.region"() ({
        %run_scoped3A = tpu.sem_alloc : memref<!tpu.dma_semaphore, #tpu.memory_space<semaphore_mem>>
        %dma_start3A_144 = arith.constant 0 : i32
        %dma_start3A_145 = arith.constant 0 : i32
        %dma_start3A_146 = tpu.memref_slice %arg28[%dma_start3A_144, %dma_start3A_145] : memref<10240x128xf32, #tpu.memory_space<vmem_shared>> -> memref<10240x128xf32, #tpu.memory_space<vmem_shared>>
        tpu.enqueue_indirect_dma source(%arg23 : memref<80x128xf32, #tpu.memory_space<vmem>>) target(%dma_start3A_146 : memref<10240x128xf32, #tpu.memory_space<vmem_shared>>) offsets(%arg15 : memref<80xi32, #tpu.memory_space<vmem>>) semaphore(%run_scoped3A : memref<!tpu.dma_semaphore, #tpu.memory_space<semaphore_mem>>) {add = true}
        %dma_wait3A_147 = arith.constant 0 : i32
        %dma_wait3A_148 = arith.constant 0 : i32
        %dma_wait3A_149 = tpu.memref_slice %arg28[%dma_wait3A_147, %dma_wait3A_148] : memref<10240x128xf32, #tpu.memory_space<vmem_shared>> -> memref<10240x128xf32, #tpu.memory_space<vmem_shared>>
        tpu.wait_indirect_dma semaphore(%run_scoped3A : memref<!tpu.dma_semaphore, #tpu.memory_space<semaphore_mem>>) src(%arg23 : memref<80x128xf32, #tpu.memory_space<vmem>>) dst(%dma_wait3A_149 : memref<10240x128xf32, #tpu.memory_space<vmem_shared>>)
        tpu.yield
      }) : () -> ()
      %dma_wait3A_129 = tpu.memref_slice %arg3[%add3A_126] : memref<320000xi32, #tpu.memory_space<hbm>> -> memref<80xi32, #tpu.memory_space<hbm>>
      %dma_wait3A_130 = tpu.memref_slice %arg3[%add3A_126] : memref<320000xi32, #tpu.memory_space<hbm>> -> memref<80xi32, #tpu.memory_space<hbm>>
      tpu.wait_dma2 semaphore(%arg27 : memref<!tpu.dma_semaphore, #tpu.memory_space<semaphore_mem>>) src(%dma_wait3A_130 : memref<80xi32, #tpu.memory_space<hbm>>) dst(%arg17 : memref<80xi32, #tpu.memory_space<vmem>>)
      %mul3A_131 = arith.constant 2 : i32
      %mul3A_132 = arith.muli %mul3A_131, %scan3A_117 : i32
      %add3A_133 = arith.constant 2 : i32
      %add3A_134 = arith.addi %mul3A_132, %add3A_133 : i32
      %mul3A_135 = arith.constant 10000 : i32
      %mul3A_136 = arith.muli %add3A, %mul3A_135 : i32
      %mul3A_137 = arith.constant 80 : i32
      %mul3A_138 = arith.muli %add3A_134, %mul3A_137 : i32
      %add3A_139 = arith.addi %mul3A_136, %mul3A_138 : i32
      %dma_start3A_140 = tpu.memref_slice %arg3[%add3A_139] : memref<320000xi32, #tpu.memory_space<hbm>> -> memref<80xi32, #tpu.memory_space<hbm>>
      %dma_start3A_141 = tpu.memref_slice %arg3[%add3A_139] : memref<320000xi32, #tpu.memory_space<hbm>> -> memref<80xi32, #tpu.memory_space<hbm>>
      tpu.enqueue_dma source(%dma_start3A_141 : memref<80xi32, #tpu.memory_space<hbm>>) target(%arg15 : memref<80xi32, #tpu.memory_space<vmem>>) target_semaphore(%arg27 : memref<!tpu.dma_semaphore, #tpu.memory_space<semaphore_mem>>)
      "tpu.region"() ({
        %run_scoped3A = tpu.sem_alloc : memref<!tpu.dma_semaphore, #tpu.memory_space<semaphore_mem>>
        %dma_start3A_144 = arith.constant 0 : i32
        %dma_start3A_145 = arith.constant 0 : i32
        %dma_start3A_146 = tpu.memref_slice %arg28[%dma_start3A_144, %dma_start3A_145] : memref<10240x128xf32, #tpu.memory_space<vmem_shared>> -> memref<10240x128xf32, #tpu.memory_space<vmem_shared>>
        tpu.enqueue_indirect_dma source(%arg23 : memref<80x128xf32, #tpu.memory_space<vmem>>) target(%dma_start3A_146 : memref<10240x128xf32, #tpu.memory_space<vmem_shared>>) offsets(%arg17 : memref<80xi32, #tpu.memory_space<vmem>>) semaphore(%run_scoped3A : memref<!tpu.dma_semaphore, #tpu.memory_space<semaphore_mem>>) {add = true}
        %dma_wait3A_147 = arith.constant 0 : i32
        %dma_wait3A_148 = arith.constant 0 : i32
        %dma_wait3A_149 = tpu.memref_slice %arg28[%dma_wait3A_147, %dma_wait3A_148] : memref<10240x128xf32, #tpu.memory_space<vmem_shared>> -> memref<10240x128xf32, #tpu.memory_space<vmem_shared>>
        tpu.wait_indirect_dma semaphore(%run_scoped3A : memref<!tpu.dma_semaphore, #tpu.memory_space<semaphore_mem>>) src(%arg23 : memref<80x128xf32, #tpu.memory_space<vmem>>) dst(%dma_wait3A_149 : memref<10240x128xf32, #tpu.memory_space<vmem_shared>>)
        tpu.yield
      }) : () -> ()
      %dma_wait3A_142 = tpu.memref_slice %arg3[%add3A_139] : memref<320000xi32, #tpu.memory_space<hbm>> -> memref<80xi32, #tpu.memory_space<hbm>>
      %dma_wait3A_143 = tpu.memref_slice %arg3[%add3A_139] : memref<320000xi32, #tpu.memory_space<hbm>> -> memref<80xi32, #tpu.memory_space<hbm>>
      tpu.wait_dma2 semaphore(%arg27 : memref<!tpu.dma_semaphore, #tpu.memory_space<semaphore_mem>>) src(%dma_wait3A_143 : memref<80xi32, #tpu.memory_space<hbm>>) dst(%arg15 : memref<80xi32, #tpu.memory_space<vmem>>)
    }
    %scan3A_93 = arith.constant 62 : i32
    "tpu.region"() ({
      %run_scoped3A = tpu.sem_alloc : memref<!tpu.dma_semaphore, #tpu.memory_space<semaphore_mem>>
      %dma_start3A_117 = arith.constant 0 : i32
      %dma_start3A_118 = arith.constant 0 : i32
      %dma_start3A_119 = tpu.memref_slice %arg28[%dma_start3A_117, %dma_start3A_118] : memref<10240x128xf32, #tpu.memory_space<vmem_shared>> -> memref<10240x128xf32, #tpu.memory_space<vmem_shared>>
      tpu.enqueue_indirect_dma source(%arg23 : memref<80x128xf32, #tpu.memory_space<vmem>>) target(%dma_start3A_119 : memref<10240x128xf32, #tpu.memory_space<vmem_shared>>) offsets(%arg15 : memref<80xi32, #tpu.memory_space<vmem>>) semaphore(%run_scoped3A : memref<!tpu.dma_semaphore, #tpu.memory_space<semaphore_mem>>) {add = true}
      %dma_wait3A_120 = arith.constant 0 : i32
      %dma_wait3A_121 = arith.constant 0 : i32
      %dma_wait3A_122 = tpu.memref_slice %arg28[%dma_wait3A_120, %dma_wait3A_121] : memref<10240x128xf32, #tpu.memory_space<vmem_shared>> -> memref<10240x128xf32, #tpu.memory_space<vmem_shared>>
      tpu.wait_indirect_dma semaphore(%run_scoped3A : memref<!tpu.dma_semaphore, #tpu.memory_space<semaphore_mem>>) src(%arg23 : memref<80x128xf32, #tpu.memory_space<vmem>>) dst(%dma_wait3A_122 : memref<10240x128xf32, #tpu.memory_space<vmem_shared>>)
      tpu.yield
    }) : () -> ()
    %barrier3A_94 = arith.constant 0 : index
    tpu.barrier barrier_id(%barrier3A_94)
    %mul3A_95 = arith.constant 640 : i32
    %mul3A_96 = arith.muli %arg1, %mul3A_95 : i32
    %mul3A_97 = arith.constant 640 : i32
    %mul3A_98 = arith.muli %arg1, %mul3A_97 : i32
    "tpu.region"() ({
      %run_scoped3A = tpu.sem_alloc : memref<!tpu.dma_semaphore, #tpu.memory_space<semaphore_mem>>
      %dma_start3A_117 = arith.constant 0 : i32
      %dma_start3A_118 = tpu.memref_slice %arg12[%arg0, %mul3A_98, %dma_start3A_117] : memref<2x10240x128xf32, #tpu.memory_space<hbm>> -> memref<1x640x128xf32, #tpu.memory_space<hbm>>
      %dma_start3A_119 = tpu.memref_squeeze %dma_start3A_118 : memref<1x640x128xf32, #tpu.memory_space<hbm>> -> memref<640x128xf32, #tpu.memory_space<hbm>>
      %dma_start3A_120 = arith.constant 0 : i32
      %dma_start3A_121 = tpu.memref_slice %arg28[%mul3A_96, %dma_start3A_120] : memref<10240x128xf32, #tpu.memory_space<vmem_shared>> -> memref<640x128xf32, #tpu.memory_space<vmem_shared>>
      tpu.enqueue_dma source(%dma_start3A_121 : memref<640x128xf32, #tpu.memory_space<vmem_shared>>) target(%dma_start3A_119 : memref<640x128xf32, #tpu.memory_space<hbm>>) target_semaphore(%run_scoped3A : memref<!tpu.dma_semaphore, #tpu.memory_space<semaphore_mem>>)
      %dma_wait3A_122 = arith.constant 0 : i32
      %dma_wait3A_123 = tpu.memref_slice %arg12[%arg0, %mul3A_98, %dma_wait3A_122] : memref<2x10240x128xf32, #tpu.memory_space<hbm>> -> memref<1x640x128xf32, #tpu.memory_space<hbm>>
      %dma_wait3A_124 = tpu.memref_squeeze %dma_wait3A_123 : memref<1x640x128xf32, #tpu.memory_space<hbm>> -> memref<640x128xf32, #tpu.memory_space<hbm>>
      %dma_wait3A_125 = arith.constant 0 : i32
      %dma_wait3A_126 = tpu.memref_slice %arg28[%mul3A_96, %dma_wait3A_125] : memref<10240x128xf32, #tpu.memory_space<vmem_shared>> -> memref<640x128xf32, #tpu.memory_space<vmem_shared>>
      tpu.wait_dma2 semaphore(%run_scoped3A : memref<!tpu.dma_semaphore, #tpu.memory_space<semaphore_mem>>) src(%dma_wait3A_126 : memref<640x128xf32, #tpu.memory_space<vmem_shared>>) dst(%dma_wait3A_124 : memref<640x128xf32, #tpu.memory_space<hbm>>)
      tpu.yield
    }) : () -> ()
    %mul3A_99 = arith.constant 640 : i32
    %mul3A_100 = arith.muli %arg1, %mul3A_99 : i32
    "tpu.region"() ({
      %run_scoped3A = tpu.sem_alloc : memref<!tpu.dma_semaphore, #tpu.memory_space<semaphore_mem>>
      %dma_start3A_117 = arith.constant 0 : i32
      %dma_start3A_118 = tpu.memref_slice %arg28[%mul3A_100, %dma_start3A_117] : memref<10240x128xf32, #tpu.memory_space<vmem_shared>> -> memref<640x128xf32, #tpu.memory_space<vmem_shared>>
      tpu.enqueue_dma source(%arg8 : memref<640x128xf32, #tpu.memory_space<hbm>>) target(%dma_start3A_118 : memref<640x128xf32, #tpu.memory_space<vmem_shared>>) target_semaphore(%run_scoped3A : memref<!tpu.dma_semaphore, #tpu.memory_space<semaphore_mem>>)
      %dma_wait3A_119 = arith.constant 0 : i32
      %dma_wait3A_120 = tpu.memref_slice %arg28[%mul3A_100, %dma_wait3A_119] : memref<10240x128xf32, #tpu.memory_space<vmem_shared>> -> memref<640x128xf32, #tpu.memory_space<vmem_shared>>
      tpu.wait_dma2 semaphore(%run_scoped3A : memref<!tpu.dma_semaphore, #tpu.memory_space<semaphore_mem>>) src(%arg8 : memref<640x128xf32, #tpu.memory_space<hbm>>) dst(%dma_wait3A_120 : memref<640x128xf32, #tpu.memory_space<vmem_shared>>)
      tpu.yield
    }) : () -> ()
    %barrier3A_101 = arith.constant 0 : index
    tpu.barrier barrier_id(%barrier3A_101)
    %mul3A_102 = arith.constant 10000 : i32
    %mul3A_103 = arith.muli %add3A, %mul3A_102 : i32
    %add3A_104 = arith.constant 0 : i32
    %add3A_105 = arith.addi %mul3A_103, %add3A_104 : i32
    "tpu.region"() ({
      %run_scoped3A = tpu.sem_alloc : memref<!tpu.dma_semaphore, #tpu.memory_space<semaphore_mem>>
      %dma_start3A_117 = tpu.memref_slice %arg6[%add3A_105] : memref<320000xi32, #tpu.memory_space<hbm>> -> memref<80xi32, #tpu.memory_space<hbm>>
      %dma_start3A_118 = tpu.memref_slice %arg6[%add3A_105] : memref<320000xi32, #tpu.memory_space<hbm>> -> memref<80xi32, #tpu.memory_space<hbm>>
      tpu.enqueue_dma source(%dma_start3A_118 : memref<80xi32, #tpu.memory_space<hbm>>) target(%arg15 : memref<80xi32, #tpu.memory_space<vmem>>) target_semaphore(%run_scoped3A : memref<!tpu.dma_semaphore, #tpu.memory_space<semaphore_mem>>)
      %dma_wait3A_119 = tpu.memref_slice %arg6[%add3A_105] : memref<320000xi32, #tpu.memory_space<hbm>> -> memref<80xi32, #tpu.memory_space<hbm>>
      %dma_wait3A_120 = tpu.memref_slice %arg6[%add3A_105] : memref<320000xi32, #tpu.memory_space<hbm>> -> memref<80xi32, #tpu.memory_space<hbm>>
      tpu.wait_dma2 semaphore(%run_scoped3A : memref<!tpu.dma_semaphore, #tpu.memory_space<semaphore_mem>>) src(%dma_wait3A_120 : memref<80xi32, #tpu.memory_space<hbm>>) dst(%arg15 : memref<80xi32, #tpu.memory_space<vmem>>)
      tpu.yield
    }) : () -> ()
    %scan3A_106 = arith.constant 0 : i32
    %scan3A_107 = arith.constant 0 : i32
    %scan3A_108 = arith.constant 62 : i32
    %scan3A_109 = arith.addi %scan3A_107, %scan3A_108 : i32
    %scan3A_110 = arith.constant 1 : i32
    scf.for %scan3A_117 = %scan3A_107 to %scan3A_109 step %scan3A_110  : i32 {
      %mul3A_118 = arith.constant 2 : i32
      %mul3A_119 = arith.muli %mul3A_118, %scan3A_117 : i32
      %add3A_120 = arith.constant 1 : i32
      %add3A_121 = arith.addi %mul3A_119, %add3A_120 : i32
      %mul3A_122 = arith.constant 10000 : i32
      %mul3A_123 = arith.muli %add3A, %mul3A_122 : i32
      %mul3A_124 = arith.constant 80 : i32
      %mul3A_125 = arith.muli %add3A_121, %mul3A_124 : i32
      %add3A_126 = arith.addi %mul3A_123, %mul3A_125 : i32
      %dma_start3A_127 = tpu.memref_slice %arg6[%add3A_126] : memref<320000xi32, #tpu.memory_space<hbm>> -> memref<80xi32, #tpu.memory_space<hbm>>
      %dma_start3A_128 = tpu.memref_slice %arg6[%add3A_126] : memref<320000xi32, #tpu.memory_space<hbm>> -> memref<80xi32, #tpu.memory_space<hbm>>
      tpu.enqueue_dma source(%dma_start3A_128 : memref<80xi32, #tpu.memory_space<hbm>>) target(%arg17 : memref<80xi32, #tpu.memory_space<vmem>>) target_semaphore(%arg27 : memref<!tpu.dma_semaphore, #tpu.memory_space<semaphore_mem>>)
      "tpu.region"() ({
        %run_scoped3A = tpu.sem_alloc : memref<!tpu.dma_semaphore, #tpu.memory_space<semaphore_mem>>
        %dma_start3A_144 = arith.constant 0 : i32
        %dma_start3A_145 = arith.constant 0 : i32
        %dma_start3A_146 = tpu.memref_slice %arg28[%dma_start3A_144, %dma_start3A_145] : memref<10240x128xf32, #tpu.memory_space<vmem_shared>> -> memref<10240x128xf32, #tpu.memory_space<vmem_shared>>
        tpu.enqueue_indirect_dma source(%arg23 : memref<80x128xf32, #tpu.memory_space<vmem>>) target(%dma_start3A_146 : memref<10240x128xf32, #tpu.memory_space<vmem_shared>>) offsets(%arg15 : memref<80xi32, #tpu.memory_space<vmem>>) semaphore(%run_scoped3A : memref<!tpu.dma_semaphore, #tpu.memory_space<semaphore_mem>>) {add = true}
        %dma_wait3A_147 = arith.constant 0 : i32
        %dma_wait3A_148 = arith.constant 0 : i32
        %dma_wait3A_149 = tpu.memref_slice %arg28[%dma_wait3A_147, %dma_wait3A_148] : memref<10240x128xf32, #tpu.memory_space<vmem_shared>> -> memref<10240x128xf32, #tpu.memory_space<vmem_shared>>
        tpu.wait_indirect_dma semaphore(%run_scoped3A : memref<!tpu.dma_semaphore, #tpu.memory_space<semaphore_mem>>) src(%arg23 : memref<80x128xf32, #tpu.memory_space<vmem>>) dst(%dma_wait3A_149 : memref<10240x128xf32, #tpu.memory_space<vmem_shared>>)
        tpu.yield
      }) : () -> ()
      %dma_wait3A_129 = tpu.memref_slice %arg6[%add3A_126] : memref<320000xi32, #tpu.memory_space<hbm>> -> memref<80xi32, #tpu.memory_space<hbm>>
      %dma_wait3A_130 = tpu.memref_slice %arg6[%add3A_126] : memref<320000xi32, #tpu.memory_space<hbm>> -> memref<80xi32, #tpu.memory_space<hbm>>
      tpu.wait_dma2 semaphore(%arg27 : memref<!tpu.dma_semaphore, #tpu.memory_space<semaphore_mem>>) src(%dma_wait3A_130 : memref<80xi32, #tpu.memory_space<hbm>>) dst(%arg17 : memref<80xi32, #tpu.memory_space<vmem>>)
      %mul3A_131 = arith.constant 2 : i32
      %mul3A_132 = arith.muli %mul3A_131, %scan3A_117 : i32
      %add3A_133 = arith.constant 2 : i32
      %add3A_134 = arith.addi %mul3A_132, %add3A_133 : i32
      %mul3A_135 = arith.constant 10000 : i32
      %mul3A_136 = arith.muli %add3A, %mul3A_135 : i32
      %mul3A_137 = arith.constant 80 : i32
      %mul3A_138 = arith.muli %add3A_134, %mul3A_137 : i32
      %add3A_139 = arith.addi %mul3A_136, %mul3A_138 : i32
      %dma_start3A_140 = tpu.memref_slice %arg6[%add3A_139] : memref<320000xi32, #tpu.memory_space<hbm>> -> memref<80xi32, #tpu.memory_space<hbm>>
      %dma_start3A_141 = tpu.memref_slice %arg6[%add3A_139] : memref<320000xi32, #tpu.memory_space<hbm>> -> memref<80xi32, #tpu.memory_space<hbm>>
      tpu.enqueue_dma source(%dma_start3A_141 : memref<80xi32, #tpu.memory_space<hbm>>) target(%arg15 : memref<80xi32, #tpu.memory_space<vmem>>) target_semaphore(%arg27 : memref<!tpu.dma_semaphore, #tpu.memory_space<semaphore_mem>>)
      "tpu.region"() ({
        %run_scoped3A = tpu.sem_alloc : memref<!tpu.dma_semaphore, #tpu.memory_space<semaphore_mem>>
        %dma_start3A_144 = arith.constant 0 : i32
        %dma_start3A_145 = arith.constant 0 : i32
        %dma_start3A_146 = tpu.memref_slice %arg28[%dma_start3A_144, %dma_start3A_145] : memref<10240x128xf32, #tpu.memory_space<vmem_shared>> -> memref<10240x128xf32, #tpu.memory_space<vmem_shared>>
        tpu.enqueue_indirect_dma source(%arg23 : memref<80x128xf32, #tpu.memory_space<vmem>>) target(%dma_start3A_146 : memref<10240x128xf32, #tpu.memory_space<vmem_shared>>) offsets(%arg17 : memref<80xi32, #tpu.memory_space<vmem>>) semaphore(%run_scoped3A : memref<!tpu.dma_semaphore, #tpu.memory_space<semaphore_mem>>) {add = true}
        %dma_wait3A_147 = arith.constant 0 : i32
        %dma_wait3A_148 = arith.constant 0 : i32
        %dma_wait3A_149 = tpu.memref_slice %arg28[%dma_wait3A_147, %dma_wait3A_148] : memref<10240x128xf32, #tpu.memory_space<vmem_shared>> -> memref<10240x128xf32, #tpu.memory_space<vmem_shared>>
        tpu.wait_indirect_dma semaphore(%run_scoped3A : memref<!tpu.dma_semaphore, #tpu.memory_space<semaphore_mem>>) src(%arg23 : memref<80x128xf32, #tpu.memory_space<vmem>>) dst(%dma_wait3A_149 : memref<10240x128xf32, #tpu.memory_space<vmem_shared>>)
        tpu.yield
      }) : () -> ()
      %dma_wait3A_142 = tpu.memref_slice %arg6[%add3A_139] : memref<320000xi32, #tpu.memory_space<hbm>> -> memref<80xi32, #tpu.memory_space<hbm>>
      %dma_wait3A_143 = tpu.memref_slice %arg6[%add3A_139] : memref<320000xi32, #tpu.memory_space<hbm>> -> memref<80xi32, #tpu.memory_space<hbm>>
      tpu.wait_dma2 semaphore(%arg27 : memref<!tpu.dma_semaphore, #tpu.memory_space<semaphore_mem>>) src(%dma_wait3A_143 : memref<80xi32, #tpu.memory_space<hbm>>) dst(%arg15 : memref<80xi32, #tpu.memory_space<vmem>>)
    }
    %scan3A_111 = arith.constant 62 : i32
    "tpu.region"() ({
      %run_scoped3A = tpu.sem_alloc : memref<!tpu.dma_semaphore, #tpu.memory_space<semaphore_mem>>
      %dma_start3A_117 = arith.constant 0 : i32
      %dma_start3A_118 = arith.constant 0 : i32
      %dma_start3A_119 = tpu.memref_slice %arg28[%dma_start3A_117, %dma_start3A_118] : memref<10240x128xf32, #tpu.memory_space<vmem_shared>> -> memref<10240x128xf32, #tpu.memory_space<vmem_shared>>
      tpu.enqueue_indirect_dma source(%arg23 : memref<80x128xf32, #tpu.memory_space<vmem>>) target(%dma_start3A_119 : memref<10240x128xf32, #tpu.memory_space<vmem_shared>>) offsets(%arg15 : memref<80xi32, #tpu.memory_space<vmem>>) semaphore(%run_scoped3A : memref<!tpu.dma_semaphore, #tpu.memory_space<semaphore_mem>>) {add = true}
      %dma_wait3A_120 = arith.constant 0 : i32
      %dma_wait3A_121 = arith.constant 0 : i32
      %dma_wait3A_122 = tpu.memref_slice %arg28[%dma_wait3A_120, %dma_wait3A_121] : memref<10240x128xf32, #tpu.memory_space<vmem_shared>> -> memref<10240x128xf32, #tpu.memory_space<vmem_shared>>
      tpu.wait_indirect_dma semaphore(%run_scoped3A : memref<!tpu.dma_semaphore, #tpu.memory_space<semaphore_mem>>) src(%arg23 : memref<80x128xf32, #tpu.memory_space<vmem>>) dst(%dma_wait3A_122 : memref<10240x128xf32, #tpu.memory_space<vmem_shared>>)
      tpu.yield
    }) : () -> ()
    %barrier3A_112 = arith.constant 0 : index
    tpu.barrier barrier_id(%barrier3A_112)
    %mul3A_113 = arith.constant 640 : i32
    %mul3A_114 = arith.muli %arg1, %mul3A_113 : i32
    %mul3A_115 = arith.constant 640 : i32
    %mul3A_116 = arith.muli %arg1, %mul3A_115 : i32
    "tpu.region"() ({
      %run_scoped3A = tpu.sem_alloc : memref<!tpu.dma_semaphore, #tpu.memory_space<semaphore_mem>>
      %dma_start3A_117 = arith.constant 0 : i32
      %dma_start3A_118 = tpu.memref_slice %arg13[%arg0, %mul3A_116, %dma_start3A_117] : memref<2x10240x128xf32, #tpu.memory_space<hbm>> -> memref<1x640x128xf32, #tpu.memory_space<hbm>>
      %dma_start3A_119 = tpu.memref_squeeze %dma_start3A_118 : memref<1x640x128xf32, #tpu.memory_space<hbm>> -> memref<640x128xf32, #tpu.memory_space<hbm>>
      %dma_start3A_120 = arith.constant 0 : i32
      %dma_start3A_121 = tpu.memref_slice %arg28[%mul3A_114, %dma_start3A_120] : memref<10240x128xf32, #tpu.memory_space<vmem_shared>> -> memref<640x128xf32, #tpu.memory_space<vmem_shared>>
      tpu.enqueue_dma source(%dma_start3A_121 : memref<640x128xf32, #tpu.memory_space<vmem_shared>>) target(%dma_start3A_119 : memref<640x128xf32, #tpu.memory_space<hbm>>) target_semaphore(%run_scoped3A : memref<!tpu.dma_semaphore, #tpu.memory_space<semaphore_mem>>)
      %dma_wait3A_122 = arith.constant 0 : i32
      %dma_wait3A_123 = tpu.memref_slice %arg13[%arg0, %mul3A_116, %dma_wait3A_122] : memref<2x10240x128xf32, #tpu.memory_space<hbm>> -> memref<1x640x128xf32, #tpu.memory_space<hbm>>
      %dma_wait3A_124 = tpu.memref_squeeze %dma_wait3A_123 : memref<1x640x128xf32, #tpu.memory_space<hbm>> -> memref<640x128xf32, #tpu.memory_space<hbm>>
      %dma_wait3A_125 = arith.constant 0 : i32
      %dma_wait3A_126 = tpu.memref_slice %arg28[%mul3A_114, %dma_wait3A_125] : memref<10240x128xf32, #tpu.memory_space<vmem_shared>> -> memref<640x128xf32, #tpu.memory_space<vmem_shared>>
      tpu.wait_dma2 semaphore(%run_scoped3A : memref<!tpu.dma_semaphore, #tpu.memory_space<semaphore_mem>>) src(%dma_wait3A_126 : memref<640x128xf32, #tpu.memory_space<vmem_shared>>) dst(%dma_wait3A_124 : memref<640x128xf32, #tpu.memory_space<hbm>>)
      tpu.yield
    }) : () -> ()
    return
  }
}

module attributes {stable_mosaic.version = 14 : i64} {
  func.func @_tc_body(%arg0: i32, %arg1: memref<1000x128xf32, #tpu.memory_space<vmem>>, %arg2: memref<1x1000x128xf32, #tpu.memory_space<vmem>>, %arg3: memref<1x1000x128xf32, #tpu.memory_space<vmem>>, %arg4: memref<1x1000x128xf32, #tpu.memory_space<vmem>>, %arg5: memref<1x1000x128xf32, #tpu.memory_space<vmem>>, %arg6: memref<128x128xf32, #tpu.memory_space<vmem>>, %arg7: memref<128x128xf32, #tpu.memory_space<vmem>>, %arg8: memref<1x128xf32, #tpu.memory_space<vmem>>, %arg9: memref<1000x128xf32, #tpu.memory_space<vmem>>) attributes {dimension_semantics = [#tpu.dimension_semantics<arbitrary>], iteration_bounds = array<i64: 10>, scalar_prefetch = 0 : i64, scratch_operands = 0 : i64, tpu.core_type = #tpu.core_type<tc>, window_params = [{transform_indices = @transform_0, window_bounds = array<i64: 1000, 128>}, {transform_indices = @transform_1, window_bounds = array<i64: 1, 1000, 128>}, {transform_indices = @transform_2, window_bounds = array<i64: 1, 1000, 128>}, {transform_indices = @transform_3, window_bounds = array<i64: 1, 1000, 128>}, {transform_indices = @transform_4, window_bounds = array<i64: 1, 1000, 128>}, {pipeline_mode = #tpu.pipeline_mode<synchronous>, transform_indices = @transform_5, window_bounds = array<i64: 128, 128>}, {pipeline_mode = #tpu.pipeline_mode<synchronous>, transform_indices = @transform_6, window_bounds = array<i64: 128, 128>}, {pipeline_mode = #tpu.pipeline_mode<synchronous>, transform_indices = @transform_7, window_bounds = array<i64: 1, 128>}, {transform_indices = @transform_8, window_bounds = array<i64: 1000, 128>}]} {
    %get3A = arith.constant 0 : index
    %get3A_0 = arith.constant 0 : index
    %get3A_1 = arith.constant 0 : index
    %get3A_2 = vector.load %arg4[%get3A, %get3A_0, %get3A_1] : memref<1x1000x128xf32, #tpu.memory_space<vmem>>, vector<1x1000x128xf32>
    %get3A_3 = vector.shape_cast %get3A_2 : vector<1x1000x128xf32> to vector<1000x128xf32>
    %get3A_4 = arith.constant 0 : index
    %get3A_5 = arith.constant 0 : index
    %get3A_6 = arith.constant 0 : index
    %get3A_7 = vector.load %arg5[%get3A_4, %get3A_5, %get3A_6] : memref<1x1000x128xf32, #tpu.memory_space<vmem>>, vector<1x1000x128xf32>
    %get3A_8 = vector.shape_cast %get3A_7 : vector<1x1000x128xf32> to vector<1000x128xf32>
    %add3A = arith.addf %get3A_3, %get3A_8 : vector<1000x128xf32>
    %get3A_9 = arith.constant 0 : index
    %get3A_10 = arith.constant 0 : index
    %get3A_11 = arith.constant 0 : index
    %get3A_12 = vector.load %arg2[%get3A_9, %get3A_10, %get3A_11] : memref<1x1000x128xf32, #tpu.memory_space<vmem>>, vector<1x1000x128xf32>
    %get3A_13 = vector.shape_cast %get3A_12 : vector<1x1000x128xf32> to vector<1000x128xf32>
    %get3A_14 = arith.constant 0 : index
    %get3A_15 = arith.constant 0 : index
    %get3A_16 = arith.constant 0 : index
    %get3A_17 = vector.load %arg3[%get3A_14, %get3A_15, %get3A_16] : memref<1x1000x128xf32, #tpu.memory_space<vmem>>, vector<1x1000x128xf32>
    %get3A_18 = vector.shape_cast %get3A_17 : vector<1x1000x128xf32> to vector<1000x128xf32>
    %add3A_19 = arith.addf %get3A_13, %get3A_18 : vector<1000x128xf32>
    %max3A = arith.constant 1.000000e+00 : f32
    %max3A_20 = vector.broadcast %max3A : f32 to vector<1000x128xf32>
    %max3A_21 = arith.maximumf %add3A, %max3A_20 : vector<1000x128xf32>
    %div3A = arith.divf %add3A_19, %max3A_21 : vector<1000x128xf32>
    %get3A_22 = arith.constant 0 : index
    %get3A_23 = arith.constant 0 : index
    %get3A_24 = vector.load %arg1[%get3A_22, %get3A_23] : memref<1000x128xf32, #tpu.memory_space<vmem>>, vector<1000x128xf32>
    %get3A_25 = arith.constant 0 : index
    %get3A_26 = arith.constant 0 : index
    %get3A_27 = vector.load %arg6[%get3A_25, %get3A_26] : memref<128x128xf32, #tpu.memory_space<vmem>>, vector<128x128xf32>
    %dot_general3A = arith.constant dense<0.000000e+00> : vector<1000x128xf32>
    %dot_general3A_28 = tpu.matmul %get3A_24, %get3A_27, %dot_general3A {dimension_numbers = #tpu.dot_dimension_numbers<[1], [0], [0], [1], [0, 0, 1, 1], [], []>, transpose_lhs_hint = false} : vector<1000x128xf32>, vector<128x128xf32>, vector<1000x128xf32> -> vector<1000x128xf32>
    %get3A_29 = arith.constant 0 : index
    %get3A_30 = arith.constant 0 : index
    %get3A_31 = vector.load %arg7[%get3A_29, %get3A_30] : memref<128x128xf32, #tpu.memory_space<vmem>>, vector<128x128xf32>
    %dot_general3A_32 = arith.constant dense<0.000000e+00> : vector<1000x128xf32>
    %dot_general3A_33 = tpu.matmul %div3A, %get3A_31, %dot_general3A_32 {dimension_numbers = #tpu.dot_dimension_numbers<[1], [0], [0], [1], [0, 0, 1, 1], [], []>, transpose_lhs_hint = false} : vector<1000x128xf32>, vector<128x128xf32>, vector<1000x128xf32> -> vector<1000x128xf32>
    %add3A_34 = arith.addf %dot_general3A_28, %dot_general3A_33 : vector<1000x128xf32>
    %get3A_35 = arith.constant 0 : index
    %get3A_36 = arith.constant 0 : index
    %get3A_37 = vector.load %arg8[%get3A_35, %get3A_36] : memref<1x128xf32, #tpu.memory_space<vmem>>, vector<1x128xf32>
    %add3A_38 = vector.broadcast %get3A_37 : vector<1x128xf32> to vector<1000x128xf32>
    %add3A_39 = arith.addf %add3A_34, %add3A_38 : vector<1000x128xf32>
    %gt3A = arith.constant 0.000000e+00 : f32
    %gt3A_40 = vector.broadcast %gt3A : f32 to vector<1000x128xf32>
    %gt3A_41 = arith.cmpf ogt, %add3A_39, %gt3A_40 : vector<1000x128xf32>
    %mul3A = arith.constant 0.00999999977 : f32
    %mul3A_42 = vector.broadcast %mul3A : f32 to vector<1000x128xf32>
    %mul3A_43 = arith.mulf %mul3A_42, %add3A_39 : vector<1000x128xf32>
    %select_n3A = arith.select %gt3A_41, %add3A_39, %mul3A_43 : vector<1000x128xi1>, vector<1000x128xf32>
    %swap3A = arith.constant 0 : index
    %swap3A_44 = arith.constant 0 : index
    %swap3A_45 = vector.load %arg9[%swap3A, %swap3A_44] : memref<1000x128xf32, #tpu.memory_space<vmem>>, vector<1000x128xf32>
    tpu.vector_store %arg9[%swap3A, %swap3A_44], %select_n3A {strides = array<i32>} : memref<1000x128xf32, #tpu.memory_space<vmem>>, vector<1000x128xf32>,
    return
  }
  func.func @transform_0(%arg0: i32) -> (i32, i32) {
    %c0_i32 = arith.constant 0 : i32
    %c0_i32_0 = arith.constant 0 : i32
    return %arg0, %c0_i32 : i32, i32
  }
  func.func @transform_1(%arg0: i32) -> (i32, i32, i32) {
    %c0_i32 = arith.constant 0 : i32
    %c0_i32_0 = arith.constant 0 : i32
    %c0_i32_1 = arith.constant 0 : i32
    return %c0_i32, %arg0, %c0_i32_0 : i32, i32, i32
  }
  func.func @transform_2(%arg0: i32) -> (i32, i32, i32) {
    %c1_i32 = arith.constant 1 : i32
    %c0_i32 = arith.constant 0 : i32
    %c0_i32_0 = arith.constant 0 : i32
    return %c1_i32, %arg0, %c0_i32 : i32, i32, i32
  }
  func.func @transform_3(%arg0: i32) -> (i32, i32, i32) {
    %c0_i32 = arith.constant 0 : i32
    %c0_i32_0 = arith.constant 0 : i32
    %c0_i32_1 = arith.constant 0 : i32
    return %c0_i32, %arg0, %c0_i32_0 : i32, i32, i32
  }
  func.func @transform_4(%arg0: i32) -> (i32, i32, i32) {
    %c1_i32 = arith.constant 1 : i32
    %c0_i32 = arith.constant 0 : i32
    %c0_i32_0 = arith.constant 0 : i32
    return %c1_i32, %arg0, %c0_i32 : i32, i32, i32
  }
  func.func @transform_5(%arg0: i32) -> (i32, i32) {
    %c0_i32 = arith.constant 0 : i32
    %c0_i32_0 = arith.constant 0 : i32
    %c0_i32_1 = arith.constant 0 : i32
    return %c0_i32, %c0_i32_0 : i32, i32
  }
  func.func @transform_6(%arg0: i32) -> (i32, i32) {
    %c0_i32 = arith.constant 0 : i32
    %c0_i32_0 = arith.constant 0 : i32
    %c0_i32_1 = arith.constant 0 : i32
    return %c0_i32, %c0_i32_0 : i32, i32
  }
  func.func @transform_7(%arg0: i32) -> (i32, i32) {
    %c0_i32 = arith.constant 0 : i32
    %c0_i32_0 = arith.constant 0 : i32
    %c0_i32_1 = arith.constant 0 : i32
    return %c0_i32, %c0_i32_0 : i32, i32
  }
  func.func @transform_8(%arg0: i32) -> (i32, i32) {
    %c0_i32 = arith.constant 0 : i32
    %c0_i32_0 = arith.constant 0 : i32
    return %arg0, %c0_i32 : i32, i32
  }
}

module attributes {stable_mosaic.version = 14 : i64} {
  func.func @_tc_body_cat(%arg0: i32, %arg1: memref<1000x128xf32, #tpu.memory_space<vmem>>, %arg2: memref<1x1000x128xf32, #tpu.memory_space<vmem>>, %arg3: memref<1x1000x128xf32, #tpu.memory_space<vmem>>, %arg4: memref<1x1000x128xf32, #tpu.memory_space<vmem>>, %arg5: memref<1x1000x128xf32, #tpu.memory_space<vmem>>, %arg6: memref<128x128xf32, #tpu.memory_space<vmem>>, %arg7: memref<128x128xf32, #tpu.memory_space<vmem>>, %arg8: memref<1x128xf32, #tpu.memory_space<vmem>>, %arg9: memref<1000x128xf32, #tpu.memory_space<vmem>>) attributes {dimension_semantics = [#tpu.dimension_semantics<arbitrary>], iteration_bounds = array<i64: 10>, scalar_prefetch = 0 : i64, scratch_operands = 0 : i64, tpu.core_type = #tpu.core_type<tc>, window_params = [{transform_indices = @transform_0, window_bounds = array<i64: 1000, 128>}, {transform_indices = @transform_1, window_bounds = array<i64: 1, 1000, 128>}, {transform_indices = @transform_2, window_bounds = array<i64: 1, 1000, 128>}, {transform_indices = @transform_3, window_bounds = array<i64: 1, 1000, 128>}, {transform_indices = @transform_4, window_bounds = array<i64: 1, 1000, 128>}, {pipeline_mode = #tpu.pipeline_mode<synchronous>, transform_indices = @transform_5, window_bounds = array<i64: 128, 128>}, {pipeline_mode = #tpu.pipeline_mode<synchronous>, transform_indices = @transform_6, window_bounds = array<i64: 128, 128>}, {pipeline_mode = #tpu.pipeline_mode<synchronous>, transform_indices = @transform_7, window_bounds = array<i64: 1, 128>}, {transform_indices = @transform_8, window_bounds = array<i64: 1000, 128>}]} {
    %get3A = arith.constant 0 : index
    %get3A_0 = arith.constant 0 : index
    %get3A_1 = arith.constant 0 : index
    %get3A_2 = vector.load %arg4[%get3A, %get3A_0, %get3A_1] : memref<1x1000x128xf32, #tpu.memory_space<vmem>>, vector<1x1000x128xf32>
    %get3A_3 = vector.shape_cast %get3A_2 : vector<1x1000x128xf32> to vector<1000x128xf32>
    %get3A_4 = arith.constant 0 : index
    %get3A_5 = arith.constant 0 : index
    %get3A_6 = arith.constant 0 : index
    %get3A_7 = vector.load %arg5[%get3A_4, %get3A_5, %get3A_6] : memref<1x1000x128xf32, #tpu.memory_space<vmem>>, vector<1x1000x128xf32>
    %get3A_8 = vector.shape_cast %get3A_7 : vector<1x1000x128xf32> to vector<1000x128xf32>
    %add3A = arith.addf %get3A_3, %get3A_8 : vector<1000x128xf32>
    %get3A_9 = arith.constant 0 : index
    %get3A_10 = arith.constant 0 : index
    %get3A_11 = arith.constant 0 : index
    %get3A_12 = vector.load %arg2[%get3A_9, %get3A_10, %get3A_11] : memref<1x1000x128xf32, #tpu.memory_space<vmem>>, vector<1x1000x128xf32>
    %get3A_13 = vector.shape_cast %get3A_12 : vector<1x1000x128xf32> to vector<1000x128xf32>
    %get3A_14 = arith.constant 0 : index
    %get3A_15 = arith.constant 0 : index
    %get3A_16 = arith.constant 0 : index
    %get3A_17 = vector.load %arg3[%get3A_14, %get3A_15, %get3A_16] : memref<1x1000x128xf32, #tpu.memory_space<vmem>>, vector<1x1000x128xf32>
    %get3A_18 = vector.shape_cast %get3A_17 : vector<1x1000x128xf32> to vector<1000x128xf32>
    %add3A_19 = arith.addf %get3A_13, %get3A_18 : vector<1000x128xf32>
    %max3A = arith.constant 1.000000e+00 : f32
    %max3A_20 = vector.broadcast %max3A : f32 to vector<1000x128xf32>
    %max3A_21 = arith.maximumf %add3A, %max3A_20 : vector<1000x128xf32>
    %div3A = arith.divf %add3A_19, %max3A_21 : vector<1000x128xf32>
    %get3A_22 = arith.constant 0 : index
    %get3A_23 = arith.constant 0 : index
    %get3A_24 = vector.load %arg1[%get3A_22, %get3A_23] : memref<1000x128xf32, #tpu.memory_space<vmem>>, vector<1000x128xf32>
    %get3A_25 = arith.constant 0 : index
    %get3A_26 = arith.constant 0 : index
    %get3A_27 = vector.load %arg6[%get3A_25, %get3A_26] : memref<128x128xf32, #tpu.memory_space<vmem>>, vector<128x128xf32>
    %dot_general3A = arith.constant dense<0.000000e+00> : vector<1000x128xf32>
    %dot_general3A_28 = tpu.matmul %get3A_24, %get3A_27, %dot_general3A {dimension_numbers = #tpu.dot_dimension_numbers<[1], [0], [0], [1], [0, 0, 1, 1], [], []>, transpose_lhs_hint = false} : vector<1000x128xf32>, vector<128x128xf32>, vector<1000x128xf32> -> vector<1000x128xf32>
    %get3A_29 = arith.constant 0 : index
    %get3A_30 = arith.constant 0 : index
    %get3A_31 = vector.load %arg7[%get3A_29, %get3A_30] : memref<128x128xf32, #tpu.memory_space<vmem>>, vector<128x128xf32>
    %dot_general3A_32 = arith.constant dense<0.000000e+00> : vector<1000x128xf32>
    %dot_general3A_33 = tpu.matmul %div3A, %get3A_31, %dot_general3A_32 {dimension_numbers = #tpu.dot_dimension_numbers<[1], [0], [0], [1], [0, 0, 1, 1], [], []>, transpose_lhs_hint = false} : vector<1000x128xf32>, vector<128x128xf32>, vector<1000x128xf32> -> vector<1000x128xf32>
    %add3A_34 = arith.addf %dot_general3A_28, %dot_general3A_33 : vector<1000x128xf32>
    %get3A_35 = arith.constant 0 : index
    %get3A_36 = arith.constant 0 : index
    %get3A_37 = vector.load %arg8[%get3A_35, %get3A_36] : memref<1x128xf32, #tpu.memory_space<vmem>>, vector<1x128xf32>
    %add3A_38 = vector.broadcast %get3A_37 : vector<1x128xf32> to vector<1000x128xf32>
    %add3A_39 = arith.addf %add3A_34, %add3A_38 : vector<1000x128xf32>
    %swap3A = arith.constant 0 : index
    %swap3A_40 = arith.constant 0 : index
    %swap3A_41 = vector.load %arg9[%swap3A, %swap3A_40] : memref<1000x128xf32, #tpu.memory_space<vmem>>, vector<1000x128xf32>
    tpu.vector_store %arg9[%swap3A, %swap3A_40], %add3A_39 {strides = array<i32>} : memref<1000x128xf32, #tpu.memory_space<vmem>>, vector<1000x128xf32>,
    return
  }
  func.func @transform_0(%arg0: i32) -> (i32, i32) {
    %c0_i32 = arith.constant 0 : i32
    %c0_i32_0 = arith.constant 0 : i32
    return %arg0, %c0_i32 : i32, i32
  }
  func.func @transform_1(%arg0: i32) -> (i32, i32, i32) {
    %c0_i32 = arith.constant 0 : i32
    %c0_i32_0 = arith.constant 0 : i32
    %c0_i32_1 = arith.constant 0 : i32
    return %c0_i32, %arg0, %c0_i32_0 : i32, i32, i32
  }
  func.func @transform_2(%arg0: i32) -> (i32, i32, i32) {
    %c1_i32 = arith.constant 1 : i32
    %c0_i32 = arith.constant 0 : i32
    %c0_i32_0 = arith.constant 0 : i32
    return %c1_i32, %arg0, %c0_i32 : i32, i32, i32
  }
  func.func @transform_3(%arg0: i32) -> (i32, i32, i32) {
    %c0_i32 = arith.constant 0 : i32
    %c0_i32_0 = arith.constant 0 : i32
    %c0_i32_1 = arith.constant 0 : i32
    return %c0_i32, %arg0, %c0_i32_0 : i32, i32, i32
  }
  func.func @transform_4(%arg0: i32) -> (i32, i32, i32) {
    %c1_i32 = arith.constant 1 : i32
    %c0_i32 = arith.constant 0 : i32
    %c0_i32_0 = arith.constant 0 : i32
    return %c1_i32, %arg0, %c0_i32 : i32, i32, i32
  }
  func.func @transform_5(%arg0: i32) -> (i32, i32) {
    %c0_i32 = arith.constant 0 : i32
    %c0_i32_0 = arith.constant 0 : i32
    %c0_i32_1 = arith.constant 0 : i32
    return %c0_i32, %c0_i32_0 : i32, i32
  }
  func.func @transform_6(%arg0: i32) -> (i32, i32) {
    %c0_i32 = arith.constant 0 : i32
    %c0_i32_0 = arith.constant 0 : i32
    %c0_i32_1 = arith.constant 0 : i32
    return %c0_i32, %c0_i32_0 : i32, i32
  }
  func.func @transform_7(%arg0: i32) -> (i32, i32) {
    %c0_i32 = arith.constant 0 : i32
    %c0_i32_0 = arith.constant 0 : i32
    %c0_i32_1 = arith.constant 0 : i32
    return %c0_i32, %c0_i32_0 : i32, i32
  }
  func.func @transform_8(%arg0: i32) -> (i32, i32) {
    %add3A = arith.constant 10 : i32
    %add3A_0 = arith.addi %arg0, %add3A : i32
    %c0_i32 = arith.constant 0 : i32
    %c0_i32_1 = arith.constant 0 : i32
    return %add3A_0, %c0_i32 : i32, i32
  }
}

module attributes {stable_mosaic.version = 14 : i64} {
  func.func @_tc_body_cat(%arg0: i32, %arg1: memref<1000x128xf32, #tpu.memory_space<vmem>>, %arg2: memref<1x1000x128xf32, #tpu.memory_space<vmem>>, %arg3: memref<1x1000x128xf32, #tpu.memory_space<vmem>>, %arg4: memref<1x1000x128xf32, #tpu.memory_space<vmem>>, %arg5: memref<1x1000x128xf32, #tpu.memory_space<vmem>>, %arg6: memref<128x128xf32, #tpu.memory_space<vmem>>, %arg7: memref<128x128xf32, #tpu.memory_space<vmem>>, %arg8: memref<1x128xf32, #tpu.memory_space<vmem>>, %arg9: memref<1000x128xf32, #tpu.memory_space<vmem>>, %arg10: memref<1000x128xf32, #tpu.memory_space<vmem>>) attributes {dimension_semantics = [#tpu.dimension_semantics<arbitrary>], iteration_bounds = array<i64: 10>, scalar_prefetch = 0 : i64, scratch_operands = 0 : i64, tpu.core_type = #tpu.core_type<tc>, window_params = [{transform_indices = @transform_0, window_bounds = array<i64: 1000, 128>}, {transform_indices = @transform_1, window_bounds = array<i64: 1, 1000, 128>}, {transform_indices = @transform_2, window_bounds = array<i64: 1, 1000, 128>}, {transform_indices = @transform_3, window_bounds = array<i64: 1, 1000, 128>}, {transform_indices = @transform_4, window_bounds = array<i64: 1, 1000, 128>}, {pipeline_mode = #tpu.pipeline_mode<synchronous>, transform_indices = @transform_5, window_bounds = array<i64: 128, 128>}, {pipeline_mode = #tpu.pipeline_mode<synchronous>, transform_indices = @transform_6, window_bounds = array<i64: 128, 128>}, {pipeline_mode = #tpu.pipeline_mode<synchronous>, transform_indices = @transform_7, window_bounds = array<i64: 1, 128>}, {transform_indices = @transform_8, window_bounds = array<i64: 1000, 128>}, {transform_indices = @transform_9, window_bounds = array<i64: 1000, 128>}]} {
    %get3A = arith.constant 0 : index
    %get3A_0 = arith.constant 0 : index
    %get3A_1 = arith.constant 0 : index
    %get3A_2 = vector.load %arg4[%get3A, %get3A_0, %get3A_1] : memref<1x1000x128xf32, #tpu.memory_space<vmem>>, vector<1x1000x128xf32>
    %get3A_3 = vector.shape_cast %get3A_2 : vector<1x1000x128xf32> to vector<1000x128xf32>
    %get3A_4 = arith.constant 0 : index
    %get3A_5 = arith.constant 0 : index
    %get3A_6 = arith.constant 0 : index
    %get3A_7 = vector.load %arg5[%get3A_4, %get3A_5, %get3A_6] : memref<1x1000x128xf32, #tpu.memory_space<vmem>>, vector<1x1000x128xf32>
    %get3A_8 = vector.shape_cast %get3A_7 : vector<1x1000x128xf32> to vector<1000x128xf32>
    %add3A = arith.addf %get3A_3, %get3A_8 : vector<1000x128xf32>
    %get3A_9 = arith.constant 0 : index
    %get3A_10 = arith.constant 0 : index
    %get3A_11 = arith.constant 0 : index
    %get3A_12 = vector.load %arg2[%get3A_9, %get3A_10, %get3A_11] : memref<1x1000x128xf32, #tpu.memory_space<vmem>>, vector<1x1000x128xf32>
    %get3A_13 = vector.shape_cast %get3A_12 : vector<1x1000x128xf32> to vector<1000x128xf32>
    %get3A_14 = arith.constant 0 : index
    %get3A_15 = arith.constant 0 : index
    %get3A_16 = arith.constant 0 : index
    %get3A_17 = vector.load %arg3[%get3A_14, %get3A_15, %get3A_16] : memref<1x1000x128xf32, #tpu.memory_space<vmem>>, vector<1x1000x128xf32>
    %get3A_18 = vector.shape_cast %get3A_17 : vector<1x1000x128xf32> to vector<1000x128xf32>
    %add3A_19 = arith.addf %get3A_13, %get3A_18 : vector<1000x128xf32>
    %max3A = arith.constant 1.000000e+00 : f32
    %max3A_20 = vector.broadcast %max3A : f32 to vector<1000x128xf32>
    %max3A_21 = arith.maximumf %add3A, %max3A_20 : vector<1000x128xf32>
    %div3A = arith.divf %add3A_19, %max3A_21 : vector<1000x128xf32>
    %get3A_22 = arith.constant 0 : index
    %get3A_23 = arith.constant 0 : index
    %get3A_24 = vector.load %arg1[%get3A_22, %get3A_23] : memref<1000x128xf32, #tpu.memory_space<vmem>>, vector<1000x128xf32>
    %get3A_25 = arith.constant 0 : index
    %get3A_26 = arith.constant 0 : index
    %get3A_27 = vector.load %arg6[%get3A_25, %get3A_26] : memref<128x128xf32, #tpu.memory_space<vmem>>, vector<128x128xf32>
    %dot_general3A = arith.constant dense<0.000000e+00> : vector<1000x128xf32>
    %dot_general3A_28 = tpu.matmul %get3A_24, %get3A_27, %dot_general3A {dimension_numbers = #tpu.dot_dimension_numbers<[1], [0], [0], [1], [0, 0, 1, 1], [], []>, transpose_lhs_hint = false} : vector<1000x128xf32>, vector<128x128xf32>, vector<1000x128xf32> -> vector<1000x128xf32>
    %get3A_29 = arith.constant 0 : index
    %get3A_30 = arith.constant 0 : index
    %get3A_31 = vector.load %arg7[%get3A_29, %get3A_30] : memref<128x128xf32, #tpu.memory_space<vmem>>, vector<128x128xf32>
    %dot_general3A_32 = arith.constant dense<0.000000e+00> : vector<1000x128xf32>
    %dot_general3A_33 = tpu.matmul %div3A, %get3A_31, %dot_general3A_32 {dimension_numbers = #tpu.dot_dimension_numbers<[1], [0], [0], [1], [0, 0, 1, 1], [], []>, transpose_lhs_hint = false} : vector<1000x128xf32>, vector<128x128xf32>, vector<1000x128xf32> -> vector<1000x128xf32>
    %add3A_34 = arith.addf %dot_general3A_28, %dot_general3A_33 : vector<1000x128xf32>
    %get3A_35 = arith.constant 0 : index
    %get3A_36 = arith.constant 0 : index
    %get3A_37 = vector.load %arg8[%get3A_35, %get3A_36] : memref<1x128xf32, #tpu.memory_space<vmem>>, vector<1x128xf32>
    %add3A_38 = vector.broadcast %get3A_37 : vector<1x128xf32> to vector<1000x128xf32>
    %add3A_39 = arith.addf %add3A_34, %add3A_38 : vector<1000x128xf32>
    %swap3A = arith.constant 0 : index
    %swap3A_40 = arith.constant 0 : index
    %swap3A_41 = vector.load %arg10[%swap3A, %swap3A_40] : memref<1000x128xf32, #tpu.memory_space<vmem>>, vector<1000x128xf32>
    tpu.vector_store %arg10[%swap3A, %swap3A_40], %add3A_39 {strides = array<i32>} : memref<1000x128xf32, #tpu.memory_space<vmem>>, vector<1000x128xf32>,
    return
  }
  func.func @transform_0(%arg0: i32) -> (i32, i32) {
    %c0_i32 = arith.constant 0 : i32
    %c0_i32_0 = arith.constant 0 : i32
    return %arg0, %c0_i32 : i32, i32
  }
  func.func @transform_1(%arg0: i32) -> (i32, i32, i32) {
    %c0_i32 = arith.constant 0 : i32
    %c0_i32_0 = arith.constant 0 : i32
    %c0_i32_1 = arith.constant 0 : i32
    return %c0_i32, %arg0, %c0_i32_0 : i32, i32, i32
  }
  func.func @transform_2(%arg0: i32) -> (i32, i32, i32) {
    %c1_i32 = arith.constant 1 : i32
    %c0_i32 = arith.constant 0 : i32
    %c0_i32_0 = arith.constant 0 : i32
    return %c1_i32, %arg0, %c0_i32 : i32, i32, i32
  }
  func.func @transform_3(%arg0: i32) -> (i32, i32, i32) {
    %c0_i32 = arith.constant 0 : i32
    %c0_i32_0 = arith.constant 0 : i32
    %c0_i32_1 = arith.constant 0 : i32
    return %c0_i32, %arg0, %c0_i32_0 : i32, i32, i32
  }
  func.func @transform_4(%arg0: i32) -> (i32, i32, i32) {
    %c1_i32 = arith.constant 1 : i32
    %c0_i32 = arith.constant 0 : i32
    %c0_i32_0 = arith.constant 0 : i32
    return %c1_i32, %arg0, %c0_i32 : i32, i32, i32
  }
  func.func @transform_5(%arg0: i32) -> (i32, i32) {
    %c0_i32 = arith.constant 0 : i32
    %c0_i32_0 = arith.constant 0 : i32
    %c0_i32_1 = arith.constant 0 : i32
    return %c0_i32, %c0_i32_0 : i32, i32
  }
  func.func @transform_6(%arg0: i32) -> (i32, i32) {
    %c0_i32 = arith.constant 0 : i32
    %c0_i32_0 = arith.constant 0 : i32
    %c0_i32_1 = arith.constant 0 : i32
    return %c0_i32, %c0_i32_0 : i32, i32
  }
  func.func @transform_7(%arg0: i32) -> (i32, i32) {
    %c0_i32 = arith.constant 0 : i32
    %c0_i32_0 = arith.constant 0 : i32
    %c0_i32_1 = arith.constant 0 : i32
    return %c0_i32, %c0_i32_0 : i32, i32
  }
  func.func @transform_8(%arg0: i32) -> (i32, i32) {
    %add3A = arith.constant 0 : i32
    %add3A_0 = arith.addi %arg0, %add3A : i32
    %c0_i32 = arith.constant 0 : i32
    %c0_i32_1 = arith.constant 0 : i32
    return %add3A_0, %c0_i32 : i32, i32
  }
  func.func @transform_9(%arg0: i32) -> (i32, i32) {
    %add3A = arith.constant 0 : i32
    %add3A_0 = arith.addi %arg0, %add3A : i32
    %c0_i32 = arith.constant 0 : i32
    %c0_i32_1 = arith.constant 0 : i32
    return %add3A_0, %c0_i32 : i32, i32
  }
}

</mosaic_0001>

<sc_bundles>
// kernel: kernel.12.cloned.1.call-start
scs
__scs_entry_jumppad:
0x0: {  	(pc) =	sbr.rel $0x88, $3  }
0x1: {  	(tag) =	ssettag $0x0;
	lr =	simm.s32 $0x1  }
0x2: {  	[smem:$0x3F91] =	sst lr;
	_ =	strace $0xD0000000  }
0x3: {  	_ = 	snop  }
0x4: {  	_ = 	snop  }
0x5: {  	_ = 	snop  }
0x6: {  	_ = 	snop  }
0x7: {  	_ = 	snop  }
__scs_overlays_trampoline_lowered:
0x8: {  	[smem:$0x3FA0] =	sst s0  }
0x9: {  	[smem:$0x3FA1] =	sst s1  }
0xa: {  	[smem:$0x3FA2] =	sst s2  }
0xb: {  	[smem:$0x3FA3] =	sst s3  }
0xc: {  	[smem:$0x3FA4] =	sst s4  }
0xd: {  	[smem:$0x3FA5] =	sst s5  }
0xe: {  	[smem:$0x3FA6] =	sst s6  }
0xf: {  	[smem:$0x3FA7] =	sst s7  }
0x10: {  	[smem:$0x3FA8] =	sst s8  }
0x11: {  	[smem:$0x3FA9] =	sst s9;
	s0 =	simm.s32 @!p0 $0x0  }
0x12: {  	s1 =	sld [smem:$0x3F8F];
	s0 =	simm.s32 @p0 $0x1  }
0x13: {  	[smem:$0x3FAA] =	sst s0;
	s0 =	simm.s32 @!p1 $0x0  }
0x14: {  	s2 =	sld [smem:$0x3F8E];
	s0 =	simm.s32 @p1 $0x1  }
0x15: {  	[smem:$0x3FAB] =	sst s0;
	s0 =	simm.s32 @!p2 $0x0  }
0x16: {  	s3 =	sld [smem:$0x3FDB];
	s0 =	simm.s32 @p2 $0x1  }
0x17: {  	s4 =	simm.s32 $0x1BF5;
	[smem:$0x3FAD] =	sst s0  }
0x18: {  	s0 =	sld [smem:$0x3F90];
	_ =	swait.ge [sflag:s4], $0x0  }
0x19: {  	s7 =	sld [smem:$0x3F91]  }
0x1a: {  	s8 =	sadd.s32 $0xFFFFE003, lr  }
0x1b: {  	s9 =	sadd.s32 $0xFFFFFEF7, lr;
	s5 =	simm.s32 $0xFFFFFFFF;
	p2 =	slt.u32 s8, $0xFFFFF086  }
0x1c: {  	p1 =	slt.u32 s9, $0xF7A;
	s5 =	simm.s32 @!p2 $0x0  }
0x1d: {  	s5 =	simm.s32 @p1 $0x1;
	p0 =	seq.s32 s7, s2  }
0x1e: {  	s7 =	smul.u32 @!p0 $0xF7A, s2;
	p2 =	seq.s32 @!p0 s5, $0x0  }
0x1f: {  	s9 =	smul.u32 $0xF7A, s1;
	s8 =	simm.s32 @!p0 $0x1BF5;
	p2 =	por !p2, p0  }
0x20: {  	[sflag:s8] =	ssyncset.s32 @!p0 $0xFFFFF086;
	s6 =	sadd.s32 @!p0 s3, s7;
	s7 =	simm.s32 @!p0 $0x108  }
0x21: {  	s3 =	sadd.s32 s3, s9;
	s6 =	sadd.s32 @!p0 $0x88, s6;
	s7 =	simm.s32 @p2 $0x1082  }
0x22: {  	[simem:s7], [sflag:s8] =	dma.local @!p0 [hbm:s6], $0xF7A  }
0x23: {  	s9 =	sor.u32 $0xD0000000, s2;
	s6 =	simm.s32 $0x108;
	_ =	swait.ge @!p0 [sflag:s8], $0x0  }
0x24: {  	s3 =	sadd.s32 $0x88, s3;
	s6 =	simm.s32 @!p1 $0x1082;
	[sflag:s4] =	ssyncset.s32 $0xFFFFF086  }
0x25: {  	[simem:s6], [sflag:s4] =	dma.local [hbm:s3], $0xF7A  }
0x26: {  	[smem:$0x3F91] =	sst s1;
	(tag) =	ssettag s2;
	_ =	strace s9  }
0x27: {  	s1 =	sld [smem:$0x3FA1]  }
0x28: {  	s2 =	sld [smem:$0x3FA2]  }
0x29: {  	s4 =	sld [smem:$0x3FA4]  }
0x2a: {  	p0 =	seq.s32 s5, $0x0;
	s5 =	sld [smem:$0x3FA5]  }
0x2b: {  	s6 =	sld [smem:$0x3FA6]  }
0x2c: {  	s7 =	sld [smem:$0x3FA7]  }
0x2d: {  	s3 =	simm.s32 $0x108;
	s8 =	sld [smem:$0x3FA8]  }
0x2e: {  	s3 =	simm.s32 @!p0 $0x1082;
	s9 =	sld [smem:$0x3FA9]  }
0x2f: {  	lr =	sadd.s32 s0, s3;
	s0 =	sld [smem:$0x3FA0]  }
0x30: {  	s3 =	sld [smem:$0x3FA3]  }
0x31: {  	[smem:$0x3FAC] =	sst s10  }
0x32: {  	s10 =	sld [smem:$0x3FAA];
	_ =	sdelay $0x3  }
0x33: {  	p0 =	seq.s32 s10, $0x1;
	s10 =	sld [smem:$0x3FAC];
	_ =	sdelay $0x3  }
0x34: {  	[smem:$0x3FAC] =	sst s10  }
0x35: {  	s10 =	sld [smem:$0x3FAB];
	_ =	sdelay $0x3  }
0x36: {  	p1 =	seq.s32 s10, $0x1;
	s10 =	sld [smem:$0x3FAC];
	_ =	sdelay $0x3  }
0x37: {  	[smem:$0x3FAC] =	sst s10  }
0x38: {  	s10 =	sld [smem:$0x3FAD]  }
0x39: {  	_ = 	snop;
	(pc) =	sbr.ind lr, $3  }
0x3a: {  	_ = 	snop  }
0x3b: {  	_ = 	snop  }
0x3c: {  	p2 =	seq.s32 s10, $0x1;
	s10 =	sld [smem:$0x3FAC]  }
0x3d: {  	_ =	shalt  }
0x3e: {  	_ =	shalt  }
0x3f: {  	_ =	shalt  }
0x40: {  	_ =	shalt  }
0x41: {  	_ =	shalt  }
0x42: {  	_ =	shalt  }
0x43: {  	_ =	shalt  }
0x44: {  	_ =	shalt  }
0x45: {  	_ =	shalt  }
0x46: {  	_ =	shalt  }
0x47: {  	_ =	shalt  }
0x48: {  	_ =	shalt  }
0x49: {  	_ =	shalt  }
0x4a: {  	_ =	shalt  }
0x4b: {  	_ =	shalt  }
0x4c: {  	_ =	shalt  }
0x4d: {  	_ =	shalt  }
0x4e: {  	_ =	shalt  }
0x4f: {  	_ =	shalt  }
0x50: {  	_ =	shalt  }
0x51: {  	_ =	shalt  }
0x52: {  	_ =	shalt  }
0x53: {  	_ =	shalt  }
0x54: {  	_ =	shalt  }
0x55: {  	_ =	shalt  }
0x56: {  	_ =	shalt  }
0x57: {  	_ =	shalt  }
0x58: {  	_ =	shalt  }
0x59: {  	_ =	shalt  }
0x5a: {  	_ =	shalt  }
0x5b: {  	_ =	shalt  }
0x5c: {  	_ =	shalt  }
0x5d: {  	_ =	shalt  }
0x5e: {  	_ =	shalt  }
0x5f: {  	_ =	shalt  }
0x60: {  	_ =	shalt  }
0x61: {  	_ =	shalt  }
0x62: {  	_ =	shalt  }
0x63: {  	_ =	shalt  }
0x64: {  	_ =	shalt  }
0x65: {  	_ =	shalt  }
0x66: {  	_ =	shalt  }
0x67: {  	_ =	shalt  }
0x68: {  	_ =	shalt  }
0x69: {  	_ =	shalt  }
0x6a: {  	_ =	shalt  }
0x6b: {  	_ =	shalt  }
0x6c: {  	_ =	shalt  }
0x6d: {  	_ =	shalt  }
0x6e: {  	_ =	shalt  }
0x6f: {  	_ =	shalt  }
0x70: {  	_ =	shalt  }
0x71: {  	_ =	shalt  }
0x72: {  	_ =	shalt  }
0x73: {  	_ =	shalt  }
0x74: {  	_ =	shalt  }
0x75: {  	_ =	shalt  }
0x76: {  	_ =	shalt  }
0x77: {  	_ =	shalt  }
0x78: {  	_ =	shalt  }
0x79: {  	_ =	shalt  }
0x7a: {  	_ =	shalt  }
0x7b: {  	_ =	shalt  }
0x7c: {  	_ =	shalt  }
0x7d: {  	_ =	shalt  }
0x7e: {  	_ =	shalt  }
0x7f: {  	_ =	shalt  }
0x80: {  	_ =	shalt  }
0x81: {  	_ =	shalt  }
0x82: {  	_ =	shalt  }
0x83: {  	_ =	shalt  }
0x84: {  	_ =	shalt  }
0x85: {  	_ =	shalt  }
0x86: {  	_ =	shalt  }
0x87: {  	_ =	shalt  }
.Lfunc_end0:
.L_simem_size_0:
called_computation.1_lowered:
.L_overlay_start_0:
0x88: {  	s2 =	sld [smem:$0x3FD9]  }
0x89: {  	s3 =	sld [smem:$0x3FFE];
	_ =	sdelay $0x1  }
0x8a: {  	s1 =	srdreg.scid  }
0x8b: {  	s0 =	sand.u32 $0x1, s1  }
0x8c: {  	s17 =	sshll.u32 s0, $0xA;
	s2 =	sadd.s32 s3, s2  }
0x8d: {  	s2 =	sadd.s32 s2, s17  }
0x8e: {  	[smem:$0x3FB8] =	sst s2  }
0x8f: {  	_ = 	snop  }
0x90: {  	s2 =	sld [smem:$0x3FD0];
	(tm) =	ssettm $0x1  }
0x91: {  	s18 =	sld [smem:$0x3FFB];
	_ =	sdelay $0x3  }
0x92: {  	_ =	strace s18  }
0x93: {  	s3 =	sld [smem:$0x3FFC];
	_ =	sdelay $0x3  }
0x94: {  	_ =	strace s3  }
0x95: {  	s3 =	sld [smem:$0x3FFD];
	_ =	sdelay $0x3  }
0x96: {  	_ =	strace s3  }
0x97: {  	_ =	strace $0x8FFFFFFF  }
0x98: {  	s19 =	sld [smem:$0x3FDB];
	_ =	sdelay $0x1  }
0x99: {  	s4 =	simm.s32 $_scs_section_size  }
0x9a: {  	s5 =	simm.s32 $_size__tile_overlayer_lowered;
	s6 =	simm.s32 $_tile_overlayer_lowered  }
0x9b: {  	s22 =	simm.s32 $0x1BFF;
	s21 =	sshll.u32 s6, $0x1;
	s3 =	sadd.s32 s4, s19  }
0x9c: {  	s7 =	simm.s32 $0x0;
	s20 =	sshll.u32 s5, $0x1;
	s5 =	sadd.s32 s21, s3  }
0x9d: {  	[timem:s7], [sflag:s22] =	dma.local [hbm:s5], s20  }
0x9e: {  	_ =	swait.ge [sflag:s22], s20  }
0x9f: {  	s4 =	ssub.s32 $0x0, s20;
	[sflag:s22] =	ssyncset.done $0x0  }
0xa0: {  	[sflag:s22] =	ssyncadd.s32 s4;
	_ =	sdelay $0x1  }
0xa1: {  	s23 =	simm.s32 $0x1B8B  }
0xa2: {  	_ =	swait.ge [sflag:s23], $0x1  }
0xa3: {  	[sflag:s23] =	ssyncset.done $0x0  }
0xa4: {  	s25 =	simm.s32 $0x1B8E;
	s24 =	sld [smem:$0x3FFE];
	[sflag:s23] =	ssyncadd.s32 $0xFFFFFFFF  }
0xa5: {  	s26 =	simm.s32 $execute0_lowered;
	[smem:$0x3FD2] =	sst s25  }
0xa6: {  	s5 =	sshll.u32 s26, $0x1;
	_ =	strace $0x80000049;
	[dreg:$0x1] =	wrdreg $0xFFFFFFFF  }
0xa7: {  	s28 =	simm.s32 $_size_execute0_lowered;
	s3 =	sadd.s32 s3, s5;
	[dreg:$0x0] =	wrdreg $0x0  }
0xa8: {  	s5 =	sshll.u32 s28, $0x1;
	[dreg:$0x2] =	wrdreg s3  }
0xa9: {  	[dreg:$0x3] =	wrdreg s5  }
0xaa: {  	[dreg:$0x4] =	wrdreg $0xC0  }
0xab: {  	_ =	task [dreg:s7], $0x5FFFF  }
0xac: {  	[dreg:$0x1] =	wrdreg $0xFFFFFFFF  }
0xad: {  	[dreg:$0x0] =	wrdreg $0x60  }
0xae: {  	[dreg:$0x2] =	wrdreg s2  }
0xaf: {  	[dreg:$0x3] =	wrdreg s24  }
0xb0: {  	[dreg:$0x4] =	wrdreg $0x7B000  }
0xb1: {  	[dreg:$0x5] =	wrdreg $0x9  }
0xb2: {  	_ =	task.clear_ibuf [dreg:s7], $0x6FFFF;
	_ =	strace $0x90000049  }
0xb3: {  	s29 =	simm.s32 $0x9;
	_ =	strace $0x8000004B  }
0xb4: {  	_ =	swait.ge [sflag:s29], $0x1  }
0xb5: {  	[sflag:s29] =	ssyncadd.s32 $0xFFFFFFFF  }
0xb6: {  	_ =	strace $0x9000004B  }
0xb7: {  	_ =	sfence  }
0xb8: {  	s30 =	sld [smem:$0x0];
	_ =	sdelay $0x2  }
0xb9: {  	s31 =	sshll.u32 s1, $0xD;
	s1 =	sshrl.u32 s1, $0x2  }
0xba: {  	s3 =	sand.u32 $0x4000, s31;
	s1 =	sadd.s32 s1, s30  }
0xbb: {  	s0 =	sor.u32 s3, s0;
	s1 =	sshll.u32 s1, $0x11  }
0xbc: {  	s0 =	sor.u32 s1, s0  }
0xbd: {  	s0 =	sadd.s32 $0x8F2B, s0  }
0xbe: {  	[sflag:s0] =	ssyncadd.remote.s32 $0x1  }
0xbf: {  	_ =	sfence.sel $0xFFFF  }
0xc0: {  	[dreg:$0x0] =	wrdreg $0xFFFFFFFF;
	(pc) =	sbr.abs _section_cstart, $3  }
0xc1: {  	[dreg:$0x1] =	wrdreg $0xFFFFFFFF  }
0xc2: {  	_ =	task.clear_ibuf [dreg:s7], $0x2FFFF;
	_ =	strace $0x9FFFFFFF  }
0xc3: {  	(tm) =	ssettm $0x7FFFFFFF  }
tec
execute0_lowered:
.L_overlay_start_1:
0x0: {  	(tag) =	ssettag $0x1  }
0x1: {  	s1 =	rddreg [dreg:$0x0]  }
0x2: {  	s0 =	rddreg [dreg:$0x1]  }
0x3: {  	s2 =	rddreg [dreg:$0x2];
	s3 =	srdreg.scid  }
0x4: {  	s4 =	simm.s32 $0x0;
	s13 =	stileid.u32;
	s28 =	simm.s32 $0x200  }
0x5: {  	s29 =	simm.s32 $0x280;
	s30 =	simm.s32 $0x1;
	s31 =	simm.s32 $0x5300  }
0x6: {  	s3 =	sand.u32 $0x1, s3;
	[smem:$0x7FF] =	sst s4;
	s8 =	smul.u32 $0x14000, s13  }
0x7: {  	s5 =	sadd.s32 $0x4400, s0;
	s6 =	sadd.s32 $0x24600, s0;
	s10 =	smul.u32 $0x50000, s13  }
0x8: {  	s9 =	sadd.s32 $0x21E00, s0;
	s14 =	sshll.u32 s13, $0x6;
	s15 =	smul.u32 $0x2710, s13  }
0x9: {  	s7 =	smul.u32 $0x140000, s3;
	_ =	strace $0x8000004A;
	[dreg:$0x5] =	wrdreg s9  }
0xa: {  	s24 =	sshll.u32 s3, $0x4;
	s25 =	ssub.s32 $0x2, s3;
	s3 =	smul.u32 $0x27100, s3  }
0xb: {  	s11 =	sshrl.u32 s25, $0x1;
	s7 =	sadd.s32 s8, s7;
	s8 =	sor.u32 s13, s24  }
0xc: {  	s26 =	ssub.s32 s25, s11;
	s11 =	sshrl.u32 s10, $0x2;
	s3 =	sadd.s32 s15, s3  }
0xd: {  	s7 =	sshrl.u32 s7, $0x3;
	s12 =	smul.u32 $0x2710, s8;
	s16 =	sadd.s32 s11, s2  }
0xe: {  	s8 =	sor.u32 $0x1C04, s14;
	s21 =	sadd.s32 $0x140, s3;
	s14 =	smax.u32 s26, $0x1  }
0xf: {  	s25 =	sadd.s32 $0xA0, s3;
	s10 =	sadd.s32 $0xF0, s3;
	s3 =	simm.s32 $0x3  }
0x10: {  	s0 =	sadd.s32 s7, s0;
	s23 =	sshrl.u32 s21, $0x3;
	s26 =	sshrl.u32 s25, $0x3  }
0x11: {  	s21 =	simm.s32 $0x80;
	s25 =	simm.s32 $0x180;
	s7 =	simm.s32 $0x0  }
0x12: {  	s18 =	sshrl.u32 s12, $0x3;
	s0 =	sadd.s32 $0x164C00, s0;
	s24 =	sadd.s32 s23, s5  }
0x13: {  	s15 =	sadd.s32 s23, s1;
	s17 =	sadd.s32 s26, s5;
	s23 =	simm.s32 $0x300  }
0x14: {  	s12 =	sadd.s32 s1, s18;
	s19 =	sadd.s32 $0xA, s18;
	[dreg:$0xa] =	wrdreg s0  }
0x15: {  	s9 =	sadd.s32 s5, s18;
	[dreg:$0x4] =	wrdreg s24;
	s18 =	sadd.s32 s26, s1  }
0x16: {  	s24 =	simm.s32 $0x100;
	s26 =	simm.s32 $0x2B00;
	[dreg:$0x6] =	wrdreg s12  }
0x17: {  	s0 =	simm.s32 $0x2;
	[dreg:$0x7] =	wrdreg s9;
	s20 =	sadd.s32 s1, s19  }
0x18: {  	s22 =	sadd.s32 s5, s19;
	s19 =	sshrl.u32 s16, $0x3;
	[dreg:$0x8] =	wrdreg s20  }
0x19: {  	[dreg:$0x9] =	wrdreg s22;
	s20 =	simm.s32 $0x4;
	s22 =	simm.s32 $0x50  }
.LBB2_1:
0x1a: {  	s9 =	rddreg [dreg:$0x5]  }
0x1b: {  	[spmem:s19], [sflag:s8] =	dma.local [hbm:s9], $0x2800  }
0x1c: {  	_ =	swait.ge [sflag:s20], $0x2800  }
0x1d: {  	[sflag:s20] =	ssyncset.done $0x0  }
0x1e: {  	[sflag:s20] =	ssyncadd.s32 $0xFFFFD800  }
0x1f: {  	[bflag:$0x0] =	sbarrier.arrive $0xFFFF  }
0x20: {  	s16 =	rddreg [dreg:$0x6]  }
0x21: {  	[tilespmem:s4], [sflag:$0x4] =	stream.linear.gather [hbm4b:s16+s4], $0x50, $0x38;
	[tilespmem:$0x1BB00] =	vst v63  }
0x22: {  	_ =	swait.ge [sflag:s20], $0x50  }
0x23: {  	[sflag:s20] =	ssyncset.done $0x0  }
0x24: {  	s11 =	rddreg [dreg:$0x7];
	[sflag:s20] =	ssyncadd.s32 $0xFFFFFFB0  }
0x25: {  	[tilespmem:s21], [sflag:$0x4] =	stream.linear.gather [hbm4b:s11+s4], $0x50, $0x38;
	[tilespmem:$0x1BB00] =	vst v63  }
0x26: {  	_ =	swait.ge [sflag:s20], $0x50  }
0x27: {  	[sflag:s20] =	ssyncset.done $0x0  }
0x28: {  	[sflag:s20] =	ssyncadd.s32 $0xFFFFFFB0  }
0x29: {  	[tilespmem:s23], [sflag:$0x1] =	stream.indirect.gather [hbm4b:s6+s22], $0x80, s4, s22, $0xb8;
	[tilespmem:$0x1BB00] =	vst v63  }
0x2a: {  	s12 =	rddreg [dreg:$0x8]  }
0x2b: {  	[tilespmem:s24], [sflag:$0x4] =	stream.linear.gather [hbm4b:s12+s4], $0x50, $0x38;
	[tilespmem:$0x1BB00] =	vst v63  }
0x2c: {  	_ =	swait.ge [sflag:s20], $0x50  }
0x2d: {  	[sflag:s20] =	ssyncset.done $0x0  }
0x2e: {  	s13 =	rddreg [dreg:$0x9];
	[sflag:s20] =	ssyncadd.s32 $0xFFFFFFB0  }
0x2f: {  	[tilespmem:s25], [sflag:$0x4] =	stream.linear.gather [hbm4b:s13+s4], $0x50, $0x38;
	[tilespmem:$0x1BB00] =	vst v63  }
0x30: {  	_ =	swait.ge [sflag:s20], $0x50  }
0x31: {  	[sflag:s20] =	ssyncset.done $0x0  }
0x32: {  	[sflag:s20] =	ssyncadd.s32 $0xFFFFFFB0  }
0x33: {  	[tilespmem:s26], [sflag:$0x2] =	stream.indirect.gather [hbm4b:s6+s22], $0x80, s24, s22, $0xb8;
	[tilespmem:$0x1BB00] =	vst v63  }
0x34: {  	s16 =	sadd.s32 $0x0, s18  }
0x35: {  	[tilespmem:s28], [sflag:$0x4] =	stream.linear.gather [hbm4b:s16+s4], $0x50, $0x38;
	[tilespmem:$0x1BB00] =	vst v63  }
0x36: {  	_ =	swait.ge [sflag:s20], $0x50  }
0x37: {  	[sflag:s20] =	ssyncset.done $0x0  }
0x38: {  	s11 =	sadd.s32 $0x0, s17;
	[sflag:s20] =	ssyncadd.s32 $0xFFFFFFB0  }
0x39: {  	[tilespmem:s29], [sflag:$0x4] =	stream.linear.gather [hbm4b:s11+s4], $0x50, $0x38;
	[tilespmem:$0x1BB00] =	vst v63  }
0x3a: {  	_ =	swait.ge [sflag:s20], $0x50  }
0x3b: {  	[sflag:s20] =	ssyncset.done $0x0  }
0x3c: {  	[sflag:s20] =	ssyncadd.s32 $0xFFFFFFB0  }
0x3d: {  	_ =	swait.ge [sflag:s30], $0x2800  }
0x3e: {  	[sflag:s30] =	ssyncset.done $0x0  }
0x3f: {  	[sflag:s30] =	ssyncadd.s32 $0xFFFFD800  }
0x40: {  	[tilespmem:s31], [sflag:$0x3] =	stream.indirect.gather [hbm4b:s6+s22], $0x80, s28, s22, $0xb8;
	[tilespmem:$0x1BB00] =	vst v63  }
0x41: {  	_ = 	snop  }
0x42: {  	[spmem:s2] =	stream.indirect.scatter.add.f32 [tilespmem:s23], [sflag:$0x4], $0x80, s21, s22, $0xb8;
	[tilespmem:$0x1BB00] =	vst v63  }
0x43: {  	_ =	swait.ge [sflag:s20], $0x2800  }
0x44: {  	s12 =	sshrl.u32 s10, $0x3;
	[sflag:s20] =	ssyncset.done $0x0  }
0x45: {  	s11 =	sadd.s32 s1, s12;
	[sflag:s20] =	ssyncadd.s32 $0xFFFFD800  }
0x46: {  	[tilespmem:s4], [sflag:$0x4] =	stream.linear.gather [hbm4b:s11+s4], $0x50, $0x38;
	[tilespmem:$0x1BB00] =	vst v63  }
0x47: {  	_ =	swait.ge [sflag:s20], $0x50  }
0x48: {  	[sflag:s20] =	ssyncset.done $0x0  }
0x49: {  	s9 =	sadd.s32 s5, s12;
	[sflag:s20] =	ssyncadd.s32 $0xFFFFFFB0  }
0x4a: {  	[tilespmem:s21], [sflag:$0x4] =	stream.linear.gather [hbm4b:s9+s4], $0x50, $0x38;
	[tilespmem:$0x1BB00] =	vst v63  }
0x4b: {  	_ =	swait.ge [sflag:s20], $0x50  }
0x4c: {  	[sflag:s20] =	ssyncset.done $0x0  }
0x4d: {  	[sflag:s20] =	ssyncadd.s32 $0xFFFFFFB0  }
0x4e: {  	_ =	swait.ge [sflag:s0], $0x2800  }
0x4f: {  	[sflag:s0] =	ssyncset.done $0x0  }
0x50: {  	[sflag:s0] =	ssyncadd.s32 $0xFFFFD800  }
0x51: {  	[tilespmem:s23], [sflag:$0x1] =	stream.indirect.gather [hbm4b:s6+s22], $0x80, s4, s22, $0xb8;
	[tilespmem:$0x1BB00] =	vst v63  }
0x52: {  	_ = 	snop  }
0x53: {  	[spmem:s2] =	stream.indirect.scatter.add.f32 [tilespmem:s26], [sflag:$0x4], $0x80, s25, s22, $0xb8;
	[tilespmem:$0x1BB00] =	vst v63  }
0x54: {  	_ =	swait.ge [sflag:s20], $0x2800  }
0x55: {  	[sflag:s20] =	ssyncset.done $0x0  }
0x56: {  	s13 =	sadd.s32 $0x0, s15;
	[sflag:s20] =	ssyncadd.s32 $0xFFFFD800  }
0x57: {  	[tilespmem:s24], [sflag:$0x4] =	stream.linear.gather [hbm4b:s13+s4], $0x50, $0x38;
	[tilespmem:$0x1BB00] =	vst v63  }
0x58: {  	_ =	swait.ge [sflag:s20], $0x50  }
0x59: {  	s16 =	rddreg [dreg:$0x4];
	[sflag:s20] =	ssyncset.done $0x0  }
0x5a: {  	[sflag:s20] =	ssyncadd.s32 $0xFFFFFFB0;
	s9 =	sadd.s32 $0x0, s16  }
0x5b: {  	[tilespmem:s25], [sflag:$0x4] =	stream.linear.gather [hbm4b:s9+s4], $0x50, $0x38;
	[tilespmem:$0x1BB00] =	vst v63  }
0x5c: {  	_ =	swait.ge [sflag:s20], $0x50  }
0x5d: {  	[sflag:s20] =	ssyncset.done $0x0  }
0x5e: {  	[sflag:s20] =	ssyncadd.s32 $0xFFFFFFB0  }
0x5f: {  	_ =	swait.ge [sflag:s3], $0x2800  }
0x60: {  	[sflag:s3] =	ssyncset.done $0x0  }
0x61: {  	[sflag:s3] =	ssyncadd.s32 $0xFFFFD800  }
0x62: {  	[tilespmem:s26], [sflag:$0x2] =	stream.indirect.gather [hbm4b:s6+s22], $0x80, s24, s22, $0xb8;
	[tilespmem:$0x1BB00] =	vst v63  }
0x63: {  	_ = 	snop  }
0x64: {  	[spmem:s2] =	stream.indirect.scatter.add.f32 [tilespmem:s31], [sflag:$0x4], $0x80, s29, s22, $0xb8;
	[tilespmem:$0x1BB00] =	vst v63  }
0x65: {  	_ =	swait.ge [sflag:s20], $0x2800  }
0x66: {  	s16 =	smov.u32 s10;
	s9 =	simm.s32 $0x1E;
	[sflag:s20] =	ssyncset.done $0x0  }
.LBB2_2:
0x67: {  	[sflag:s20] =	ssyncadd.s32 $0xFFFFD800;
	s12 =	sadd.s32 s9, s18  }
0x68: {  	[tilespmem:s28], [sflag:$0x4] =	stream.linear.gather [hbm4b:s12+s4], $0x50, $0x38;
	[tilespmem:$0x1BB00] =	vst v63  }
0x69: {  	_ =	swait.ge [sflag:s20], $0x50  }
0x6a: {  	s11 =	smov.u32 s9;
	[sflag:s20] =	ssyncset.done $0x0  }
0x6b: {  	s13 =	sadd.s32 s11, s17;
	[sflag:s20] =	ssyncadd.s32 $0xFFFFFFB0  }
0x6c: {  	[tilespmem:s29], [sflag:$0x4] =	stream.linear.gather [hbm4b:s13+s4], $0x50, $0x38;
	[tilespmem:$0x1BB00] =	vst v63  }
0x6d: {  	_ =	swait.ge [sflag:s20], $0x50  }
0x6e: {  	[sflag:s20] =	ssyncset.done $0x0  }
0x6f: {  	[sflag:s20] =	ssyncadd.s32 $0xFFFFFFB0  }
0x70: {  	_ =	swait.ge [sflag:s30], $0x2800  }
0x71: {  	[sflag:s30] =	ssyncset.done $0x0  }
0x72: {  	[sflag:s30] =	ssyncadd.s32 $0xFFFFD800  }
0x73: {  	[tilespmem:s31], [sflag:$0x3] =	stream.indirect.gather [hbm4b:s6+s22], $0x80, s28, s22, $0xb8;
	[tilespmem:$0x1BB00] =	vst v63  }
0x74: {  	_ = 	snop  }
0x75: {  	[spmem:s2] =	stream.indirect.scatter.add.f32 [tilespmem:s23], [sflag:$0x4], $0x80, s21, s22, $0xb8;
	[tilespmem:$0x1BB00] =	vst v63  }
0x76: {  	s16 =	sadd.s32 $0xF0, s16;
	_ =	swait.ge [sflag:s20], $0x2800  }
0x77: {  	s12 =	sshrl.u32 s16, $0x3;
	[sflag:s20] =	ssyncset.done $0x0  }
0x78: {  	s13 =	sadd.s32 s1, s12;
	[sflag:s20] =	ssyncadd.s32 $0xFFFFD800  }
0x79: {  	[tilespmem:s4], [sflag:$0x4] =	stream.linear.gather [hbm4b:s13+s4], $0x50, $0x38;
	[tilespmem:$0x1BB00] =	vst v63  }
0x7a: {  	_ =	swait.ge [sflag:s20], $0x50  }
0x7b: {  	[sflag:s20] =	ssyncset.done $0x0  }
0x7c: {  	s12 =	sadd.s32 s5, s12;
	[sflag:s20] =	ssyncadd.s32 $0xFFFFFFB0  }
0x7d: {  	[tilespmem:s21], [sflag:$0x4] =	stream.linear.gather [hbm4b:s12+s4], $0x50, $0x38;
	[tilespmem:$0x1BB00] =	vst v63  }
0x7e: {  	_ =	swait.ge [sflag:s20], $0x50  }
0x7f: {  	[sflag:s20] =	ssyncset.done $0x0  }
0x80: {  	[sflag:s20] =	ssyncadd.s32 $0xFFFFFFB0  }
0x81: {  	_ =	swait.ge [sflag:s0], $0x2800  }
0x82: {  	[sflag:s0] =	ssyncset.done $0x0  }
0x83: {  	[sflag:s0] =	ssyncadd.s32 $0xFFFFD800  }
0x84: {  	[tilespmem:s23], [sflag:$0x1] =	stream.indirect.gather [hbm4b:s6+s22], $0x80, s4, s22, $0xb8;
	[tilespmem:$0x1BB00] =	vst v63  }
0x85: {  	_ = 	snop  }
0x86: {  	[spmem:s2] =	stream.indirect.scatter.add.f32 [tilespmem:s26], [sflag:$0x4], $0x80, s25, s22, $0xb8;
	[tilespmem:$0x1BB00] =	vst v63  }
0x87: {  	_ =	swait.ge [sflag:s20], $0x2800  }
0x88: {  	[sflag:s20] =	ssyncset.done $0x0  }
0x89: {  	s13 =	sadd.s32 s11, s15;
	[sflag:s20] =	ssyncadd.s32 $0xFFFFD800  }
0x8a: {  	[tilespmem:s24], [sflag:$0x4] =	stream.linear.gather [hbm4b:s13+s4], $0x50, $0x38;
	[tilespmem:$0x1BB00] =	vst v63  }
0x8b: {  	_ =	swait.ge [sflag:s20], $0x50  }
0x8c: {  	s13 =	rddreg [dreg:$0x4];
	[sflag:s20] =	ssyncset.done $0x0  }
0x8d: {  	[sflag:s20] =	ssyncadd.s32 $0xFFFFFFB0;
	s11 =	sadd.s32 s11, s13  }
0x8e: {  	[tilespmem:s25], [sflag:$0x4] =	stream.linear.gather [hbm4b:s11+s4], $0x50, $0x38;
	[tilespmem:$0x1BB00] =	vst v63  }
0x8f: {  	_ =	swait.ge [sflag:s20], $0x50  }
0x90: {  	[sflag:s20] =	ssyncset.done $0x0  }
0x91: {  	[sflag:s20] =	ssyncadd.s32 $0xFFFFFFB0  }
0x92: {  	_ =	swait.ge [sflag:s3], $0x2800  }
0x93: {  	[sflag:s3] =	ssyncset.done $0x0  }
0x94: {  	p0 =	sne.s32 s9, $0x4B0;
	[sflag:s3] =	ssyncadd.s32 $0xFFFFD800  }
0x95: {  	[tilespmem:s26], [sflag:$0x2] =	stream.indirect.gather [hbm4b:s6+s22], $0x80, s24, s22, $0xb8;
	[tilespmem:$0x1BB00] =	vst v63  }
.Ltmp0:
0x96: {  	_ = 	snop;
	(pc) =	sbr.rel @p0 .LBB2_2-.Ltmp0, $4  }
0x97: {  	_ = 	snop  }
0x98: {  	[spmem:s2] =	stream.indirect.scatter.add.f32 [tilespmem:s31], [sflag:$0x4], $0x80, s29, s22, $0xb8;
	[tilespmem:$0x1BB00] =	vst v63  }
0x99: {  	_ =	swait.ge [sflag:s20], $0x2800  }
0x9a: {  	s9 =	sadd.s32 $0x1E, s9;
	[sflag:s20] =	ssyncset.done $0x0  }
0x9b: {  	[sflag:s20] =	ssyncadd.s32 $0xFFFFD800  }
0x9c: {  	_ =	swait.ge [sflag:s30], $0x2800  }
0x9d: {  	[sflag:s30] =	ssyncset.done $0x0  }
0x9e: {  	[sflag:s30] =	ssyncadd.s32 $0xFFFFD800  }
0x9f: {  	[spmem:s2] =	stream.indirect.scatter.add.f32 [tilespmem:s23], [sflag:$0x4], $0x80, s21, s22, $0xb8;
	[tilespmem:$0x1BB00] =	vst v63  }
0xa0: {  	_ =	swait.ge [sflag:s20], $0x2800  }
0xa1: {  	[sflag:s20] =	ssyncset.done $0x0  }
0xa2: {  	[sflag:s20] =	ssyncadd.s32 $0xFFFFD800  }
0xa3: {  	_ =	swait.ge [sflag:s0], $0x2800  }
0xa4: {  	[sflag:s0] =	ssyncset.done $0x0  }
0xa5: {  	[sflag:s0] =	ssyncadd.s32 $0xFFFFD800  }
0xa6: {  	[spmem:s2] =	stream.indirect.scatter.add.f32 [tilespmem:s26], [sflag:$0x4], $0x80, s25, s22, $0xb8;
	[tilespmem:$0x1BB00] =	vst v63  }
0xa7: {  	_ =	swait.ge [sflag:s20], $0x2800  }
0xa8: {  	[sflag:s20] =	ssyncset.done $0x0  }
0xa9: {  	s7 =	sadd.s32 $0x1, s7;
	[sflag:s20] =	ssyncadd.s32 $0xFFFFD800  }
0xaa: {  	p0 =	sne.s32 s7, s14;
	[bflag:$0x0] =	sbarrier.arrive $0xFFFF  }
.Ltmp1:
0xab: {  	s9 =	rddreg [dreg:$0xa];
	(pc) =	sbr.rel @p0 .LBB2_1-.Ltmp1, $4  }
0xac: {  	[hbm:s9], [sflag:s8] =	dma.local [spmem:s19], $0x2800  }
0xad: {  	_ =	swait.ge [sflag:s20], $0x2800  }
0xae: {  	[sflag:s20] =	ssyncset.done $0x0  }
0xaf: {  	[sflag:s20] =	ssyncadd.s32 $0xFFFFD800  }
0xb0: {  	_ =	sfence.sel $0x180000  }
0xb1: {  	[bflag:$0x0] =	sbarrier.arrive $0xFFFF  }
0xb2: {  	_ =	strace $0x9000004A  }
0xb3: {  	s0 =	stileid.u32;
	[bflag:$0x2] =	sbarrier.arrive $0xFFFF  }
0xb4: {  	p0 =	sne.s32 s0, $0x0;
	s0 =	rddreg [dreg:$0x3]  }
0xb5: {  	s0 =	sadd.s32 @!p0 $0x100000, s0  }
0xb6: {  	[sflag:s0] =	ssyncadd.tile.s32 @!p0 $0x1;
	_ =	shalt  }
.Lfunc_end2:
_tile_overlayer_lowered:
.L_overlay_start_2:
0xb7: {  	(tag) =	ssettag $0x2  }
0xb8: {  	s0 =	rddreg [dreg:$0x0];
	s2 =	stileid.u32  }
0xb9: {  	s1 =	rddreg [dreg:$0x1];
	p0 =	sne.s32 s2, $0x0  }
0xba: {  	s3 =	rddreg [dreg:$0x2];
	[bflag:$0x3] =	sbarrier.arrive $0xFFFF;
	s2 =	simm.s32 @!p0 $0x1C04  }
0xbb: {  	[timem:s3], [sflag:s2] =	dma.local @!p0 [hbm:s0], s1  }
0xbc: {  	s0 =	simm.s32 @!p0 $0x4  }
0xbd: {  	_ =	swait.ge @!p0 [sflag:s0], s1  }
0xbe: {  	s1 =	ssub.s32 @!p0 $0x0, s1;
	[sflag:s0] =	ssyncset.done @!p0 $0x0  }
0xbf: {  	[sflag:s0] =	ssyncadd.s32 @!p0 s1  }
0xc0: {  	[bflag:$0x3] =	sbarrier.arrive $0xFFFF  }
0xc1: {  	_ =	shalt  }

// kernel: kernel.15.cloned.1.call-start
scs
__scs_entry_jumppad:
0x0: {  	(pc) =	sbr.rel $0x88, $3  }
0x1: {  	(tag) =	ssettag $0x0;
	lr =	simm.s32 $0x1  }
0x2: {  	[smem:$0x3F91] =	sst lr;
	_ =	strace $0xD0000000  }
0x3: {  	_ = 	snop  }
0x4: {  	_ = 	snop  }
0x5: {  	_ = 	snop  }
0x6: {  	_ = 	snop  }
0x7: {  	_ = 	snop  }
__scs_overlays_trampoline_lowered:
0x8: {  	[smem:$0x3FA0] =	sst s0  }
0x9: {  	[smem:$0x3FA1] =	sst s1  }
0xa: {  	[smem:$0x3FA2] =	sst s2  }
0xb: {  	[smem:$0x3FA3] =	sst s3  }
0xc: {  	[smem:$0x3FA4] =	sst s4  }
0xd: {  	[smem:$0x3FA5] =	sst s5  }
0xe: {  	[smem:$0x3FA6] =	sst s6  }
0xf: {  	[smem:$0x3FA7] =	sst s7  }
0x10: {  	[smem:$0x3FA8] =	sst s8  }
0x11: {  	[smem:$0x3FA9] =	sst s9;
	s0 =	simm.s32 @!p0 $0x0  }
0x12: {  	s1 =	sld [smem:$0x3F8F];
	s0 =	simm.s32 @p0 $0x1  }
0x13: {  	[smem:$0x3FAA] =	sst s0;
	s0 =	simm.s32 @!p1 $0x0  }
0x14: {  	s2 =	sld [smem:$0x3F8E];
	s0 =	simm.s32 @p1 $0x1  }
0x15: {  	[smem:$0x3FAB] =	sst s0;
	s0 =	simm.s32 @!p2 $0x0  }
0x16: {  	s3 =	sld [smem:$0x3FDB];
	s0 =	simm.s32 @p2 $0x1  }
0x17: {  	s4 =	simm.s32 $0x1BF5;
	[smem:$0x3FAD] =	sst s0  }
0x18: {  	s0 =	sld [smem:$0x3F90];
	_ =	swait.ge [sflag:s4], $0x0  }
0x19: {  	s7 =	sld [smem:$0x3F91]  }
0x1a: {  	s8 =	sadd.s32 $0xFFFFE003, lr  }
0x1b: {  	s9 =	sadd.s32 $0xFFFFFEF7, lr;
	s5 =	simm.s32 $0xFFFFFFFF;
	p2 =	slt.u32 s8, $0xFFFFF086  }
0x1c: {  	p1 =	slt.u32 s9, $0xF7A;
	s5 =	simm.s32 @!p2 $0x0  }
0x1d: {  	s5 =	simm.s32 @p1 $0x1;
	p0 =	seq.s32 s7, s2  }
0x1e: {  	s7 =	smul.u32 @!p0 $0xF7A, s2;
	p2 =	seq.s32 @!p0 s5, $0x0  }
0x1f: {  	s9 =	smul.u32 $0xF7A, s1;
	s8 =	simm.s32 @!p0 $0x1BF5;
	p2 =	por !p2, p0  }
0x20: {  	[sflag:s8] =	ssyncset.s32 @!p0 $0xFFFFF086;
	s6 =	sadd.s32 @!p0 s3, s7;
	s7 =	simm.s32 @!p0 $0x108  }
0x21: {  	s3 =	sadd.s32 s3, s9;
	s6 =	sadd.s32 @!p0 $0x88, s6;
	s7 =	simm.s32 @p2 $0x1082  }
0x22: {  	[simem:s7], [sflag:s8] =	dma.local @!p0 [hbm:s6], $0xF7A  }
0x23: {  	s9 =	sor.u32 $0xD0000000, s2;
	s6 =	simm.s32 $0x108;
	_ =	swait.ge @!p0 [sflag:s8], $0x0  }
0x24: {  	s3 =	sadd.s32 $0x88, s3;
	s6 =	simm.s32 @!p1 $0x1082;
	[sflag:s4] =	ssyncset.s32 $0xFFFFF086  }
0x25: {  	[simem:s6], [sflag:s4] =	dma.local [hbm:s3], $0xF7A  }
0x26: {  	[smem:$0x3F91] =	sst s1;
	(tag) =	ssettag s2;
	_ =	strace s9  }
0x27: {  	s1 =	sld [smem:$0x3FA1]  }
0x28: {  	s2 =	sld [smem:$0x3FA2]  }
0x29: {  	s4 =	sld [smem:$0x3FA4]  }
0x2a: {  	p0 =	seq.s32 s5, $0x0;
	s5 =	sld [smem:$0x3FA5]  }
0x2b: {  	s6 =	sld [smem:$0x3FA6]  }
0x2c: {  	s7 =	sld [smem:$0x3FA7]  }
0x2d: {  	s3 =	simm.s32 $0x108;
	s8 =	sld [smem:$0x3FA8]  }
0x2e: {  	s3 =	simm.s32 @!p0 $0x1082;
	s9 =	sld [smem:$0x3FA9]  }
0x2f: {  	lr =	sadd.s32 s0, s3;
	s0 =	sld [smem:$0x3FA0]  }
0x30: {  	s3 =	sld [smem:$0x3FA3]  }
0x31: {  	[smem:$0x3FAC] =	sst s10  }
0x32: {  	s10 =	sld [smem:$0x3FAA];
	_ =	sdelay $0x3  }
0x33: {  	p0 =	seq.s32 s10, $0x1;
	s10 =	sld [smem:$0x3FAC];
	_ =	sdelay $0x3  }
0x34: {  	[smem:$0x3FAC] =	sst s10  }
0x35: {  	s10 =	sld [smem:$0x3FAB];
	_ =	sdelay $0x3  }
0x36: {  	p1 =	seq.s32 s10, $0x1;
	s10 =	sld [smem:$0x3FAC];
	_ =	sdelay $0x3  }
0x37: {  	[smem:$0x3FAC] =	sst s10  }
0x38: {  	s10 =	sld [smem:$0x3FAD]  }
0x39: {  	_ = 	snop;
	(pc) =	sbr.ind lr, $3  }
0x3a: {  	_ = 	snop  }
0x3b: {  	_ = 	snop  }
0x3c: {  	p2 =	seq.s32 s10, $0x1;
	s10 =	sld [smem:$0x3FAC]  }
0x3d: {  	_ =	shalt  }
0x3e: {  	_ =	shalt  }
0x3f: {  	_ =	shalt  }
0x40: {  	_ =	shalt  }
0x41: {  	_ =	shalt  }
0x42: {  	_ =	shalt  }
0x43: {  	_ =	shalt  }
0x44: {  	_ =	shalt  }
0x45: {  	_ =	shalt  }
0x46: {  	_ =	shalt  }
0x47: {  	_ =	shalt  }
0x48: {  	_ =	shalt  }
0x49: {  	_ =	shalt  }
0x4a: {  	_ =	shalt  }
0x4b: {  	_ =	shalt  }
0x4c: {  	_ =	shalt  }
0x4d: {  	_ =	shalt  }
0x4e: {  	_ =	shalt  }
0x4f: {  	_ =	shalt  }
0x50: {  	_ =	shalt  }
0x51: {  	_ =	shalt  }
0x52: {  	_ =	shalt  }
0x53: {  	_ =	shalt  }
0x54: {  	_ =	shalt  }
0x55: {  	_ =	shalt  }
0x56: {  	_ =	shalt  }
0x57: {  	_ =	shalt  }
0x58: {  	_ =	shalt  }
0x59: {  	_ =	shalt  }
0x5a: {  	_ =	shalt  }
0x5b: {  	_ =	shalt  }
0x5c: {  	_ =	shalt  }
0x5d: {  	_ =	shalt  }
0x5e: {  	_ =	shalt  }
0x5f: {  	_ =	shalt  }
0x60: {  	_ =	shalt  }
0x61: {  	_ =	shalt  }
0x62: {  	_ =	shalt  }
0x63: {  	_ =	shalt  }
0x64: {  	_ =	shalt  }
0x65: {  	_ =	shalt  }
0x66: {  	_ =	shalt  }
0x67: {  	_ =	shalt  }
0x68: {  	_ =	shalt  }
0x69: {  	_ =	shalt  }
0x6a: {  	_ =	shalt  }
0x6b: {  	_ =	shalt  }
0x6c: {  	_ =	shalt  }
0x6d: {  	_ =	shalt  }
0x6e: {  	_ =	shalt  }
0x6f: {  	_ =	shalt  }
0x70: {  	_ =	shalt  }
0x71: {  	_ =	shalt  }
0x72: {  	_ =	shalt  }
0x73: {  	_ =	shalt  }
0x74: {  	_ =	shalt  }
0x75: {  	_ =	shalt  }
0x76: {  	_ =	shalt  }
0x77: {  	_ =	shalt  }
0x78: {  	_ =	shalt  }
0x79: {  	_ =	shalt  }
0x7a: {  	_ =	shalt  }
0x7b: {  	_ =	shalt  }
0x7c: {  	_ =	shalt  }
0x7d: {  	_ =	shalt  }
0x7e: {  	_ =	shalt  }
0x7f: {  	_ =	shalt  }
0x80: {  	_ =	shalt  }
0x81: {  	_ =	shalt  }
0x82: {  	_ =	shalt  }
0x83: {  	_ =	shalt  }
0x84: {  	_ =	shalt  }
0x85: {  	_ =	shalt  }
0x86: {  	_ =	shalt  }
0x87: {  	_ =	shalt  }
.Lfunc_end0:
.L_simem_size_0:
called_computation.2_lowered:
.L_overlay_start_0:
0x88: {  	s2 =	sld [smem:$0x3FD9]  }
0x89: {  	s3 =	sld [smem:$0x3FFE];
	_ =	sdelay $0x1  }
0x8a: {  	s1 =	srdreg.scid  }
0x8b: {  	s0 =	sand.u32 $0x1, s1  }
0x8c: {  	s17 =	sshll.u32 s0, $0xA;
	s2 =	sadd.s32 s3, s2  }
0x8d: {  	s2 =	sadd.s32 s2, s17  }
0x8e: {  	[smem:$0x3FB8] =	sst s2  }
0x8f: {  	_ = 	snop  }
0x90: {  	(tm) =	ssettm $0x1  }
0x91: {  	s18 =	sld [smem:$0x3FFB];
	_ =	sdelay $0x3  }
0x92: {  	_ =	strace s18  }
0x93: {  	s2 =	sld [smem:$0x3FFC];
	_ =	sdelay $0x3  }
0x94: {  	_ =	strace s2  }
0x95: {  	s2 =	sld [smem:$0x3FFD];
	_ =	sdelay $0x3  }
0x96: {  	_ =	strace s2  }
0x97: {  	_ =	strace $0x8FFFFFFF  }
0x98: {  	s19 =	sld [smem:$0x3FDB];
	_ =	sdelay $0x1  }
0x99: {  	s20 =	simm.s32 $_scs_section_size  }
0x9a: {  	s4 =	simm.s32 $_size__tile_overlayer_lowered;
	s5 =	simm.s32 $_tile_overlayer_lowered  }
0x9b: {  	s6 =	simm.s32 $0x1BFF;
	s21 =	sshll.u32 s5, $0x1;
	s3 =	sadd.s32 s20, s19  }
0x9c: {  	s22 =	simm.s32 $0x0;
	s4 =	sshll.u32 s4, $0x1;
	s5 =	sadd.s32 s21, s3  }
0x9d: {  	[timem:s22], [sflag:s6] =	dma.local [hbm:s5], s4  }
0x9e: {  	_ =	swait.ge [sflag:s6], s4  }
0x9f: {  	s4 =	ssub.s32 $0x0, s4;
	[sflag:s6] =	ssyncset.done $0x0  }
0xa0: {  	[sflag:s6] =	ssyncadd.s32 s4;
	_ =	sdelay $0x1  }
0xa1: {  	s23 =	simm.s32 $0x1B8B  }
0xa2: {  	_ =	swait.ge [sflag:s23], $0x1  }
0xa3: {  	[sflag:s23] =	ssyncset.done $0x0  }
0xa4: {  	[sflag:s23] =	ssyncadd.s32 $0xFFFFFFFF  }
0xa5: {  	s4 =	sld [smem:$0x0]  }
0xa6: {  	s5 =	sand.u32 $0xFFFFFFFE, s1  }
0xa7: {  	p0 =	sne.s32 s1, s5  }
0xa8: {  	s5 =	sshll.u32 @p0 s5, $0xE  }
0xa9: {  	s5 =	sadd.s32 @p0 $0x11B8D, s5;
	s6 =	sshll.u32 @p0 s4, $0x11  }
0xaa: {  	s5 =	sor.u32 @p0 s6, s5  }
0xab: {  	[sflag:s5] =	ssyncadd.remote.s32 @p0 $0x1;
	_ =	sdelay $0x1  }
0xac: {  	s5 =	simm.s32 @p0 $0x1B8D  }
0xad: {  	_ =	swait.eq @p0 [sflag:s5], $0x1  }
0xae: {  	[sflag:s5] =	ssyncadd.s32 @p0 $0xFFFFFFFF  }
0xaf: {  	s6 =	sshll.u32 @!p0 s1, $0xE  }
0xb0: {  	s6 =	sor.u32 @!p0 $0x4000, s6;
	s5 =	simm.s32 @!p0 $0x1B8D  }
0xb1: {  	s4 =	sshll.u32 @!p0 s4, $0x11;
	s6 =	sadd.s32 @!p0 $0x11B8D, s6;
	_ =	swait.eq @!p0 [sflag:s5], $0x1  }
0xb2: {  	s4 =	sor.u32 @!p0 s4, s6;
	[sflag:s5] =	ssyncadd.s32 @!p0 $0xFFFFFFFF  }
0xb3: {  	s25 =	simm.s32 $0x1B8E;
	s24 =	sld [smem:$0x3FFE];
	[sflag:s4] =	ssyncadd.remote.s32 @!p0 $0x1  }
0xb4: {  	s26 =	simm.s32 $execute0_lowered;
	[smem:$0x3FD2] =	sst s25  }
0xb5: {  	s5 =	sshll.u32 s26, $0x1;
	_ =	strace $0x8000004C;
	[dreg:$0x1] =	wrdreg $0xFFFFFFFF  }
0xb6: {  	s28 =	simm.s32 $_size_execute0_lowered;
	s3 =	sadd.s32 s3, s5;
	[dreg:$0x0] =	wrdreg $0x0  }
0xb7: {  	s5 =	sshll.u32 s28, $0x1;
	[dreg:$0x2] =	wrdreg s3  }
0xb8: {  	[dreg:$0x3] =	wrdreg s5  }
0xb9: {  	[dreg:$0x4] =	wrdreg $0xC0  }
0xba: {  	_ =	task [dreg:s22], $0x5FFFF  }
0xbb: {  	[dreg:$0x1] =	wrdreg $0xFFFFFFFF  }
0xbc: {  	[dreg:$0x0] =	wrdreg $0x60  }
0xbd: {  	[dreg:$0x2] =	wrdreg s24  }
0xbe: {  	[dreg:$0x3] =	wrdreg $0x7B000  }
0xbf: {  	[dreg:$0x4] =	wrdreg $0xA  }
0xc0: {  	_ =	task.clear_ibuf [dreg:s22], $0x5FFFF;
	_ =	strace $0x9000004C  }
0xc1: {  	s29 =	simm.s32 $0xA;
	_ =	strace $0x8000004E  }
0xc2: {  	_ =	swait.ge [sflag:s29], $0x1  }
0xc3: {  	[sflag:s29] =	ssyncadd.s32 $0xFFFFFFFF  }
0xc4: {  	_ =	strace $0x9000004E  }
0xc5: {  	_ =	sfence  }
0xc6: {  	s30 =	sld [smem:$0x0];
	_ =	sdelay $0x2  }
0xc7: {  	s31 =	sshll.u32 s1, $0xD;
	s1 =	sshrl.u32 s1, $0x2  }
0xc8: {  	s4 =	sand.u32 $0x4000, s31;
	s1 =	sadd.s32 s1, s30  }
0xc9: {  	s0 =	sor.u32 s4, s0;
	s1 =	sshll.u32 s1, $0x11  }
0xca: {  	s0 =	sor.u32 s1, s0  }
0xcb: {  	s0 =	sadd.s32 $0x8F2B, s0  }
0xcc: {  	[sflag:s0] =	ssyncadd.remote.s32 $0x1  }
0xcd: {  	_ =	sfence.sel $0xFFFF  }
0xce: {  	[dreg:$0x0] =	wrdreg $0xFFFFFFFF;
	(pc) =	sbr.abs _section_cstart, $3  }
0xcf: {  	[dreg:$0x1] =	wrdreg $0xFFFFFFFF  }
0xd0: {  	_ =	task.clear_ibuf [dreg:s22], $0x2FFFF;
	_ =	strace $0x9FFFFFFF  }
0xd1: {  	(tm) =	ssettm $0x7FFFFFFF  }
tec
execute0_lowered:
.L_overlay_start_1:
0x0: {  	(tag) =	ssettag $0x1  }
0x1: {  	s0 =	rddreg [dreg:$0x0]  }
0x2: {  	s1 =	rddreg [dreg:$0x1];
	s3 =	simm.s32 $0x0;
	s2 =	srdreg.scid  }
0x3: {  	s13 =	stileid.u32;
	s28 =	simm.s32 $0x200;
	s29 =	simm.s32 $0x280  }
0x4: {  	s30 =	simm.s32 $0x1;
	s31 =	simm.s32 $0x5300;
	[smem:$0x7FF] =	sst s3  }
0x5: {  	s2 =	sand.u32 $0x1, s2;
	s8 =	smul.u32 $0x14000, s13;
	s4 =	sadd.s32 $0x18000, s0  }
0x6: {  	s5 =	sadd.s32 $0xE200, s0;
	s6 =	sadd.s32 $0x4B800, s0;
	s10 =	smul.u32 $0x50000, s13  }
0x7: {  	s9 =	sadd.s32 $0x21E00, s0;
	s14 =	sshll.u32 s13, $0x6;
	s15 =	smul.u32 $0x2710, s13  }
0x8: {  	s7 =	smul.u32 $0x140000, s2;
	_ =	strace $0x8000004D;
	[dreg:$0x4] =	wrdreg s9  }
0x9: {  	s24 =	sshll.u32 s2, $0x4;
	s25 =	ssub.s32 $0x2, s2;
	s2 =	smul.u32 $0x27100, s2  }
0xa: {  	s11 =	sshrl.u32 s25, $0x1;
	s7 =	sadd.s32 s8, s7;
	s8 =	sor.u32 s13, s24  }
0xb: {  	s26 =	ssub.s32 s25, s11;
	s11 =	sshrl.u32 s10, $0x2;
	s2 =	sadd.s32 s15, s2  }
0xc: {  	s7 =	sshrl.u32 s7, $0x3;
	s12 =	smul.u32 $0x2710, s8;
	s16 =	sadd.s32 s11, s1  }
0xd: {  	s8 =	sor.u32 $0x1C04, s14;
	s21 =	sadd.s32 $0x140, s2;
	s14 =	smax.u32 s26, $0x1  }
0xe: {  	s25 =	sadd.s32 $0xA0, s2;
	s10 =	sadd.s32 $0xF0, s2;
	s2 =	simm.s32 $0x3  }
0xf: {  	s0 =	sadd.s32 s7, s0;
	s23 =	sshrl.u32 s21, $0x3;
	s26 =	sshrl.u32 s25, $0x3  }
0x10: {  	s21 =	simm.s32 $0x80;
	s25 =	simm.s32 $0x180;
	s7 =	simm.s32 $0x0  }
0x11: {  	s18 =	sshrl.u32 s12, $0x3;
	s0 =	sadd.s32 $0x72A00, s0;
	s24 =	sadd.s32 s23, s5  }
0x12: {  	s15 =	sadd.s32 s23, s4;
	s17 =	sadd.s32 s26, s5;
	s23 =	simm.s32 $0x300  }
0x13: {  	s12 =	sadd.s32 s4, s18;
	s19 =	sadd.s32 $0xA, s18;
	[dreg:$0x9] =	wrdreg s0  }
0x14: {  	s9 =	sadd.s32 s5, s18;
	[dreg:$0x3] =	wrdreg s24;
	s18 =	sadd.s32 s26, s4  }
0x15: {  	s24 =	simm.s32 $0x100;
	s26 =	simm.s32 $0x2B00;
	[dreg:$0x5] =	wrdreg s12  }
0x16: {  	s0 =	simm.s32 $0x2;
	[dreg:$0x6] =	wrdreg s9;
	s20 =	sadd.s32 s4, s19  }
0x17: {  	s22 =	sadd.s32 s5, s19;
	s19 =	sshrl.u32 s16, $0x3;
	[dreg:$0x7] =	wrdreg s20  }
0x18: {  	[dreg:$0x8] =	wrdreg s22;
	s20 =	simm.s32 $0x4;
	s22 =	simm.s32 $0x50  }
.LBB2_1:
0x19: {  	s9 =	rddreg [dreg:$0x4]  }
0x1a: {  	[spmem:s19], [sflag:s8] =	dma.local [hbm:s9], $0x2800  }
0x1b: {  	_ =	swait.ge [sflag:s20], $0x2800  }
0x1c: {  	[sflag:s20] =	ssyncset.done $0x0  }
0x1d: {  	[sflag:s20] =	ssyncadd.s32 $0xFFFFD800  }
0x1e: {  	[bflag:$0x0] =	sbarrier.arrive $0xFFFF  }
0x1f: {  	s16 =	rddreg [dreg:$0x5]  }
0x20: {  	[tilespmem:s3], [sflag:$0x4] =	stream.linear.gather [hbm4b:s16+s3], $0x50, $0x38;
	[tilespmem:$0x1BB00] =	vst v63  }
0x21: {  	_ =	swait.ge [sflag:s20], $0x50  }
0x22: {  	[sflag:s20] =	ssyncset.done $0x0  }
0x23: {  	s11 =	rddreg [dreg:$0x6];
	[sflag:s20] =	ssyncadd.s32 $0xFFFFFFB0  }
0x24: {  	[tilespmem:s21], [sflag:$0x4] =	stream.linear.gather [hbm4b:s11+s3], $0x50, $0x38;
	[tilespmem:$0x1BB00] =	vst v63  }
0x25: {  	_ =	swait.ge [sflag:s20], $0x50  }
0x26: {  	[sflag:s20] =	ssyncset.done $0x0  }
0x27: {  	[sflag:s20] =	ssyncadd.s32 $0xFFFFFFB0  }
0x28: {  	[tilespmem:s23], [sflag:$0x1] =	stream.indirect.gather [hbm4b:s6+s22], $0x80, s3, s22, $0xb8;
	[tilespmem:$0x1BB00] =	vst v63  }
0x29: {  	s12 =	rddreg [dreg:$0x7]  }
0x2a: {  	[tilespmem:s24], [sflag:$0x4] =	stream.linear.gather [hbm4b:s12+s3], $0x50, $0x38;
	[tilespmem:$0x1BB00] =	vst v63  }
0x2b: {  	_ =	swait.ge [sflag:s20], $0x50  }
0x2c: {  	[sflag:s20] =	ssyncset.done $0x0  }
0x2d: {  	s13 =	rddreg [dreg:$0x8];
	[sflag:s20] =	ssyncadd.s32 $0xFFFFFFB0  }
0x2e: {  	[tilespmem:s25], [sflag:$0x4] =	stream.linear.gather [hbm4b:s13+s3], $0x50, $0x38;
	[tilespmem:$0x1BB00] =	vst v63  }
0x2f: {  	_ =	swait.ge [sflag:s20], $0x50  }
0x30: {  	[sflag:s20] =	ssyncset.done $0x0  }
0x31: {  	[sflag:s20] =	ssyncadd.s32 $0xFFFFFFB0  }
0x32: {  	[tilespmem:s26], [sflag:$0x2] =	stream.indirect.gather [hbm4b:s6+s22], $0x80, s24, s22, $0xb8;
	[tilespmem:$0x1BB00] =	vst v63  }
0x33: {  	s16 =	sadd.s32 $0x0, s18  }
0x34: {  	[tilespmem:s28], [sflag:$0x4] =	stream.linear.gather [hbm4b:s16+s3], $0x50, $0x38;
	[tilespmem:$0x1BB00] =	vst v63  }
0x35: {  	_ =	swait.ge [sflag:s20], $0x50  }
0x36: {  	[sflag:s20] =	ssyncset.done $0x0  }
0x37: {  	s11 =	sadd.s32 $0x0, s17;
	[sflag:s20] =	ssyncadd.s32 $0xFFFFFFB0  }
0x38: {  	[tilespmem:s29], [sflag:$0x4] =	stream.linear.gather [hbm4b:s11+s3], $0x50, $0x38;
	[tilespmem:$0x1BB00] =	vst v63  }
0x39: {  	_ =	swait.ge [sflag:s20], $0x50  }
0x3a: {  	[sflag:s20] =	ssyncset.done $0x0  }
0x3b: {  	[sflag:s20] =	ssyncadd.s32 $0xFFFFFFB0  }
0x3c: {  	_ =	swait.ge [sflag:s30], $0x2800  }
0x3d: {  	[sflag:s30] =	ssyncset.done $0x0  }
0x3e: {  	[sflag:s30] =	ssyncadd.s32 $0xFFFFD800  }
0x3f: {  	[tilespmem:s31], [sflag:$0x3] =	stream.indirect.gather [hbm4b:s6+s22], $0x80, s28, s22, $0xb8;
	[tilespmem:$0x1BB00] =	vst v63  }
0x40: {  	_ = 	snop  }
0x41: {  	[spmem:s1] =	stream.indirect.scatter.add.f32 [tilespmem:s23], [sflag:$0x4], $0x80, s21, s22, $0xb8;
	[tilespmem:$0x1BB00] =	vst v63  }
0x42: {  	_ =	swait.ge [sflag:s20], $0x2800  }
0x43: {  	s12 =	sshrl.u32 s10, $0x3;
	[sflag:s20] =	ssyncset.done $0x0  }
0x44: {  	s11 =	sadd.s32 s4, s12;
	[sflag:s20] =	ssyncadd.s32 $0xFFFFD800  }
0x45: {  	[tilespmem:s3], [sflag:$0x4] =	stream.linear.gather [hbm4b:s11+s3], $0x50, $0x38;
	[tilespmem:$0x1BB00] =	vst v63  }
0x46: {  	_ =	swait.ge [sflag:s20], $0x50  }
0x47: {  	[sflag:s20] =	ssyncset.done $0x0  }
0x48: {  	s9 =	sadd.s32 s5, s12;
	[sflag:s20] =	ssyncadd.s32 $0xFFFFFFB0  }
0x49: {  	[tilespmem:s21], [sflag:$0x4] =	stream.linear.gather [hbm4b:s9+s3], $0x50, $0x38;
	[tilespmem:$0x1BB00] =	vst v63  }
0x4a: {  	_ =	swait.ge [sflag:s20], $0x50  }
0x4b: {  	[sflag:s20] =	ssyncset.done $0x0  }
0x4c: {  	[sflag:s20] =	ssyncadd.s32 $0xFFFFFFB0  }
0x4d: {  	_ =	swait.ge [sflag:s0], $0x2800  }
0x4e: {  	[sflag:s0] =	ssyncset.done $0x0  }
0x4f: {  	[sflag:s0] =	ssyncadd.s32 $0xFFFFD800  }
0x50: {  	[tilespmem:s23], [sflag:$0x1] =	stream.indirect.gather [hbm4b:s6+s22], $0x80, s3, s22, $0xb8;
	[tilespmem:$0x1BB00] =	vst v63  }
0x51: {  	_ = 	snop  }
0x52: {  	[spmem:s1] =	stream.indirect.scatter.add.f32 [tilespmem:s26], [sflag:$0x4], $0x80, s25, s22, $0xb8;
	[tilespmem:$0x1BB00] =	vst v63  }
0x53: {  	_ =	swait.ge [sflag:s20], $0x2800  }
0x54: {  	[sflag:s20] =	ssyncset.done $0x0  }
0x55: {  	s13 =	sadd.s32 $0x0, s15;
	[sflag:s20] =	ssyncadd.s32 $0xFFFFD800  }
0x56: {  	[tilespmem:s24], [sflag:$0x4] =	stream.linear.gather [hbm4b:s13+s3], $0x50, $0x38;
	[tilespmem:$0x1BB00] =	vst v63  }
0x57: {  	_ =	swait.ge [sflag:s20], $0x50  }
0x58: {  	s16 =	rddreg [dreg:$0x3];
	[sflag:s20] =	ssyncset.done $0x0  }
0x59: {  	[sflag:s20] =	ssyncadd.s32 $0xFFFFFFB0;
	s9 =	sadd.s32 $0x0, s16  }
0x5a: {  	[tilespmem:s25], [sflag:$0x4] =	stream.linear.gather [hbm4b:s9+s3], $0x50, $0x38;
	[tilespmem:$0x1BB00] =	vst v63  }
0x5b: {  	_ =	swait.ge [sflag:s20], $0x50  }
0x5c: {  	[sflag:s20] =	ssyncset.done $0x0  }
0x5d: {  	[sflag:s20] =	ssyncadd.s32 $0xFFFFFFB0  }
0x5e: {  	_ =	swait.ge [sflag:s2], $0x2800  }
0x5f: {  	[sflag:s2] =	ssyncset.done $0x0  }
0x60: {  	[sflag:s2] =	ssyncadd.s32 $0xFFFFD800  }
0x61: {  	[tilespmem:s26], [sflag:$0x2] =	stream.indirect.gather [hbm4b:s6+s22], $0x80, s24, s22, $0xb8;
	[tilespmem:$0x1BB00] =	vst v63  }
0x62: {  	_ = 	snop  }
0x63: {  	[spmem:s1] =	stream.indirect.scatter.add.f32 [tilespmem:s31], [sflag:$0x4], $0x80, s29, s22, $0xb8;
	[tilespmem:$0x1BB00] =	vst v63  }
0x64: {  	_ =	swait.ge [sflag:s20], $0x2800  }
0x65: {  	s16 =	smov.u32 s10;
	s9 =	simm.s32 $0x1E;
	[sflag:s20] =	ssyncset.done $0x0  }
.LBB2_2:
0x66: {  	[sflag:s20] =	ssyncadd.s32 $0xFFFFD800;
	s12 =	sadd.s32 s9, s18  }
0x67: {  	[tilespmem:s28], [sflag:$0x4] =	stream.linear.gather [hbm4b:s12+s3], $0x50, $0x38;
	[tilespmem:$0x1BB00] =	vst v63  }
0x68: {  	_ =	swait.ge [sflag:s20], $0x50  }
0x69: {  	s11 =	smov.u32 s9;
	[sflag:s20] =	ssyncset.done $0x0  }
0x6a: {  	s13 =	sadd.s32 s11, s17;
	[sflag:s20] =	ssyncadd.s32 $0xFFFFFFB0  }
0x6b: {  	[tilespmem:s29], [sflag:$0x4] =	stream.linear.gather [hbm4b:s13+s3], $0x50, $0x38;
	[tilespmem:$0x1BB00] =	vst v63  }
0x6c: {  	_ =	swait.ge [sflag:s20], $0x50  }
0x6d: {  	[sflag:s20] =	ssyncset.done $0x0  }
0x6e: {  	[sflag:s20] =	ssyncadd.s32 $0xFFFFFFB0  }
0x6f: {  	_ =	swait.ge [sflag:s30], $0x2800  }
0x70: {  	[sflag:s30] =	ssyncset.done $0x0  }
0x71: {  	[sflag:s30] =	ssyncadd.s32 $0xFFFFD800  }
0x72: {  	[tilespmem:s31], [sflag:$0x3] =	stream.indirect.gather [hbm4b:s6+s22], $0x80, s28, s22, $0xb8;
	[tilespmem:$0x1BB00] =	vst v63  }
0x73: {  	_ = 	snop  }
0x74: {  	[spmem:s1] =	stream.indirect.scatter.add.f32 [tilespmem:s23], [sflag:$0x4], $0x80, s21, s22, $0xb8;
	[tilespmem:$0x1BB00] =	vst v63  }
0x75: {  	s16 =	sadd.s32 $0xF0, s16;
	_ =	swait.ge [sflag:s20], $0x2800  }
0x76: {  	s12 =	sshrl.u32 s16, $0x3;
	[sflag:s20] =	ssyncset.done $0x0  }
0x77: {  	s13 =	sadd.s32 s4, s12;
	[sflag:s20] =	ssyncadd.s32 $0xFFFFD800  }
0x78: {  	[tilespmem:s3], [sflag:$0x4] =	stream.linear.gather [hbm4b:s13+s3], $0x50, $0x38;
	[tilespmem:$0x1BB00] =	vst v63  }
0x79: {  	_ =	swait.ge [sflag:s20], $0x50  }
0x7a: {  	[sflag:s20] =	ssyncset.done $0x0  }
0x7b: {  	s12 =	sadd.s32 s5, s12;
	[sflag:s20] =	ssyncadd.s32 $0xFFFFFFB0  }
0x7c: {  	[tilespmem:s21], [sflag:$0x4] =	stream.linear.gather [hbm4b:s12+s3], $0x50, $0x38;
	[tilespmem:$0x1BB00] =	vst v63  }
0x7d: {  	_ =	swait.ge [sflag:s20], $0x50  }
0x7e: {  	[sflag:s20] =	ssyncset.done $0x0  }
0x7f: {  	[sflag:s20] =	ssyncadd.s32 $0xFFFFFFB0  }
0x80: {  	_ =	swait.ge [sflag:s0], $0x2800  }
0x81: {  	[sflag:s0] =	ssyncset.done $0x0  }
0x82: {  	[sflag:s0] =	ssyncadd.s32 $0xFFFFD800  }
0x83: {  	[tilespmem:s23], [sflag:$0x1] =	stream.indirect.gather [hbm4b:s6+s22], $0x80, s3, s22, $0xb8;
	[tilespmem:$0x1BB00] =	vst v63  }
0x84: {  	_ = 	snop  }
0x85: {  	[spmem:s1] =	stream.indirect.scatter.add.f32 [tilespmem:s26], [sflag:$0x4], $0x80, s25, s22, $0xb8;
	[tilespmem:$0x1BB00] =	vst v63  }
0x86: {  	_ =	swait.ge [sflag:s20], $0x2800  }
0x87: {  	[sflag:s20] =	ssyncset.done $0x0  }
0x88: {  	s13 =	sadd.s32 s11, s15;
	[sflag:s20] =	ssyncadd.s32 $0xFFFFD800  }
0x89: {  	[tilespmem:s24], [sflag:$0x4] =	stream.linear.gather [hbm4b:s13+s3], $0x50, $0x38;
	[tilespmem:$0x1BB00] =	vst v63  }
0x8a: {  	_ =	swait.ge [sflag:s20], $0x50  }
0x8b: {  	s13 =	rddreg [dreg:$0x3];
	[sflag:s20] =	ssyncset.done $0x0  }
0x8c: {  	[sflag:s20] =	ssyncadd.s32 $0xFFFFFFB0;
	s11 =	sadd.s32 s11, s13  }
0x8d: {  	[tilespmem:s25], [sflag:$0x4] =	stream.linear.gather [hbm4b:s11+s3], $0x50, $0x38;
	[tilespmem:$0x1BB00] =	vst v63  }
0x8e: {  	_ =	swait.ge [sflag:s20], $0x50  }
0x8f: {  	[sflag:s20] =	ssyncset.done $0x0  }
0x90: {  	[sflag:s20] =	ssyncadd.s32 $0xFFFFFFB0  }
0x91: {  	_ =	swait.ge [sflag:s2], $0x2800  }
0x92: {  	[sflag:s2] =	ssyncset.done $0x0  }
0x93: {  	p0 =	sne.s32 s9, $0x4B0;
	[sflag:s2] =	ssyncadd.s32 $0xFFFFD800  }
0x94: {  	[tilespmem:s26], [sflag:$0x2] =	stream.indirect.gather [hbm4b:s6+s22], $0x80, s24, s22, $0xb8;
	[tilespmem:$0x1BB00] =	vst v63  }
.Ltmp0:
0x95: {  	_ = 	snop;
	(pc) =	sbr.rel @p0 .LBB2_2-.Ltmp0, $4  }
0x96: {  	_ = 	snop  }
0x97: {  	[spmem:s1] =	stream.indirect.scatter.add.f32 [tilespmem:s31], [sflag:$0x4], $0x80, s29, s22, $0xb8;
	[tilespmem:$0x1BB00] =	vst v63  }
0x98: {  	_ =	swait.ge [sflag:s20], $0x2800  }
0x99: {  	s9 =	sadd.s32 $0x1E, s9;
	[sflag:s20] =	ssyncset.done $0x0  }
0x9a: {  	[sflag:s20] =	ssyncadd.s32 $0xFFFFD800  }
0x9b: {  	_ =	swait.ge [sflag:s30], $0x2800  }
0x9c: {  	[sflag:s30] =	ssyncset.done $0x0  }
0x9d: {  	[sflag:s30] =	ssyncadd.s32 $0xFFFFD800  }
0x9e: {  	[spmem:s1] =	stream.indirect.scatter.add.f32 [tilespmem:s23], [sflag:$0x4], $0x80, s21, s22, $0xb8;
	[tilespmem:$0x1BB00] =	vst v63  }
0x9f: {  	_ =	swait.ge [sflag:s20], $0x2800  }
0xa0: {  	[sflag:s20] =	ssyncset.done $0x0  }
0xa1: {  	[sflag:s20] =	ssyncadd.s32 $0xFFFFD800  }
0xa2: {  	_ =	swait.ge [sflag:s0], $0x2800  }
0xa3: {  	[sflag:s0] =	ssyncset.done $0x0  }
0xa4: {  	[sflag:s0] =	ssyncadd.s32 $0xFFFFD800  }
0xa5: {  	[spmem:s1] =	stream.indirect.scatter.add.f32 [tilespmem:s26], [sflag:$0x4], $0x80, s25, s22, $0xb8;
	[tilespmem:$0x1BB00] =	vst v63  }
0xa6: {  	_ =	swait.ge [sflag:s20], $0x2800  }
0xa7: {  	[sflag:s20] =	ssyncset.done $0x0  }
0xa8: {  	s7 =	sadd.s32 $0x1, s7;
	[sflag:s20] =	ssyncadd.s32 $0xFFFFD800  }
0xa9: {  	p0 =	sne.s32 s7, s14;
	[bflag:$0x0] =	sbarrier.arrive $0xFFFF  }
.Ltmp1:
0xaa: {  	s9 =	rddreg [dreg:$0x9];
	(pc) =	sbr.rel @p0 .LBB2_1-.Ltmp1, $4  }
0xab: {  	[hbm:s9], [sflag:s8] =	dma.local [spmem:s19], $0x2800  }
0xac: {  	_ =	swait.ge [sflag:s20], $0x2800  }
0xad: {  	[sflag:s20] =	ssyncset.done $0x0  }
0xae: {  	[sflag:s20] =	ssyncadd.s32 $0xFFFFD800  }
0xaf: {  	_ =	sfence.sel $0x180000  }
0xb0: {  	[bflag:$0x0] =	sbarrier.arrive $0xFFFF  }
0xb1: {  	_ =	strace $0x9000004D  }
0xb2: {  	s0 =	stileid.u32;
	[bflag:$0x2] =	sbarrier.arrive $0xFFFF  }
0xb3: {  	p0 =	sne.s32 s0, $0x0;
	s0 =	rddreg [dreg:$0x2]  }
0xb4: {  	s0 =	sadd.s32 @!p0 $0x100000, s0  }
0xb5: {  	[sflag:s0] =	ssyncadd.tile.s32 @!p0 $0x1;
	_ =	shalt  }
.Lfunc_end2:
_tile_overlayer_lowered:
.L_overlay_start_2:
0xb6: {  	(tag) =	ssettag $0x2  }
0xb7: {  	s0 =	rddreg [dreg:$0x0];
	s2 =	stileid.u32  }
0xb8: {  	s1 =	rddreg [dreg:$0x1];
	p0 =	sne.s32 s2, $0x0  }
0xb9: {  	s3 =	rddreg [dreg:$0x2];
	[bflag:$0x3] =	sbarrier.arrive $0xFFFF;
	s2 =	simm.s32 @!p0 $0x1C04  }
0xba: {  	[timem:s3], [sflag:s2] =	dma.local @!p0 [hbm:s0], s1  }
0xbb: {  	s0 =	simm.s32 @!p0 $0x4  }
0xbc: {  	_ =	swait.ge @!p0 [sflag:s0], s1  }
0xbd: {  	s1 =	ssub.s32 @!p0 $0x0, s1;
	[sflag:s0] =	ssyncset.done @!p0 $0x0  }
0xbe: {  	[sflag:s0] =	ssyncadd.s32 @!p0 s1  }
0xbf: {  	[bflag:$0x3] =	sbarrier.arrive $0xFFFF  }
0xc0: {  	_ =	shalt  }

// kernel: kernel.9.cloned.1.call-start
scs
__scs_entry_jumppad:
0x0: {  	(pc) =	sbr.rel $0x88, $3  }
0x1: {  	(tag) =	ssettag $0x0;
	lr =	simm.s32 $0x1  }
0x2: {  	[smem:$0x3F91] =	sst lr;
	_ =	strace $0xD0000000  }
0x3: {  	_ = 	snop  }
0x4: {  	_ = 	snop  }
0x5: {  	_ = 	snop  }
0x6: {  	_ = 	snop  }
0x7: {  	_ = 	snop  }
__scs_overlays_trampoline_lowered:
0x8: {  	[smem:$0x3FA0] =	sst s0  }
0x9: {  	[smem:$0x3FA1] =	sst s1  }
0xa: {  	[smem:$0x3FA2] =	sst s2  }
0xb: {  	[smem:$0x3FA3] =	sst s3  }
0xc: {  	[smem:$0x3FA4] =	sst s4  }
0xd: {  	[smem:$0x3FA5] =	sst s5  }
0xe: {  	[smem:$0x3FA6] =	sst s6  }
0xf: {  	[smem:$0x3FA7] =	sst s7  }
0x10: {  	[smem:$0x3FA8] =	sst s8  }
0x11: {  	[smem:$0x3FA9] =	sst s9;
	s0 =	simm.s32 @!p0 $0x0  }
0x12: {  	s1 =	sld [smem:$0x3F8F];
	s0 =	simm.s32 @p0 $0x1  }
0x13: {  	[smem:$0x3FAA] =	sst s0;
	s0 =	simm.s32 @!p1 $0x0  }
0x14: {  	s2 =	sld [smem:$0x3F8E];
	s0 =	simm.s32 @p1 $0x1  }
0x15: {  	[smem:$0x3FAB] =	sst s0;
	s0 =	simm.s32 @!p2 $0x0  }
0x16: {  	s3 =	sld [smem:$0x3FDB];
	s0 =	simm.s32 @p2 $0x1  }
0x17: {  	s4 =	simm.s32 $0x1BF5;
	[smem:$0x3FAD] =	sst s0  }
0x18: {  	s0 =	sld [smem:$0x3F90];
	_ =	swait.ge [sflag:s4], $0x0  }
0x19: {  	s7 =	sld [smem:$0x3F91]  }
0x1a: {  	s8 =	sadd.s32 $0xFFFFE003, lr  }
0x1b: {  	s9 =	sadd.s32 $0xFFFFFEF7, lr;
	s5 =	simm.s32 $0xFFFFFFFF;
	p2 =	slt.u32 s8, $0xFFFFF086  }
0x1c: {  	p1 =	slt.u32 s9, $0xF7A;
	s5 =	simm.s32 @!p2 $0x0  }
0x1d: {  	s5 =	simm.s32 @p1 $0x1;
	p0 =	seq.s32 s7, s2  }
0x1e: {  	s7 =	smul.u32 @!p0 $0xF7A, s2;
	p2 =	seq.s32 @!p0 s5, $0x0  }
0x1f: {  	s9 =	smul.u32 $0xF7A, s1;
	s8 =	simm.s32 @!p0 $0x1BF5;
	p2 =	por !p2, p0  }
0x20: {  	[sflag:s8] =	ssyncset.s32 @!p0 $0xFFFFF086;
	s6 =	sadd.s32 @!p0 s3, s7;
	s7 =	simm.s32 @!p0 $0x108  }
0x21: {  	s3 =	sadd.s32 s3, s9;
	s6 =	sadd.s32 @!p0 $0x88, s6;
	s7 =	simm.s32 @p2 $0x1082  }
0x22: {  	[simem:s7], [sflag:s8] =	dma.local @!p0 [hbm:s6], $0xF7A  }
0x23: {  	s9 =	sor.u32 $0xD0000000, s2;
	s6 =	simm.s32 $0x108;
	_ =	swait.ge @!p0 [sflag:s8], $0x0  }
0x24: {  	s3 =	sadd.s32 $0x88, s3;
	s6 =	simm.s32 @!p1 $0x1082;
	[sflag:s4] =	ssyncset.s32 $0xFFFFF086  }
0x25: {  	[simem:s6], [sflag:s4] =	dma.local [hbm:s3], $0xF7A  }
0x26: {  	[smem:$0x3F91] =	sst s1;
	(tag) =	ssettag s2;
	_ =	strace s9  }
0x27: {  	s1 =	sld [smem:$0x3FA1]  }
0x28: {  	s2 =	sld [smem:$0x3FA2]  }
0x29: {  	s4 =	sld [smem:$0x3FA4]  }
0x2a: {  	p0 =	seq.s32 s5, $0x0;
	s5 =	sld [smem:$0x3FA5]  }
0x2b: {  	s6 =	sld [smem:$0x3FA6]  }
0x2c: {  	s7 =	sld [smem:$0x3FA7]  }
0x2d: {  	s3 =	simm.s32 $0x108;
	s8 =	sld [smem:$0x3FA8]  }
0x2e: {  	s3 =	simm.s32 @!p0 $0x1082;
	s9 =	sld [smem:$0x3FA9]  }
0x2f: {  	lr =	sadd.s32 s0, s3;
	s0 =	sld [smem:$0x3FA0]  }
0x30: {  	s3 =	sld [smem:$0x3FA3]  }
0x31: {  	[smem:$0x3FAC] =	sst s10  }
0x32: {  	s10 =	sld [smem:$0x3FAA];
	_ =	sdelay $0x3  }
0x33: {  	p0 =	seq.s32 s10, $0x1;
	s10 =	sld [smem:$0x3FAC];
	_ =	sdelay $0x3  }
0x34: {  	[smem:$0x3FAC] =	sst s10  }
0x35: {  	s10 =	sld [smem:$0x3FAB];
	_ =	sdelay $0x3  }
0x36: {  	p1 =	seq.s32 s10, $0x1;
	s10 =	sld [smem:$0x3FAC];
	_ =	sdelay $0x3  }
0x37: {  	[smem:$0x3FAC] =	sst s10  }
0x38: {  	s10 =	sld [smem:$0x3FAD]  }
0x39: {  	_ = 	snop;
	(pc) =	sbr.ind lr, $3  }
0x3a: {  	_ = 	snop  }
0x3b: {  	_ = 	snop  }
0x3c: {  	p2 =	seq.s32 s10, $0x1;
	s10 =	sld [smem:$0x3FAC]  }
0x3d: {  	_ =	shalt  }
0x3e: {  	_ =	shalt  }
0x3f: {  	_ =	shalt  }
0x40: {  	_ =	shalt  }
0x41: {  	_ =	shalt  }
0x42: {  	_ =	shalt  }
0x43: {  	_ =	shalt  }
0x44: {  	_ =	shalt  }
0x45: {  	_ =	shalt  }
0x46: {  	_ =	shalt  }
0x47: {  	_ =	shalt  }
0x48: {  	_ =	shalt  }
0x49: {  	_ =	shalt  }
0x4a: {  	_ =	shalt  }
0x4b: {  	_ =	shalt  }
0x4c: {  	_ =	shalt  }
0x4d: {  	_ =	shalt  }
0x4e: {  	_ =	shalt  }
0x4f: {  	_ =	shalt  }
0x50: {  	_ =	shalt  }
0x51: {  	_ =	shalt  }
0x52: {  	_ =	shalt  }
0x53: {  	_ =	shalt  }
0x54: {  	_ =	shalt  }
0x55: {  	_ =	shalt  }
0x56: {  	_ =	shalt  }
0x57: {  	_ =	shalt  }
0x58: {  	_ =	shalt  }
0x59: {  	_ =	shalt  }
0x5a: {  	_ =	shalt  }
0x5b: {  	_ =	shalt  }
0x5c: {  	_ =	shalt  }
0x5d: {  	_ =	shalt  }
0x5e: {  	_ =	shalt  }
0x5f: {  	_ =	shalt  }
0x60: {  	_ =	shalt  }
0x61: {  	_ =	shalt  }
0x62: {  	_ =	shalt  }
0x63: {  	_ =	shalt  }
0x64: {  	_ =	shalt  }
0x65: {  	_ =	shalt  }
0x66: {  	_ =	shalt  }
0x67: {  	_ =	shalt  }
0x68: {  	_ =	shalt  }
0x69: {  	_ =	shalt  }
0x6a: {  	_ =	shalt  }
0x6b: {  	_ =	shalt  }
0x6c: {  	_ =	shalt  }
0x6d: {  	_ =	shalt  }
0x6e: {  	_ =	shalt  }
0x6f: {  	_ =	shalt  }
0x70: {  	_ =	shalt  }
0x71: {  	_ =	shalt  }
0x72: {  	_ =	shalt  }
0x73: {  	_ =	shalt  }
0x74: {  	_ =	shalt  }
0x75: {  	_ =	shalt  }
0x76: {  	_ =	shalt  }
0x77: {  	_ =	shalt  }
0x78: {  	_ =	shalt  }
0x79: {  	_ =	shalt  }
0x7a: {  	_ =	shalt  }
0x7b: {  	_ =	shalt  }
0x7c: {  	_ =	shalt  }
0x7d: {  	_ =	shalt  }
0x7e: {  	_ =	shalt  }
0x7f: {  	_ =	shalt  }
0x80: {  	_ =	shalt  }
0x81: {  	_ =	shalt  }
0x82: {  	_ =	shalt  }
0x83: {  	_ =	shalt  }
0x84: {  	_ =	shalt  }
0x85: {  	_ =	shalt  }
0x86: {  	_ =	shalt  }
0x87: {  	_ =	shalt  }
.Lfunc_end0:
.L_simem_size_0:
called_computation_lowered:
.L_overlay_start_0:
0x88: {  	s2 =	sld [smem:$0x3FD9]  }
0x89: {  	s3 =	sld [smem:$0x3FFE];
	_ =	sdelay $0x1  }
0x8a: {  	s1 =	srdreg.scid  }
0x8b: {  	s0 =	sand.u32 $0x1, s1  }
0x8c: {  	s17 =	sshll.u32 s0, $0xA;
	s2 =	sadd.s32 s3, s2  }
0x8d: {  	s2 =	sadd.s32 s2, s17  }
0x8e: {  	[smem:$0x3FB8] =	sst s2  }
0x8f: {  	_ = 	snop  }
0x90: {  	s2 =	sld [smem:$0x3FC7]  }
0x91: {  	s18 =	sld [smem:$0x3FC6]  }
0x92: {  	s4 =	sld [smem:$0x3FD0];
	(tm) =	ssettm $0x1  }
0x93: {  	s5 =	sld [smem:$0x3FFB];
	_ =	sdelay $0x3  }
0x94: {  	_ =	strace s5  }
0x95: {  	s5 =	sld [smem:$0x3FFC];
	_ =	sdelay $0x3  }
0x96: {  	_ =	strace s5  }
0x97: {  	s5 =	sld [smem:$0x3FFD];
	_ =	sdelay $0x3  }
0x98: {  	_ =	strace s5  }
0x99: {  	_ =	strace $0x8FFFFFFF  }
0x9a: {  	s19 =	sld [smem:$0x3FDB];
	_ =	sdelay $0x1  }
0x9b: {  	s6 =	simm.s32 $_scs_section_size  }
0x9c: {  	s7 =	simm.s32 $_size__tile_overlayer_lowered;
	s8 =	simm.s32 $_tile_overlayer_lowered  }
0x9d: {  	s22 =	simm.s32 $0x1BFF;
	s21 =	sshll.u32 s8, $0x1;
	s5 =	sadd.s32 s6, s19  }
0x9e: {  	s9 =	simm.s32 $0x0;
	s20 =	sshll.u32 s7, $0x1;
	s7 =	sadd.s32 s21, s5  }
0x9f: {  	[timem:s9], [sflag:s22] =	dma.local [hbm:s7], s20  }
0xa0: {  	_ =	swait.ge [sflag:s22], s20  }
0xa1: {  	s6 =	ssub.s32 $0x0, s20;
	[sflag:s22] =	ssyncset.done $0x0  }
0xa2: {  	[sflag:s22] =	ssyncadd.s32 s6;
	_ =	sdelay $0x1  }
0xa3: {  	s23 =	simm.s32 $0x1B8B  }
0xa4: {  	_ =	swait.ge [sflag:s23], $0x1  }
0xa5: {  	[sflag:s23] =	ssyncset.done $0x0  }
0xa6: {  	s25 =	simm.s32 $0x1B8E;
	s24 =	sld [smem:$0x3FFE];
	[sflag:s23] =	ssyncadd.s32 $0xFFFFFFFF  }
0xa7: {  	s26 =	simm.s32 $execute0_lowered;
	[smem:$0x3FD2] =	sst s25  }
0xa8: {  	s7 =	sshll.u32 s26, $0x1;
	_ =	strace $0x80000046;
	[dreg:$0x1] =	wrdreg $0xFFFFFFFF  }
0xa9: {  	s28 =	simm.s32 $_size_execute0_lowered;
	s5 =	sadd.s32 s5, s7;
	[dreg:$0x0] =	wrdreg $0x0  }
0xaa: {  	s7 =	sshll.u32 s28, $0x1;
	[dreg:$0x2] =	wrdreg s5  }
0xab: {  	[dreg:$0x3] =	wrdreg s7  }
0xac: {  	[dreg:$0x4] =	wrdreg $0xC0  }
0xad: {  	_ =	task [dreg:s9], $0x5FFFF  }
0xae: {  	[dreg:$0x1] =	wrdreg $0xFFFFFFFF  }
0xaf: {  	[dreg:$0x0] =	wrdreg $0x60  }
0xb0: {  	[dreg:$0x2] =	wrdreg s4  }
0xb1: {  	[dreg:$0x3] =	wrdreg s24  }
0xb2: {  	[dreg:$0x4] =	wrdreg s2  }
0xb3: {  	[dreg:$0x5] =	wrdreg s18  }
0xb4: {  	[dreg:$0x6] =	wrdreg $0xA3000  }
0xb5: {  	[dreg:$0x7] =	wrdreg $0x9  }
0xb6: {  	_ =	task.clear_ibuf [dreg:s9], $0x8FFFF;
	_ =	strace $0x90000046  }
0xb7: {  	s29 =	simm.s32 $0x9;
	_ =	strace $0x80000048  }
0xb8: {  	_ =	swait.ge [sflag:s29], $0x1  }
0xb9: {  	[sflag:s29] =	ssyncadd.s32 $0xFFFFFFFF  }
0xba: {  	_ =	strace $0x90000048  }
0xbb: {  	_ =	sfence  }
0xbc: {  	s30 =	sld [smem:$0x0];
	_ =	sdelay $0x2  }
0xbd: {  	s31 =	sshll.u32 s1, $0xD;
	s1 =	sshrl.u32 s1, $0x2  }
0xbe: {  	s3 =	sand.u32 $0x4000, s31;
	s1 =	sadd.s32 s1, s30  }
0xbf: {  	s0 =	sor.u32 s3, s0;
	s1 =	sshll.u32 s1, $0x11  }
0xc0: {  	s0 =	sor.u32 s1, s0  }
0xc1: {  	s0 =	sadd.s32 $0x8F2B, s0  }
0xc2: {  	[sflag:s0] =	ssyncadd.remote.s32 $0x1  }
0xc3: {  	_ =	sfence.sel $0xFFFF  }
0xc4: {  	[dreg:$0x0] =	wrdreg $0xFFFFFFFF;
	(pc) =	sbr.abs _section_cstart, $3  }
0xc5: {  	[dreg:$0x1] =	wrdreg $0xFFFFFFFF  }
0xc6: {  	_ =	task.clear_ibuf [dreg:s9], $0x2FFFF;
	_ =	strace $0x9FFFFFFF  }
0xc7: {  	(tm) =	ssettm $0x7FFFFFFF  }
tec
execute0_lowered:
.L_overlay_start_1:
0x0: {  	(tag) =	ssettag $0x1  }
0x1: {  	s29 =	rddreg [dreg:$0x0]  }
0x2: {  	s0 =	rddreg [dreg:$0x1]  }
0x3: {  	s2 =	rddreg [dreg:$0x2]  }
0x4: {  	s3 =	rddreg [dreg:$0x3]  }
0x5: {  	s4 =	rddreg [dreg:$0x4];
	s5 =	simm.s32 $0x0  }
0x6: {  	s1 =	srdreg.scid;
	s12 =	stileid.u32;
	s28 =	simm.s32 $0x5300  }
0x7: {  	[smem:$0x7FF] =	sst s5;
	s7 =	sadd.s32 $0x4400, s0;
	s1 =	sand.u32 $0x1, s1  }
0x8: {  	s13 =	sadd.s32 $0x18000, s0;
	s9 =	sadd.s32 $0xE200, s0;
	s8 =	smul.u32 $0x14000, s12  }
0x9: {  	s11 =	sadd.s32 $0x21E00, s0;
	s26 =	smul.u32 $0x50000, s12;
	s10 =	sshll.u32 s1, $0x4  }
0xa: {  	s14 =	sadd.s32 $0x24600, s0;
	s6 =	smul.u32 $0x140000, s1;
	s10 =	sor.u32 s12, s10  }
0xb: {  	_ =	strace $0x80000047;
	[dreg:$0xb] =	wrdreg s14;
	s14 =	smul.u32 $0x2710, s10  }
0xc: {  	[dreg:$0xa] =	wrdreg s11;
	s15 =	ssub.s32 $0x2, s1;
	s17 =	sshrl.u32 s26, $0x2  }
0xd: {  	s6 =	sadd.s32 s8, s6;
	s10 =	sadd.s32 s17, s4;
	s8 =	sshrl.u32 s14, $0x3  }
0xe: {  	s6 =	sshrl.u32 s6, $0x3;
	[dreg:$0xc] =	wrdreg s10;
	s18 =	sadd.s32 s29, s8  }
0xf: {  	s0 =	sadd.s32 s6, s0;
	s19 =	sadd.s32 s7, s8;
	[dreg:$0xd] =	wrdreg s18  }
0x10: {  	s1 =	smul.u32 $0x27100, s1;
	s24 =	sadd.s32 $0x74C00, s0;
	[dreg:$0xe] =	wrdreg s19  }
0x11: {  	s12 =	smul.u32 $0x2710, s12;
	s25 =	sadd.s32 s13, s8;
	[dreg:$0x11] =	wrdreg s24  }
0x12: {  	s20 =	sadd.s32 $0xA, s8;
	s8 =	sadd.s32 s9, s8;
	[dreg:$0x12] =	wrdreg s25  }
0x13: {  	s1 =	sadd.s32 s12, s1;
	s17 =	sadd.s32 $0x24C00, s0;
	[dreg:$0x13] =	wrdreg s8  }
0x14: {  	s21 =	sadd.s32 $0x140, s1;
	s22 =	sadd.s32 s29, s20;
	[dreg:$0x16] =	wrdreg s17  }
0x15: {  	s11 =	sshrl.u32 s21, $0x3;
	s23 =	sadd.s32 s7, s20;
	[dreg:$0xf] =	wrdreg s22  }
0x16: {  	s31 =	simm.s32 $0x2;
	s26 =	sadd.s32 s11, s7;
	[dreg:$0x10] =	wrdreg s23  }
0x17: {  	s16 =	sshrl.u32 s15, $0x1;
	s14 =	sadd.s32 s11, s9;
	[dreg:$0x6] =	wrdreg s26  }
0x18: {  	s6 =	ssub.s32 s15, s16;
	s15 =	sadd.s32 s13, s20;
	[dreg:$0x7] =	wrdreg s14  }
0x19: {  	s10 =	simm.s32 $0x4;
	s16 =	sadd.s32 s9, s20;
	[dreg:$0x14] =	wrdreg s15  }
0x1a: {  	s21 =	sadd.s32 $0x50, s1;
	s18 =	sadd.s32 $0xC4C00, s0;
	[dreg:$0x15] =	wrdreg s16  }
0x1b: {  	s0 =	sadd.s32 $0x114C00, s0;
	s19 =	smax.u32 s6, $0x1;
	[dreg:$0x17] =	wrdreg s18  }
0x1c: {  	s6 =	smov.u32 s13;
	s20 =	sadd.s32 $0xF0, s1;
	[dreg:$0x18] =	wrdreg s0  }
0x1d: {  	s30 =	sadd.s32 s11, s29;
	s11 =	sadd.s32 s11, s13;
	[dreg:$0x19] =	wrdreg s19  }
0x1e: {  	s17 =	simm.s32 $0x5;
	[dreg:$0x1a] =	wrdreg s20;
	s22 =	sadd.s32 $0xA0, s1  }
0x1f: {  	s23 =	sshrl.u32 s21, $0x3;
	s16 =	simm.s32 $0x7B00;
	[dreg:$0x9] =	wrdreg s6  }
0x20: {  	s18 =	simm.s32 $0x80;
	s20 =	simm.s32 $0x50;
	[dreg:$0x1c] =	wrdreg s30  }
0x21: {  	s21 =	simm.s32 $0x300;
	s14 =	simm.s32 $0x280;
	[dreg:$0x1d] =	wrdreg s11  }
0x22: {  	s19 =	simm.s32 $0x1;
	[dreg:$0x1b] =	wrdreg s22;
	s25 =	sadd.s32 s23, s7  }
0x23: {  	s1 =	simm.s32 $0x0;
	s24 =	sshrl.u32 s22, $0x3;
	[dreg:$0x8] =	wrdreg s25  }
0x24: {  	s13 =	sadd.s32 s23, s9;
	s26 =	sadd.s32 s24, s9;
	[dreg:$0x1e] =	wrdreg s24  }
0x25: {  	s22 =	simm.s32 $0x100;
	s0 =	sadd.s32 s24, s6;
	[smem:$0x7FB] =	sst s26  }
0x26: {  	s23 =	simm.s32 $0x180;
	s15 =	sadd.s32 s24, s7;
	[smem:$0x7FC] =	sst s0  }
0x27: {  	s12 =	sadd.s32 s24, s29;
	s24 =	simm.s32 $0x2B00;
	[dreg:$0x1f] =	wrdreg s15  }
0x28: {  	s25 =	simm.s32 $0x200;
	s26 =	simm.s32 $0x3;
	[smem:$0x7FD] =	sst s12  }
.LBB2_1:
0x29: {  	[smem:$0x7F7] =	sst s1  }
0x2a: {  	s0 =	rddreg [dreg:$0xb]  }
0x2b: {  	[tilespmem:s16], [sflag:$0x5] =	stream.linear.gather [hbm4b:s0+s5], $0x2800, $0x38;
	[tilespmem:$0x1E300] =	vst v63  }
0x2c: {  	s11 =	stileid.u32;
	_ =	swait.ge [sflag:s17], $0x2800  }
0x2d: {  	s0 =	sshll.u32 s11, $0x6;
	s6 =	rddreg [dreg:$0xc]  }
0x2e: {  	s1 =	sor.u32 $0x1C05, s0;
	s8 =	rddreg [dreg:$0xa]  }
0x2f: {  	[sflag:s17] =	ssyncset.done $0x0;
	[smem:$0x7F8] =	sst s1;
	s6 =	sshrl.u32 s6, $0x3  }
0x30: {  	[sflag:s17] =	ssyncadd.s32 $0xFFFFD800;
	[smem:$0x7F9] =	sst s6  }
0x31: {  	[spmem:s6], [sflag:s1] =	dma.local [hbm:s8], $0x2800  }
0x32: {  	_ =	swait.ge [sflag:s17], $0x2800  }
0x33: {  	[sflag:s17] =	ssyncset.done $0x0  }
0x34: {  	[sflag:s17] =	ssyncadd.s32 $0xFFFFD800  }
0x35: {  	[bflag:$0x0] =	sbarrier.arrive $0xFFFF  }
0x36: {  	s11 =	rddreg [dreg:$0xd]  }
0x37: {  	[tilespmem:s5], [sflag:$0x5] =	stream.linear.gather [hbm4b:s11+s5], $0x50, $0x38;
	[tilespmem:$0x1E300] =	vst v63  }
0x38: {  	_ =	swait.ge [sflag:s17], $0x50  }
0x39: {  	[sflag:s17] =	ssyncset.done $0x0  }
0x3a: {  	s1 =	rddreg [dreg:$0xe];
	[sflag:s17] =	ssyncadd.s32 $0xFFFFFFB0  }
0x3b: {  	[tilespmem:s18], [sflag:$0x5] =	stream.linear.gather [hbm4b:s1+s5], $0x50, $0x38;
	[tilespmem:$0x1E300] =	vst v63  }
0x3c: {  	_ =	swait.ge [sflag:s17], $0x50  }
0x3d: {  	[sflag:s17] =	ssyncset.done $0x0  }
0x3e: {  	[sflag:s17] =	ssyncadd.s32 $0xFFFFFFB0  }
0x3f: {  	[tilespmem:s21], [sflag:$0x1] =	stream.indirect.gather [hbm4b:s2+s20], $0x80, s5, s20, $0xb8;
	[tilespmem:$0x1E300] =	vst v63  }
0x40: {  	s6 =	rddreg [dreg:$0xf]  }
0x41: {  	[tilespmem:s22], [sflag:$0x5] =	stream.linear.gather [hbm4b:s6+s5], $0x50, $0x38;
	[tilespmem:$0x1E300] =	vst v63  }
0x42: {  	_ =	swait.ge [sflag:s17], $0x50  }
0x43: {  	[sflag:s17] =	ssyncset.done $0x0  }
0x44: {  	s8 =	rddreg [dreg:$0x10];
	[sflag:s17] =	ssyncadd.s32 $0xFFFFFFB0  }
0x45: {  	[tilespmem:s23], [sflag:$0x5] =	stream.linear.gather [hbm4b:s8+s5], $0x50, $0x38;
	[tilespmem:$0x1E300] =	vst v63  }
0x46: {  	_ =	swait.ge [sflag:s17], $0x50  }
0x47: {  	[sflag:s17] =	ssyncset.done $0x0  }
0x48: {  	[sflag:s17] =	ssyncadd.s32 $0xFFFFFFB0  }
0x49: {  	[tilespmem:s24], [sflag:$0x2] =	stream.indirect.gather [hbm4b:s2+s20], $0x80, s22, s20, $0xb8;
	[tilespmem:$0x1E300] =	vst v63  }
0x4a: {  	s11 =	sadd.s32 $0x0, s12  }
0x4b: {  	[tilespmem:s25], [sflag:$0x5] =	stream.linear.gather [hbm4b:s11+s5], $0x50, $0x38;
	[tilespmem:$0x1E300] =	vst v63  }
0x4c: {  	_ =	swait.ge [sflag:s17], $0x50  }
0x4d: {  	[sflag:s17] =	ssyncset.done $0x0  }
0x4e: {  	s0 =	sadd.s32 $0x0, s15;
	[sflag:s17] =	ssyncadd.s32 $0xFFFFFFB0  }
0x4f: {  	[tilespmem:s14], [sflag:$0x5] =	stream.linear.gather [hbm4b:s0+s5], $0x50, $0x38;
	[tilespmem:$0x1E300] =	vst v63  }
0x50: {  	_ =	swait.ge [sflag:s17], $0x50  }
0x51: {  	[sflag:s17] =	ssyncset.done $0x0  }
0x52: {  	[sflag:s17] =	ssyncadd.s32 $0xFFFFFFB0  }
0x53: {  	_ =	swait.ge [sflag:s19], $0x2800  }
0x54: {  	[sflag:s19] =	ssyncset.done $0x0  }
0x55: {  	[sflag:s19] =	ssyncadd.s32 $0xFFFFD800  }
0x56: {  	[tilespmem:s28], [sflag:$0x3] =	stream.indirect.gather [hbm4b:s2+s20], $0x80, s25, s20, $0xb8;
	[tilespmem:$0x1E300] =	vst v63  }
0x57: {  	_ = 	snop  }
0x58: {  	[spmem:s4] =	stream.indirect.scatter.add.f32 [tilespmem:s21], [sflag:$0x5], $0x80, s18, s20, $0xb8;
	[tilespmem:$0x1E300] =	vst v63  }
0x59: {  	_ =	swait.ge [sflag:s17], $0x2800  }
0x5a: {  	s8 =	rddreg [dreg:$0x1a]  }
0x5b: {  	[sflag:s17] =	ssyncset.done $0x0;
	s6 =	sshrl.u32 s8, $0x3  }
0x5c: {  	[sflag:s17] =	ssyncadd.s32 $0xFFFFD800;
	s11 =	sadd.s32 s29, s6  }
0x5d: {  	[tilespmem:s5], [sflag:$0x5] =	stream.linear.gather [hbm4b:s11+s5], $0x50, $0x38;
	[tilespmem:$0x1E300] =	vst v63  }
0x5e: {  	_ =	swait.ge [sflag:s17], $0x50  }
0x5f: {  	[sflag:s17] =	ssyncset.done $0x0  }
0x60: {  	s0 =	sadd.s32 s7, s6;
	[smem:$0x7FA] =	sst s6;
	[sflag:s17] =	ssyncadd.s32 $0xFFFFFFB0  }
0x61: {  	[tilespmem:s18], [sflag:$0x5] =	stream.linear.gather [hbm4b:s0+s5], $0x50, $0x38;
	[tilespmem:$0x1E300] =	vst v63  }
0x62: {  	_ =	swait.ge [sflag:s17], $0x50  }
0x63: {  	[sflag:s17] =	ssyncset.done $0x0  }
0x64: {  	[sflag:s17] =	ssyncadd.s32 $0xFFFFFFB0  }
0x65: {  	_ =	swait.ge [sflag:s31], $0x2800  }
0x66: {  	[sflag:s31] =	ssyncset.done $0x0  }
0x67: {  	[sflag:s31] =	ssyncadd.s32 $0xFFFFD800  }
0x68: {  	[tilespmem:s21], [sflag:$0x1] =	stream.indirect.gather [hbm4b:s2+s20], $0x80, s5, s20, $0xb8;
	[tilespmem:$0x1E300] =	vst v63  }
0x69: {  	_ = 	snop  }
0x6a: {  	[spmem:s4] =	stream.indirect.scatter.add.f32 [tilespmem:s24], [sflag:$0x5], $0x80, s23, s20, $0xb8;
	[tilespmem:$0x1E300] =	vst v63  }
0x6b: {  	_ =	swait.ge [sflag:s17], $0x2800  }
0x6c: {  	[sflag:s17] =	ssyncset.done $0x0  }
0x6d: {  	s6 =	sadd.s32 $0x0, s30;
	[sflag:s17] =	ssyncadd.s32 $0xFFFFD800  }
0x6e: {  	[tilespmem:s22], [sflag:$0x5] =	stream.linear.gather [hbm4b:s6+s5], $0x50, $0x38;
	[tilespmem:$0x1E300] =	vst v63  }
0x6f: {  	_ =	swait.ge [sflag:s17], $0x50  }
0x70: {  	s11 =	rddreg [dreg:$0x6];
	[sflag:s17] =	ssyncset.done $0x0  }
0x71: {  	[sflag:s17] =	ssyncadd.s32 $0xFFFFFFB0;
	s1 =	sadd.s32 $0x0, s11  }
0x72: {  	[tilespmem:s23], [sflag:$0x5] =	stream.linear.gather [hbm4b:s1+s5], $0x50, $0x38;
	[tilespmem:$0x1E300] =	vst v63  }
0x73: {  	_ =	swait.ge [sflag:s17], $0x50  }
0x74: {  	[sflag:s17] =	ssyncset.done $0x0  }
0x75: {  	[sflag:s17] =	ssyncadd.s32 $0xFFFFFFB0  }
0x76: {  	_ =	swait.ge [sflag:s26], $0x2800  }
0x77: {  	[sflag:s26] =	ssyncset.done $0x0  }
0x78: {  	[sflag:s26] =	ssyncadd.s32 $0xFFFFD800  }
0x79: {  	[tilespmem:s24], [sflag:$0x2] =	stream.indirect.gather [hbm4b:s2+s20], $0x80, s22, s20, $0xb8;
	[tilespmem:$0x1E300] =	vst v63  }
0x7a: {  	_ = 	snop  }
0x7b: {  	[spmem:s4] =	stream.indirect.scatter.add.f32 [tilespmem:s28], [sflag:$0x5], $0x80, s14, s20, $0xb8;
	[tilespmem:$0x1E300] =	vst v63  }
0x7c: {  	s6 =	smov.u32 s29;
	_ =	swait.ge [sflag:s17], $0x2800  }
0x7d: {  	s11 =	smov.u32 s30;
	s1 =	simm.s32 $0x1E;
	[sflag:s17] =	ssyncset.done $0x0  }
.LBB2_2:
0x7e: {  	[sflag:s17] =	ssyncadd.s32 $0xFFFFD800;
	s30 =	sadd.s32 s1, s12  }
0x7f: {  	[tilespmem:s25], [sflag:$0x5] =	stream.linear.gather [hbm4b:s30+s5], $0x50, $0x38;
	[tilespmem:$0x1E300] =	vst v63  }
0x80: {  	_ =	swait.ge [sflag:s17], $0x50  }
0x81: {  	s29 =	smov.u32 s1;
	[sflag:s17] =	ssyncset.done $0x0  }
0x82: {  	s0 =	sadd.s32 s29, s15;
	[sflag:s17] =	ssyncadd.s32 $0xFFFFFFB0  }
0x83: {  	[tilespmem:s14], [sflag:$0x5] =	stream.linear.gather [hbm4b:s0+s5], $0x50, $0x38;
	[tilespmem:$0x1E300] =	vst v63  }
0x84: {  	_ =	swait.ge [sflag:s17], $0x50  }
0x85: {  	[sflag:s17] =	ssyncset.done $0x0  }
0x86: {  	[sflag:s17] =	ssyncadd.s32 $0xFFFFFFB0  }
0x87: {  	_ =	swait.ge [sflag:s19], $0x2800  }
0x88: {  	[sflag:s19] =	ssyncset.done $0x0  }
0x89: {  	[sflag:s19] =	ssyncadd.s32 $0xFFFFD800  }
0x8a: {  	[tilespmem:s28], [sflag:$0x3] =	stream.indirect.gather [hbm4b:s2+s20], $0x80, s25, s20, $0xb8;
	[tilespmem:$0x1E300] =	vst v63  }
0x8b: {  	_ = 	snop  }
0x8c: {  	[spmem:s4] =	stream.indirect.scatter.add.f32 [tilespmem:s21], [sflag:$0x5], $0x80, s18, s20, $0xb8;
	[tilespmem:$0x1E300] =	vst v63  }
0x8d: {  	s8 =	sadd.s32 $0xF0, s8;
	_ =	swait.ge [sflag:s17], $0x2800  }
0x8e: {  	s30 =	sshrl.u32 s8, $0x3;
	[sflag:s17] =	ssyncset.done $0x0  }
0x8f: {  	s0 =	sadd.s32 s6, s30;
	[sflag:s17] =	ssyncadd.s32 $0xFFFFD800  }
0x90: {  	[tilespmem:s5], [sflag:$0x5] =	stream.linear.gather [hbm4b:s0+s5], $0x50, $0x38;
	[tilespmem:$0x1E300] =	vst v63  }
0x91: {  	_ =	swait.ge [sflag:s17], $0x50  }
0x92: {  	[sflag:s17] =	ssyncset.done $0x0  }
0x93: {  	s30 =	sadd.s32 s7, s30;
	[sflag:s17] =	ssyncadd.s32 $0xFFFFFFB0  }
0x94: {  	[tilespmem:s18], [sflag:$0x5] =	stream.linear.gather [hbm4b:s30+s5], $0x50, $0x38;
	[tilespmem:$0x1E300] =	vst v63  }
0x95: {  	_ =	swait.ge [sflag:s17], $0x50  }
0x96: {  	[sflag:s17] =	ssyncset.done $0x0  }
0x97: {  	[sflag:s17] =	ssyncadd.s32 $0xFFFFFFB0  }
0x98: {  	_ =	swait.ge [sflag:s31], $0x2800  }
0x99: {  	[sflag:s31] =	ssyncset.done $0x0  }
0x9a: {  	[sflag:s31] =	ssyncadd.s32 $0xFFFFD800  }
0x9b: {  	[tilespmem:s21], [sflag:$0x1] =	stream.indirect.gather [hbm4b:s2+s20], $0x80, s5, s20, $0xb8;
	[tilespmem:$0x1E300] =	vst v63  }
0x9c: {  	_ = 	snop  }
0x9d: {  	[spmem:s4] =	stream.indirect.scatter.add.f32 [tilespmem:s24], [sflag:$0x5], $0x80, s23, s20, $0xb8;
	[tilespmem:$0x1E300] =	vst v63  }
0x9e: {  	_ =	swait.ge [sflag:s17], $0x2800  }
0x9f: {  	[sflag:s17] =	ssyncset.done $0x0  }
0xa0: {  	s30 =	sadd.s32 s29, s11;
	[sflag:s17] =	ssyncadd.s32 $0xFFFFD800  }
0xa1: {  	[tilespmem:s22], [sflag:$0x5] =	stream.linear.gather [hbm4b:s30+s5], $0x50, $0x38;
	[tilespmem:$0x1E300] =	vst v63  }
0xa2: {  	_ =	swait.ge [sflag:s17], $0x50  }
0xa3: {  	s30 =	rddreg [dreg:$0x6];
	[sflag:s17] =	ssyncset.done $0x0  }
0xa4: {  	[sflag:s17] =	ssyncadd.s32 $0xFFFFFFB0;
	s0 =	sadd.s32 s29, s30  }
0xa5: {  	[tilespmem:s23], [sflag:$0x5] =	stream.linear.gather [hbm4b:s0+s5], $0x50, $0x38;
	[tilespmem:$0x1E300] =	vst v63  }
0xa6: {  	_ =	swait.ge [sflag:s17], $0x50  }
0xa7: {  	[sflag:s17] =	ssyncset.done $0x0  }
0xa8: {  	[sflag:s17] =	ssyncadd.s32 $0xFFFFFFB0  }
0xa9: {  	_ =	swait.ge [sflag:s26], $0x2800  }
0xaa: {  	[sflag:s26] =	ssyncset.done $0x0  }
0xab: {  	p0 =	sne.s32 s1, $0x4B0;
	[sflag:s26] =	ssyncadd.s32 $0xFFFFD800  }
0xac: {  	[tilespmem:s24], [sflag:$0x2] =	stream.indirect.gather [hbm4b:s2+s20], $0x80, s22, s20, $0xb8;
	[tilespmem:$0x1E300] =	vst v63  }
.Ltmp0:
0xad: {  	_ = 	snop;
	(pc) =	sbr.rel @p0 .LBB2_2-.Ltmp0, $4  }
0xae: {  	_ = 	snop  }
0xaf: {  	[spmem:s4] =	stream.indirect.scatter.add.f32 [tilespmem:s28], [sflag:$0x5], $0x80, s14, s20, $0xb8;
	[tilespmem:$0x1E300] =	vst v63  }
0xb0: {  	_ =	swait.ge [sflag:s17], $0x2800  }
0xb1: {  	s1 =	sadd.s32 $0x1E, s1;
	[sflag:s17] =	ssyncset.done $0x0  }
0xb2: {  	[sflag:s17] =	ssyncadd.s32 $0xFFFFD800  }
0xb3: {  	_ =	swait.ge [sflag:s19], $0x2800  }
0xb4: {  	[sflag:s19] =	ssyncset.done $0x0  }
0xb5: {  	[sflag:s19] =	ssyncadd.s32 $0xFFFFD800  }
0xb6: {  	[spmem:s4] =	stream.indirect.scatter.add.f32 [tilespmem:s21], [sflag:$0x5], $0x80, s18, s20, $0xb8;
	[tilespmem:$0x1E300] =	vst v63  }
0xb7: {  	_ =	swait.ge [sflag:s17], $0x2800  }
0xb8: {  	[sflag:s17] =	ssyncset.done $0x0  }
0xb9: {  	[sflag:s17] =	ssyncadd.s32 $0xFFFFD800  }
0xba: {  	_ =	swait.ge [sflag:s31], $0x2800  }
0xbb: {  	[sflag:s31] =	ssyncset.done $0x0  }
0xbc: {  	[sflag:s31] =	ssyncadd.s32 $0xFFFFD800  }
0xbd: {  	[spmem:s4] =	stream.indirect.scatter.add.f32 [tilespmem:s24], [sflag:$0x5], $0x80, s23, s20, $0xb8;
	[tilespmem:$0x1E300] =	vst v63  }
0xbe: {  	_ =	swait.ge [sflag:s17], $0x2800  }
0xbf: {  	[sflag:s17] =	ssyncset.done $0x0  }
0xc0: {  	[sflag:s17] =	ssyncadd.s32 $0xFFFFD800  }
0xc1: {  	[bflag:$0x0] =	sbarrier.arrive $0xFFFF  }
0xc2: {  	s1 =	sld [smem:$0x7F8]  }
0xc3: {  	s6 =	sld [smem:$0x7F9];
	_ =	sdelay $0x1  }
0xc4: {  	s0 =	rddreg [dreg:$0x11]  }
0xc5: {  	[hbm:s0], [sflag:s1] =	dma.local [spmem:s6], $0x2800  }
0xc6: {  	_ =	swait.ge [sflag:s17], $0x2800  }
0xc7: {  	[sflag:s17] =	ssyncset.done $0x0  }
0xc8: {  	s15 =	rddreg [dreg:$0xa];
	[sflag:s17] =	ssyncadd.s32 $0xFFFFD800  }
0xc9: {  	[spmem:s6], [sflag:s1] =	dma.local [hbm:s15], $0x2800  }
0xca: {  	_ =	swait.ge [sflag:s17], $0x2800  }
0xcb: {  	[sflag:s17] =	ssyncset.done $0x0  }
0xcc: {  	[sflag:s17] =	ssyncadd.s32 $0xFFFFD800  }
0xcd: {  	[bflag:$0x0] =	sbarrier.arrive $0xFFFF  }
0xce: {  	s29 =	simm.s32 $0x0;
	s30 =	rddreg [dreg:$0x12]  }
0xcf: {  	[tilespmem:s29], [sflag:$0x5] =	stream.linear.gather [hbm4b:s30+s29], $0x50, $0x38;
	[tilespmem:$0x1E300] =	vst v63  }
0xd0: {  	_ =	swait.ge [sflag:s17], $0x50  }
0xd1: {  	[sflag:s17] =	ssyncset.done $0x0  }
0xd2: {  	s6 =	rddreg [dreg:$0x13];
	[sflag:s17] =	ssyncadd.s32 $0xFFFFFFB0  }
0xd3: {  	[tilespmem:s18], [sflag:$0x5] =	stream.linear.gather [hbm4b:s6+s29], $0x50, $0x38;
	[tilespmem:$0x1E300] =	vst v63  }
0xd4: {  	_ =	swait.ge [sflag:s17], $0x50  }
0xd5: {  	[sflag:s17] =	ssyncset.done $0x0  }
0xd6: {  	[sflag:s17] =	ssyncadd.s32 $0xFFFFFFB0  }
0xd7: {  	[tilespmem:s21], [sflag:$0x1] =	stream.indirect.gather [hbm4b:s3+s20], $0x80, s29, s20, $0xb8;
	[tilespmem:$0x1E300] =	vst v63  }
0xd8: {  	s8 =	rddreg [dreg:$0x14]  }
0xd9: {  	[tilespmem:s22], [sflag:$0x5] =	stream.linear.gather [hbm4b:s8+s29], $0x50, $0x38;
	[tilespmem:$0x1E300] =	vst v63  }
0xda: {  	_ =	swait.ge [sflag:s17], $0x50  }
0xdb: {  	[sflag:s17] =	ssyncset.done $0x0  }
0xdc: {  	s11 =	rddreg [dreg:$0x15];
	[sflag:s17] =	ssyncadd.s32 $0xFFFFFFB0  }
0xdd: {  	[tilespmem:s23], [sflag:$0x5] =	stream.linear.gather [hbm4b:s11+s29], $0x50, $0x38;
	[tilespmem:$0x1E300] =	vst v63  }
0xde: {  	_ =	swait.ge [sflag:s17], $0x50  }
0xdf: {  	[sflag:s17] =	ssyncset.done $0x0;
	s15 =	sld [smem:$0x7FC]  }
0xe0: {  	[sflag:s17] =	ssyncadd.s32 $0xFFFFFFB0  }
0xe1: {  	[tilespmem:s24], [sflag:$0x2] =	stream.indirect.gather [hbm4b:s3+s20], $0x80, s22, s20, $0xb8;
	[tilespmem:$0x1E300] =	vst v63  }
0xe2: {  	s12 =	sadd.s32 $0x0, s15  }
0xe3: {  	[tilespmem:s25], [sflag:$0x5] =	stream.linear.gather [hbm4b:s12+s5], $0x50, $0x38;
	[tilespmem:$0x1E300] =	vst v63  }
0xe4: {  	_ =	swait.ge [sflag:s17], $0x50  }
0xe5: {  	s12 =	sld [smem:$0x7FB];
	_ =	sdelay $0x1  }
0xe6: {  	[sflag:s17] =	ssyncset.done $0x0  }
0xe7: {  	[sflag:s17] =	ssyncadd.s32 $0xFFFFFFB0;
	s29 =	sadd.s32 $0x0, s12  }
0xe8: {  	[tilespmem:s14], [sflag:$0x5] =	stream.linear.gather [hbm4b:s29+s5], $0x50, $0x38;
	[tilespmem:$0x1E300] =	vst v63  }
0xe9: {  	_ =	swait.ge [sflag:s17], $0x50  }
0xea: {  	[sflag:s17] =	ssyncset.done $0x0  }
0xeb: {  	[sflag:s17] =	ssyncadd.s32 $0xFFFFFFB0  }
0xec: {  	_ =	swait.ge [sflag:s19], $0x2800  }
0xed: {  	[sflag:s19] =	ssyncset.done $0x0  }
0xee: {  	[sflag:s19] =	ssyncadd.s32 $0xFFFFD800  }
0xef: {  	[tilespmem:s28], [sflag:$0x3] =	stream.indirect.gather [hbm4b:s3+s20], $0x80, s25, s20, $0xb8;
	[tilespmem:$0x1E300] =	vst v63  }
0xf0: {  	_ = 	snop  }
0xf1: {  	[spmem:s4] =	stream.indirect.scatter.add.f32 [tilespmem:s21], [sflag:$0x5], $0x80, s18, s20, $0xb8;
	[tilespmem:$0x1E300] =	vst v63  }
0xf2: {  	_ =	swait.ge [sflag:s17], $0x2800  }
0xf3: {  	s30 =	sld [smem:$0x7FA];
	_ =	sdelay $0x1  }
0xf4: {  	[sflag:s17] =	ssyncset.done $0x0;
	s6 =	rddreg [dreg:$0x9]  }
0xf5: {  	[sflag:s17] =	ssyncadd.s32 $0xFFFFD800;
	s8 =	sadd.s32 s6, s30  }
0xf6: {  	[tilespmem:s5], [sflag:$0x5] =	stream.linear.gather [hbm4b:s8+s5], $0x50, $0x38;
	[tilespmem:$0x1E300] =	vst v63  }
0xf7: {  	_ =	swait.ge [sflag:s17], $0x50  }
0xf8: {  	[sflag:s17] =	ssyncset.done $0x0  }
0xf9: {  	s11 =	sadd.s32 s9, s30;
	[sflag:s17] =	ssyncadd.s32 $0xFFFFFFB0  }
0xfa: {  	[tilespmem:s18], [sflag:$0x5] =	stream.linear.gather [hbm4b:s11+s5], $0x50, $0x38;
	[tilespmem:$0x1E300] =	vst v63  }
0xfb: {  	_ =	swait.ge [sflag:s17], $0x50  }
0xfc: {  	[sflag:s17] =	ssyncset.done $0x0  }
0xfd: {  	[sflag:s17] =	ssyncadd.s32 $0xFFFFFFB0  }
0xfe: {  	_ =	swait.ge [sflag:s31], $0x2800  }
0xff: {  	[sflag:s31] =	ssyncset.done $0x0  }
0x100: {  	[sflag:s31] =	ssyncadd.s32 $0xFFFFD800  }
0x101: {  	[tilespmem:s21], [sflag:$0x1] =	stream.indirect.gather [hbm4b:s3+s20], $0x80, s5, s20, $0xb8;
	[tilespmem:$0x1E300] =	vst v63  }
0x102: {  	_ = 	snop  }
0x103: {  	[spmem:s4] =	stream.indirect.scatter.add.f32 [tilespmem:s24], [sflag:$0x5], $0x80, s23, s20, $0xb8;
	[tilespmem:$0x1E300] =	vst v63  }
0x104: {  	_ =	swait.ge [sflag:s17], $0x2800  }
0x105: {  	[sflag:s17] =	ssyncset.done $0x0;
	s11 =	rddreg [dreg:$0x1d]  }
0x106: {  	[sflag:s17] =	ssyncadd.s32 $0xFFFFD800;
	s29 =	sadd.s32 $0x0, s11  }
0x107: {  	[tilespmem:s22], [sflag:$0x5] =	stream.linear.gather [hbm4b:s29+s5], $0x50, $0x38;
	[tilespmem:$0x1E300] =	vst v63  }
0x108: {  	_ =	swait.ge [sflag:s17], $0x50  }
0x109: {  	s30 =	rddreg [dreg:$0x7];
	[sflag:s17] =	ssyncset.done $0x0  }
0x10a: {  	[sflag:s17] =	ssyncadd.s32 $0xFFFFFFB0;
	s0 =	sadd.s32 $0x0, s30  }
0x10b: {  	[tilespmem:s23], [sflag:$0x5] =	stream.linear.gather [hbm4b:s0+s5], $0x50, $0x38;
	[tilespmem:$0x1E300] =	vst v63  }
0x10c: {  	_ =	swait.ge [sflag:s17], $0x50  }
0x10d: {  	[sflag:s17] =	ssyncset.done $0x0  }
0x10e: {  	[sflag:s17] =	ssyncadd.s32 $0xFFFFFFB0  }
0x10f: {  	_ =	swait.ge [sflag:s26], $0x2800  }
0x110: {  	[sflag:s26] =	ssyncset.done $0x0  }
0x111: {  	[sflag:s26] =	ssyncadd.s32 $0xFFFFD800  }
0x112: {  	[tilespmem:s24], [sflag:$0x2] =	stream.indirect.gather [hbm4b:s3+s20], $0x80, s22, s20, $0xb8;
	[tilespmem:$0x1E300] =	vst v63  }
0x113: {  	_ = 	snop  }
0x114: {  	[spmem:s4] =	stream.indirect.scatter.add.f32 [tilespmem:s28], [sflag:$0x5], $0x80, s14, s20, $0xb8;
	[tilespmem:$0x1E300] =	vst v63  }
0x115: {  	_ =	swait.ge [sflag:s17], $0x2800  }
0x116: {  	s1 =	simm.s32 $0x1E;
	[sflag:s17] =	ssyncset.done $0x0;
	s8 =	rddreg [dreg:$0x1a]  }
.LBB2_4:
0x117: {  	[sflag:s17] =	ssyncadd.s32 $0xFFFFD800;
	s0 =	sadd.s32 s1, s15  }
0x118: {  	[tilespmem:s25], [sflag:$0x5] =	stream.linear.gather [hbm4b:s0+s5], $0x50, $0x38;
	[tilespmem:$0x1E300] =	vst v63  }
0x119: {  	_ =	swait.ge [sflag:s17], $0x50  }
0x11a: {  	s29 =	smov.u32 s1;
	[sflag:s17] =	ssyncset.done $0x0  }
0x11b: {  	s30 =	sadd.s32 s29, s12;
	[sflag:s17] =	ssyncadd.s32 $0xFFFFFFB0  }
0x11c: {  	[tilespmem:s14], [sflag:$0x5] =	stream.linear.gather [hbm4b:s30+s5], $0x50, $0x38;
	[tilespmem:$0x1E300] =	vst v63  }
0x11d: {  	_ =	swait.ge [sflag:s17], $0x50  }
0x11e: {  	[sflag:s17] =	ssyncset.done $0x0  }
0x11f: {  	[sflag:s17] =	ssyncadd.s32 $0xFFFFFFB0  }
0x120: {  	_ =	swait.ge [sflag:s19], $0x2800  }
0x121: {  	[sflag:s19] =	ssyncset.done $0x0  }
0x122: {  	[sflag:s19] =	ssyncadd.s32 $0xFFFFD800  }
0x123: {  	[tilespmem:s28], [sflag:$0x3] =	stream.indirect.gather [hbm4b:s3+s20], $0x80, s25, s20, $0xb8;
	[tilespmem:$0x1E300] =	vst v63  }
0x124: {  	_ = 	snop  }
0x125: {  	[spmem:s4] =	stream.indirect.scatter.add.f32 [tilespmem:s21], [sflag:$0x5], $0x80, s18, s20, $0xb8;
	[tilespmem:$0x1E300] =	vst v63  }
0x126: {  	s8 =	sadd.s32 $0xF0, s8;
	_ =	swait.ge [sflag:s17], $0x2800  }
0x127: {  	s0 =	sshrl.u32 s8, $0x3;
	[sflag:s17] =	ssyncset.done $0x0  }
0x128: {  	s30 =	sadd.s32 s6, s0;
	[sflag:s17] =	ssyncadd.s32 $0xFFFFD800  }
0x129: {  	[tilespmem:s5], [sflag:$0x5] =	stream.linear.gather [hbm4b:s30+s5], $0x50, $0x38;
	[tilespmem:$0x1E300] =	vst v63  }
0x12a: {  	_ =	swait.ge [sflag:s17], $0x50  }
0x12b: {  	[sflag:s17] =	ssyncset.done $0x0  }
0x12c: {  	s0 =	sadd.s32 s9, s0;
	[sflag:s17] =	ssyncadd.s32 $0xFFFFFFB0  }
0x12d: {  	[tilespmem:s18], [sflag:$0x5] =	stream.linear.gather [hbm4b:s0+s5], $0x50, $0x38;
	[tilespmem:$0x1E300] =	vst v63  }
0x12e: {  	_ =	swait.ge [sflag:s17], $0x50  }
0x12f: {  	[sflag:s17] =	ssyncset.done $0x0  }
0x130: {  	[sflag:s17] =	ssyncadd.s32 $0xFFFFFFB0  }
0x131: {  	_ =	swait.ge [sflag:s31], $0x2800  }
0x132: {  	[sflag:s31] =	ssyncset.done $0x0  }
0x133: {  	[sflag:s31] =	ssyncadd.s32 $0xFFFFD800  }
0x134: {  	[tilespmem:s21], [sflag:$0x1] =	stream.indirect.gather [hbm4b:s3+s20], $0x80, s5, s20, $0xb8;
	[tilespmem:$0x1E300] =	vst v63  }
0x135: {  	_ = 	snop  }
0x136: {  	[spmem:s4] =	stream.indirect.scatter.add.f32 [tilespmem:s24], [sflag:$0x5], $0x80, s23, s20, $0xb8;
	[tilespmem:$0x1E300] =	vst v63  }
0x137: {  	_ =	swait.ge [sflag:s17], $0x2800  }
0x138: {  	[sflag:s17] =	ssyncset.done $0x0  }
0x139: {  	s30 =	sadd.s32 s29, s11;
	[sflag:s17] =	ssyncadd.s32 $0xFFFFD800  }
0x13a: {  	[tilespmem:s22], [sflag:$0x5] =	stream.linear.gather [hbm4b:s30+s5], $0x50, $0x38;
	[tilespmem:$0x1E300] =	vst v63  }
0x13b: {  	_ =	swait.ge [sflag:s17], $0x50  }
0x13c: {  	s30 =	rddreg [dreg:$0x7];
	[sflag:s17] =	ssyncset.done $0x0  }
0x13d: {  	[sflag:s17] =	ssyncadd.s32 $0xFFFFFFB0;
	s0 =	sadd.s32 s29, s30  }
0x13e: {  	[tilespmem:s23], [sflag:$0x5] =	stream.linear.gather [hbm4b:s0+s5], $0x50, $0x38;
	[tilespmem:$0x1E300] =	vst v63  }
0x13f: {  	_ =	swait.ge [sflag:s17], $0x50  }
0x140: {  	[sflag:s17] =	ssyncset.done $0x0  }
0x141: {  	[sflag:s17] =	ssyncadd.s32 $0xFFFFFFB0  }
0x142: {  	_ =	swait.ge [sflag:s26], $0x2800  }
0x143: {  	[sflag:s26] =	ssyncset.done $0x0  }
0x144: {  	p0 =	sne.s32 s1, $0x4B0;
	[sflag:s26] =	ssyncadd.s32 $0xFFFFD800  }
0x145: {  	[tilespmem:s24], [sflag:$0x2] =	stream.indirect.gather [hbm4b:s3+s20], $0x80, s22, s20, $0xb8;
	[tilespmem:$0x1E300] =	vst v63  }
.Ltmp1:
0x146: {  	_ = 	snop;
	(pc) =	sbr.rel @p0 .LBB2_4-.Ltmp1, $4  }
0x147: {  	_ = 	snop  }
0x148: {  	[spmem:s4] =	stream.indirect.scatter.add.f32 [tilespmem:s28], [sflag:$0x5], $0x80, s14, s20, $0xb8;
	[tilespmem:$0x1E300] =	vst v63  }
0x149: {  	_ =	swait.ge [sflag:s17], $0x2800  }
0x14a: {  	s1 =	sadd.s32 $0x1E, s1;
	[sflag:s17] =	ssyncset.done $0x0  }
0x14b: {  	[sflag:s17] =	ssyncadd.s32 $0xFFFFD800  }
0x14c: {  	_ =	swait.ge [sflag:s19], $0x2800  }
0x14d: {  	[sflag:s19] =	ssyncset.done $0x0  }
0x14e: {  	[sflag:s19] =	ssyncadd.s32 $0xFFFFD800  }
0x14f: {  	[spmem:s4] =	stream.indirect.scatter.add.f32 [tilespmem:s21], [sflag:$0x5], $0x80, s18, s20, $0xb8;
	[tilespmem:$0x1E300] =	vst v63  }
0x150: {  	_ =	swait.ge [sflag:s17], $0x2800  }
0x151: {  	[sflag:s17] =	ssyncset.done $0x0  }
0x152: {  	[sflag:s17] =	ssyncadd.s32 $0xFFFFD800  }
0x153: {  	_ =	swait.ge [sflag:s31], $0x2800  }
0x154: {  	[sflag:s31] =	ssyncset.done $0x0  }
0x155: {  	[sflag:s31] =	ssyncadd.s32 $0xFFFFD800  }
0x156: {  	[spmem:s4] =	stream.indirect.scatter.add.f32 [tilespmem:s24], [sflag:$0x5], $0x80, s23, s20, $0xb8;
	[tilespmem:$0x1E300] =	vst v63  }
0x157: {  	_ =	swait.ge [sflag:s17], $0x2800  }
0x158: {  	[sflag:s17] =	ssyncset.done $0x0  }
0x159: {  	[sflag:s17] =	ssyncadd.s32 $0xFFFFD800  }
0x15a: {  	[bflag:$0x0] =	sbarrier.arrive $0xFFFF  }
0x15b: {  	s12 =	sld [smem:$0x7F8]  }
0x15c: {  	s15 =	sld [smem:$0x7F9];
	_ =	sdelay $0x1  }
0x15d: {  	s0 =	rddreg [dreg:$0x16]  }
0x15e: {  	[hbm:s0], [sflag:s12] =	dma.local [spmem:s15], $0x2800  }
0x15f: {  	_ =	swait.ge [sflag:s17], $0x2800  }
0x160: {  	[sflag:s17] =	ssyncset.done $0x0  }
0x161: {  	s8 =	rddreg [dreg:$0xa];
	[sflag:s17] =	ssyncadd.s32 $0xFFFFD800  }
0x162: {  	[spmem:s15], [sflag:s12] =	dma.local [hbm:s8], $0x2800  }
0x163: {  	_ =	swait.ge [sflag:s17], $0x2800  }
0x164: {  	[sflag:s17] =	ssyncset.done $0x0  }
0x165: {  	[sflag:s17] =	ssyncadd.s32 $0xFFFFD800  }
0x166: {  	[bflag:$0x0] =	sbarrier.arrive $0xFFFF  }
0x167: {  	s11 =	simm.s32 $0x0;
	s1 =	rddreg [dreg:$0xe]  }
0x168: {  	[tilespmem:s18], [sflag:$0x5] =	stream.linear.gather [hbm4b:s1+s11], $0x50, $0x38;
	[tilespmem:$0x1E300] =	vst v63  }
0x169: {  	_ =	swait.ge [sflag:s17], $0x50  }
0x16a: {  	[sflag:s17] =	ssyncset.done $0x0;
	s30 =	rddreg [dreg:$0x8]  }
0x16b: {  	[sflag:s17] =	ssyncadd.s32 $0xFFFFFFB0;
	s6 =	sadd.s32 $0x0, s30  }
0x16c: {  	[tilespmem:s23], [sflag:$0x4] =	stream.linear.gather [hbm4b:s6+s5], $0x50, $0x38;
	[tilespmem:$0x1E300] =	vst v63  }
0x16d: {  	_ = 	snop  }
0x16e: {  	[spmem:s4] =	stream.indirect.scatter.add.f32 [tilespmem:s16], [sflag:$0x5], $0x80, s18, s20, $0xb8;
	[tilespmem:$0x1E300] =	vst v63  }
0x16f: {  	_ =	swait.ge [sflag:s17], $0x2800  }
0x170: {  	[sflag:s17] =	ssyncset.done $0x0  }
0x171: {  	[sflag:s17] =	ssyncadd.s32 $0xFFFFD800  }
0x172: {  	_ =	swait.ge [sflag:s10], $0x50  }
0x173: {  	[sflag:s10] =	ssyncset.done $0x0;
	s8 =	rddreg [dreg:$0x1e]  }
0x174: {  	[sflag:s10] =	ssyncadd.s32 $0xFFFFFFB0;
	s0 =	sadd.s32 s7, s8  }
0x175: {  	[tilespmem:s18], [sflag:$0x4] =	stream.linear.gather [hbm4b:s0+s5], $0x50, $0x38;
	[tilespmem:$0x1E300] =	vst v63  }
0x176: {  	_ = 	snop  }
0x177: {  	[spmem:s4] =	stream.indirect.scatter.add.f32 [tilespmem:s16], [sflag:$0x5], $0x80, s23, s20, $0xb8;
	[tilespmem:$0x1E300] =	vst v63  }
0x178: {  	_ =	swait.ge [sflag:s17], $0x2800  }
0x179: {  	[sflag:s17] =	ssyncset.done $0x0  }
0x17a: {  	[sflag:s17] =	ssyncadd.s32 $0xFFFFD800  }
0x17b: {  	_ =	swait.ge [sflag:s10], $0x50  }
0x17c: {  	s29 =	simm.s32 $0x28;
	s11 =	rddreg [dreg:$0x1b]  }
0x17d: {  	s8 =	simm.s32 $0x14;
	[sflag:s10] =	ssyncset.done $0x0;
	s1 =	sadd.s32 $0xA0, s11  }
.LBB2_6:
0x17e: {  	s0 =	sadd.s32 s8, s30;
	[sflag:s10] =	ssyncadd.s32 $0xFFFFFFB0  }
0x17f: {  	[tilespmem:s23], [sflag:$0x4] =	stream.linear.gather [hbm4b:s0+s5], $0x50, $0x38;
	[tilespmem:$0x1E300] =	vst v63  }
0x180: {  	_ = 	snop  }
0x181: {  	[spmem:s4] =	stream.indirect.scatter.add.f32 [tilespmem:s16], [sflag:$0x5], $0x80, s18, s20, $0xb8;
	[tilespmem:$0x1E300] =	vst v63  }
0x182: {  	_ =	swait.ge [sflag:s17], $0x2800  }
0x183: {  	[sflag:s17] =	ssyncset.done $0x0  }
0x184: {  	[sflag:s17] =	ssyncadd.s32 $0xFFFFD800  }
0x185: {  	_ =	swait.ge [sflag:s10], $0x50  }
0x186: {  	s11 =	sshrl.u32 s1, $0x3;
	[sflag:s10] =	ssyncset.done $0x0  }
0x187: {  	s0 =	sadd.s32 s7, s11;
	[sflag:s10] =	ssyncadd.s32 $0xFFFFFFB0  }
0x188: {  	[tilespmem:s18], [sflag:$0x4] =	stream.linear.gather [hbm4b:s0+s5], $0x50, $0x38;
	[tilespmem:$0x1E300] =	vst v63  }
0x189: {  	p0 =	sne.s32 s29, $0x4C4  }
0x18a: {  	[spmem:s4] =	stream.indirect.scatter.add.f32 [tilespmem:s16], [sflag:$0x5], $0x80, s23, s20, $0xb8;
	[tilespmem:$0x1E300] =	vst v63  }
.Ltmp2:
0x18b: {  	_ =	swait.ge [sflag:s17], $0x2800;
	(pc) =	sbr.rel @p0 .LBB2_6-.Ltmp2, $4  }
0x18c: {  	[sflag:s17] =	ssyncset.done $0x0  }
0x18d: {  	s8 =	smov.u32 s29;
	[sflag:s17] =	ssyncadd.s32 $0xFFFFD800  }
0x18e: {  	s30 =	sadd.s32 $0x14, s29;
	s1 =	sadd.s32 $0xA0, s1;
	_ =	swait.ge [sflag:s10], $0x50  }
0x18f: {  	s29 =	smov.u32 s30;
	[sflag:s10] =	ssyncset.done $0x0;
	s30 =	rddreg [dreg:$0x8]  }
0x190: {  	s0 =	sadd.s32 s8, s30;
	[sflag:s10] =	ssyncadd.s32 $0xFFFFFFB0  }
0x191: {  	[tilespmem:s23], [sflag:$0x4] =	stream.linear.gather [hbm4b:s0+s5], $0x50, $0x38;
	[tilespmem:$0x1E300] =	vst v63  }
0x192: {  	_ = 	snop  }
0x193: {  	[spmem:s4] =	stream.indirect.scatter.add.f32 [tilespmem:s16], [sflag:$0x5], $0x80, s18, s20, $0xb8;
	[tilespmem:$0x1E300] =	vst v63  }
0x194: {  	_ =	swait.ge [sflag:s17], $0x2800  }
0x195: {  	[sflag:s17] =	ssyncset.done $0x0  }
0x196: {  	[sflag:s17] =	ssyncadd.s32 $0xFFFFD800  }
0x197: {  	_ =	swait.ge [sflag:s10], $0x50  }
0x198: {  	s11 =	sshrl.u32 s1, $0x3;
	[sflag:s10] =	ssyncset.done $0x0  }
0x199: {  	s0 =	sadd.s32 s7, s11;
	[sflag:s10] =	ssyncadd.s32 $0xFFFFFFB0  }
0x19a: {  	[tilespmem:s18], [sflag:$0x4] =	stream.linear.gather [hbm4b:s0+s5], $0x50, $0x38;
	[tilespmem:$0x1E300] =	vst v63  }
0x19b: {  	_ = 	snop  }
0x19c: {  	[spmem:s4] =	stream.indirect.scatter.add.f32 [tilespmem:s16], [sflag:$0x5], $0x80, s23, s20, $0xb8;
	[tilespmem:$0x1E300] =	vst v63  }
0x19d: {  	_ =	swait.ge [sflag:s17], $0x2800  }
0x19e: {  	[sflag:s17] =	ssyncset.done $0x0  }
0x19f: {  	[sflag:s17] =	ssyncadd.s32 $0xFFFFD800  }
0x1a0: {  	_ =	swait.ge [sflag:s10], $0x50  }
0x1a1: {  	[sflag:s10] =	ssyncset.done $0x0  }
0x1a2: {  	[sflag:s10] =	ssyncadd.s32 $0xFFFFFFB0  }
0x1a3: {  	[spmem:s4] =	stream.indirect.scatter.add.f32 [tilespmem:s16], [sflag:$0x5], $0x80, s18, s20, $0xb8;
	[tilespmem:$0x1E300] =	vst v63  }
0x1a4: {  	_ =	swait.ge [sflag:s17], $0x2800  }
0x1a5: {  	[sflag:s17] =	ssyncset.done $0x0  }
0x1a6: {  	[sflag:s17] =	ssyncadd.s32 $0xFFFFD800  }
0x1a7: {  	[bflag:$0x0] =	sbarrier.arrive $0xFFFF  }
0x1a8: {  	s1 =	rddreg [dreg:$0x17]  }
0x1a9: {  	[hbm:s1], [sflag:s12] =	dma.local [spmem:s15], $0x2800  }
0x1aa: {  	_ =	swait.ge [sflag:s17], $0x2800  }
0x1ab: {  	[sflag:s17] =	ssyncset.done $0x0  }
0x1ac: {  	s6 =	rddreg [dreg:$0xa];
	[sflag:s17] =	ssyncadd.s32 $0xFFFFD800  }
0x1ad: {  	[spmem:s15], [sflag:s12] =	dma.local [hbm:s6], $0x2800  }
0x1ae: {  	_ =	swait.ge [sflag:s17], $0x2800  }
0x1af: {  	[sflag:s17] =	ssyncset.done $0x0  }
0x1b0: {  	[sflag:s17] =	ssyncadd.s32 $0xFFFFD800  }
0x1b1: {  	[bflag:$0x0] =	sbarrier.arrive $0xFFFF  }
0x1b2: {  	s8 =	simm.s32 $0x0;
	s11 =	rddreg [dreg:$0x13]  }
0x1b3: {  	[tilespmem:s18], [sflag:$0x5] =	stream.linear.gather [hbm4b:s11+s8], $0x50, $0x38;
	[tilespmem:$0x1E300] =	vst v63  }
0x1b4: {  	_ =	swait.ge [sflag:s17], $0x50  }
0x1b5: {  	[sflag:s17] =	ssyncset.done $0x0  }
0x1b6: {  	s6 =	sadd.s32 $0x0, s13;
	[sflag:s17] =	ssyncadd.s32 $0xFFFFFFB0  }
0x1b7: {  	[tilespmem:s23], [sflag:$0x4] =	stream.linear.gather [hbm4b:s6+s5], $0x50, $0x38;
	[tilespmem:$0x1E300] =	vst v63  }
0x1b8: {  	_ = 	snop  }
0x1b9: {  	[spmem:s4] =	stream.indirect.scatter.add.f32 [tilespmem:s16], [sflag:$0x5], $0x80, s18, s20, $0xb8;
	[tilespmem:$0x1E300] =	vst v63  }
0x1ba: {  	_ =	swait.ge [sflag:s17], $0x2800  }
0x1bb: {  	[sflag:s17] =	ssyncset.done $0x0  }
0x1bc: {  	[sflag:s17] =	ssyncadd.s32 $0xFFFFD800  }
0x1bd: {  	_ =	swait.ge [sflag:s10], $0x50  }
0x1be: {  	[sflag:s10] =	ssyncset.done $0x0;
	s8 =	rddreg [dreg:$0x1e]  }
0x1bf: {  	[sflag:s10] =	ssyncadd.s32 $0xFFFFFFB0;
	s0 =	sadd.s32 s9, s8  }
0x1c0: {  	[tilespmem:s18], [sflag:$0x4] =	stream.linear.gather [hbm4b:s0+s5], $0x50, $0x38;
	[tilespmem:$0x1E300] =	vst v63  }
0x1c1: {  	_ = 	snop  }
0x1c2: {  	[spmem:s4] =	stream.indirect.scatter.add.f32 [tilespmem:s16], [sflag:$0x5], $0x80, s23, s20, $0xb8;
	[tilespmem:$0x1E300] =	vst v63  }
0x1c3: {  	_ =	swait.ge [sflag:s17], $0x2800  }
0x1c4: {  	[sflag:s17] =	ssyncset.done $0x0  }
0x1c5: {  	[sflag:s17] =	ssyncadd.s32 $0xFFFFD800  }
0x1c6: {  	_ =	swait.ge [sflag:s10], $0x50  }
0x1c7: {  	s30 =	smov.u32 s13;
	s29 =	simm.s32 $0x28;
	s11 =	rddreg [dreg:$0x1b]  }
0x1c8: {  	s8 =	simm.s32 $0x14;
	[sflag:s10] =	ssyncset.done $0x0;
	s1 =	sadd.s32 $0xA0, s11  }
.LBB2_8:
0x1c9: {  	s0 =	sadd.s32 s8, s30  }
0x1ca: {  	[sflag:s10] =	ssyncadd.s32 $0xFFFFFFB0;
	s8 =	smov.u32 s29;
	s30 =	sadd.s32 $0x14, s29  }
0x1cb: {  	[tilespmem:s23], [sflag:$0x4] =	stream.linear.gather [hbm4b:s0+s5], $0x50, $0x38;
	[tilespmem:$0x1E300] =	vst v63  }
0x1cc: {  	p0 =	sne.s32 s29, $0x4C4  }
0x1cd: {  	[spmem:s4] =	stream.indirect.scatter.add.f32 [tilespmem:s16], [sflag:$0x5], $0x80, s18, s20, $0xb8;
	[tilespmem:$0x1E300] =	vst v63  }
0x1ce: {  	_ =	swait.ge [sflag:s17], $0x2800  }
0x1cf: {  	[sflag:s17] =	ssyncset.done $0x0  }
0x1d0: {  	[sflag:s17] =	ssyncadd.s32 $0xFFFFD800  }
0x1d1: {  	_ =	swait.ge [sflag:s10], $0x50  }
0x1d2: {  	s0 =	sshrl.u32 s1, $0x3;
	[sflag:s10] =	ssyncset.done $0x0  }
0x1d3: {  	s0 =	sadd.s32 s9, s0;
	[sflag:s10] =	ssyncadd.s32 $0xFFFFFFB0  }
0x1d4: {  	[tilespmem:s18], [sflag:$0x4] =	stream.linear.gather [hbm4b:s0+s5], $0x50, $0x38;
	[tilespmem:$0x1E300] =	vst v63  }
0x1d5: {  	_ = 	snop  }
0x1d6: {  	[spmem:s4] =	stream.indirect.scatter.add.f32 [tilespmem:s16], [sflag:$0x5], $0x80, s23, s20, $0xb8;
	[tilespmem:$0x1E300] =	vst v63  }
.Ltmp3:
0x1d7: {  	_ =	swait.ge [sflag:s17], $0x2800;
	(pc) =	sbr.rel @p0 .LBB2_8-.Ltmp3, $4  }
0x1d8: {  	[sflag:s17] =	ssyncset.done $0x0  }
0x1d9: {  	[sflag:s17] =	ssyncadd.s32 $0xFFFFD800  }
0x1da: {  	s1 =	sadd.s32 $0xA0, s1;
	_ =	swait.ge [sflag:s10], $0x50  }
0x1db: {  	s29 =	smov.u32 s30;
	s30 =	smov.u32 s13;
	[sflag:s10] =	ssyncset.done $0x0  }
0x1dc: {  	s0 =	sadd.s32 s8, s30;
	[sflag:s10] =	ssyncadd.s32 $0xFFFFFFB0  }
0x1dd: {  	[tilespmem:s23], [sflag:$0x4] =	stream.linear.gather [hbm4b:s0+s5], $0x50, $0x38;
	[tilespmem:$0x1E300] =	vst v63  }
0x1de: {  	_ = 	snop  }
0x1df: {  	[spmem:s4] =	stream.indirect.scatter.add.f32 [tilespmem:s16], [sflag:$0x5], $0x80, s18, s20, $0xb8;
	[tilespmem:$0x1E300] =	vst v63  }
0x1e0: {  	_ =	swait.ge [sflag:s17], $0x2800  }
0x1e1: {  	[sflag:s17] =	ssyncset.done $0x0  }
0x1e2: {  	[sflag:s17] =	ssyncadd.s32 $0xFFFFD800  }
0x1e3: {  	_ =	swait.ge [sflag:s10], $0x50  }
0x1e4: {  	s8 =	sshrl.u32 s1, $0x3;
	[sflag:s10] =	ssyncset.done $0x0  }
0x1e5: {  	s0 =	sadd.s32 s9, s8;
	[sflag:s10] =	ssyncadd.s32 $0xFFFFFFB0  }
0x1e6: {  	[tilespmem:s18], [sflag:$0x4] =	stream.linear.gather [hbm4b:s0+s5], $0x50, $0x38;
	[tilespmem:$0x1E300] =	vst v63  }
0x1e7: {  	_ = 	snop  }
0x1e8: {  	[spmem:s4] =	stream.indirect.scatter.add.f32 [tilespmem:s16], [sflag:$0x5], $0x80, s23, s20, $0xb8;
	[tilespmem:$0x1E300] =	vst v63  }
0x1e9: {  	_ =	swait.ge [sflag:s17], $0x2800  }
0x1ea: {  	[sflag:s17] =	ssyncset.done $0x0  }
0x1eb: {  	[sflag:s17] =	ssyncadd.s32 $0xFFFFD800  }
0x1ec: {  	_ =	swait.ge [sflag:s10], $0x50  }
0x1ed: {  	[sflag:s10] =	ssyncset.done $0x0  }
0x1ee: {  	[sflag:s10] =	ssyncadd.s32 $0xFFFFFFB0  }
0x1ef: {  	[spmem:s4] =	stream.indirect.scatter.add.f32 [tilespmem:s16], [sflag:$0x5], $0x80, s18, s20, $0xb8;
	[tilespmem:$0x1E300] =	vst v63  }
0x1f0: {  	_ =	swait.ge [sflag:s17], $0x2800  }
0x1f1: {  	[sflag:s17] =	ssyncset.done $0x0  }
0x1f2: {  	[sflag:s17] =	ssyncadd.s32 $0xFFFFD800  }
0x1f3: {  	[bflag:$0x0] =	sbarrier.arrive $0xFFFF  }
0x1f4: {  	s11 =	rddreg [dreg:$0x18]  }
0x1f5: {  	[hbm:s11], [sflag:s12] =	dma.local [spmem:s15], $0x2800  }
0x1f6: {  	_ =	swait.ge [sflag:s17], $0x2800  }
0x1f7: {  	s12 =	sld [smem:$0x7F7];
	_ =	sdelay $0x2  }
0x1f8: {  	s15 =	rddreg [dreg:$0x19];
	s1 =	sadd.s32 $0x1, s12  }
0x1f9: {  	p0 =	sne.s32 s1, s15  }
.Ltmp4:
0x1fa: {  	_ = 	snop;
	(pc) =	sbr.rel @p0 .LBB2_1-.Ltmp4, $4  }
0x1fb: {  	[sflag:s17] =	ssyncset.done $0x0;
	s30 =	rddreg [dreg:$0x1c]  }
0x1fc: {  	[sflag:s17] =	ssyncadd.s32 $0xFFFFD800;
	s12 =	sld [smem:$0x7FD]  }
0x1fd: {  	s29 =	rddreg [dreg:$0x0]  }
0x1fe: {  	s15 =	rddreg [dreg:$0x1f]  }
0x1ff: {  	_ =	sfence.sel $0x180000  }
0x200: {  	[bflag:$0x0] =	sbarrier.arrive $0xFFFF  }
0x201: {  	_ =	strace $0x90000047  }
0x202: {  	s0 =	stileid.u32;
	[bflag:$0x2] =	sbarrier.arrive $0xFFFF  }
0x203: {  	p0 =	sne.s32 s0, $0x0;
	s0 =	rddreg [dreg:$0x5]  }
0x204: {  	s0 =	sadd.s32 @!p0 $0x100000, s0  }
0x205: {  	[sflag:s0] =	ssyncadd.tile.s32 @!p0 $0x1;
	_ =	shalt  }
.Lfunc_end2:
_tile_overlayer_lowered:
.L_overlay_start_2:
0x206: {  	(tag) =	ssettag $0x2  }
0x207: {  	s0 =	rddreg [dreg:$0x0];
	s2 =	stileid.u32  }
0x208: {  	s1 =	rddreg [dreg:$0x1];
	p0 =	sne.s32 s2, $0x0  }
0x209: {  	s3 =	rddreg [dreg:$0x2];
	[bflag:$0x3] =	sbarrier.arrive $0xFFFF;
	s2 =	simm.s32 @!p0 $0x1C05  }
0x20a: {  	[timem:s3], [sflag:s2] =	dma.local @!p0 [hbm:s0], s1  }
0x20b: {  	s0 =	simm.s32 @!p0 $0x5  }
0x20c: {  	_ =	swait.ge @!p0 [sflag:s0], s1  }
0x20d: {  	s1 =	ssub.s32 @!p0 $0x0, s1;
	[sflag:s0] =	ssyncset.done @!p0 $0x0  }
0x20e: {  	[sflag:s0] =	ssyncadd.s32 @!p0 s1  }
0x20f: {  	[bflag:$0x3] =	sbarrier.arrive $0xFFFF  }
0x210: {  	_ =	shalt  }

</sc_bundles>
